<compile_context>
chip_gen: v7x
topology: tpu7x:2x2x1
jax: 0.10.2.dev20260603
libtpu: 0.0.44.dev20260713+nightly
codegen_flags: <defaults>
</compile_context>

<pallas_src>
import functools

import jax
import jax.numpy as jnp
from jax import lax
from jax.experimental import pallas as pl
from jax.experimental.pallas import tpu as pltpu
from jax.experimental.pallas import tpu_sc as plsc

VOCAB = 1000000
D = 64
B = 4096
L = 200
PAD = 0

NC = 2
NS = 16
NW = NC * NS
BT = 128
DT = 8


NBUF = 4
GROUPS = L // NBUF


def _gather_body(tokT_hbm, table_hbm, out_hbm, idx_v, rows_v, stage_v,
                 isems, gsems, wsems):
    w = lax.axis_index("s") * NC + lax.axis_index("c")
    b0 = w * BT
    iota16 = lax.iota(jnp.int32, 16)

    def idx_copy_async(l, par):
        pltpu.async_copy(tokT_hbm.at[l, pl.ds(b0, BT)], idx_v[par], isems[par])

    def wait_idx(par):
        pltpu.make_async_copy(
            tokT_hbm.at[0, pl.ds(b0, BT)], idx_v[par], isems[par]
        ).wait()

    def start_gather(par):
        pltpu.async_copy(table_hbm.at[idx_v[par]], rows_v[par], gsems[par])

    def wait_gather(par):
        pltpu.make_async_copy(
            table_hbm.at[idx_v[par]], rows_v[par], gsems[par]
        ).wait()

    def start_write(l, par):
        pltpu.async_copy(
            stage_v[par].at[:, :, pl.ds(0, BT)], out_hbm.at[l, :, w], wsems[par]
        )

    def wait_write(par):
        pltpu.make_async_copy(
            stage_v[par].at[:, :, pl.ds(0, BT)], out_hbm.at[0, :, 0], wsems[par]
        ).wait()

    dt_idx = [(16 * q + iota16) // 8 for q in range(D // 16)]
    s_idx = [(16 * q + iota16) % 8 for q in range(D // 16)]

    def transpose(par):
        rows = rows_v[par]
        stage = stage_v[par]

        def c_step(cc, carry):
            c0 = cc * 8
            bls = [jnp.full((16,), 0, jnp.int32) + (c0 + j) for j in range(8)]
            vs = [
                rows[c0 + j, pl.ds(16 * q, 16)]
                for j in range(8)
                for q in range(D // 16)
            ]
            for j in range(8):
                for q in range(D // 16):
                    plsc.store_scatter(
                        stage, [dt_idx[q], s_idx[q], bls[j]], vs[j * (D // 16) + q]
                    )
            return carry

        lax.fori_loop(0, BT // 8, c_step, 0)

    for par in range(NBUF):
        idx_copy_async(par, par)
    for par in range(NBUF):
        wait_idx(par)
        start_gather(par)

    def body(gg, carry):
        for par in range(NBUF):
            wait_gather(par)

            @pl.when(gg < GROUPS - 1)
            def _():
                idx_copy_async(NBUF * gg + NBUF + par, par)

        for par in range(NBUF):
            l = NBUF * gg + par

            @pl.when(gg >= 1)
            def _():
                wait_write(par)

            transpose(par)
            start_write(l, par)

        for par in range(NBUF):
            @pl.when(gg < GROUPS - 1)
            def _():
                wait_idx(par)
                start_gather(par)

        return carry

    lax.fori_loop(0, GROUPS, body, 0)
    for par in range(NBUF):
        wait_write(par)


def _sc_gather(tokens_T, table):
    mesh = plsc.VectorSubcoreMesh(core_axis_name="c", subcore_axis_name="s")
    k = functools.partial(
        pl.kernel,
        mesh=mesh,
        out_type=jax.ShapeDtypeStruct((L, DT, NW, 8, BT), jnp.float32),
        scratch_types=[
            [pltpu.VMEM((BT,), jnp.int32) for _ in range(NBUF)],
            [pltpu.VMEM((BT, D), jnp.float32) for _ in range(NBUF)],
            [pltpu.VMEM((DT, 8, BT + 5), jnp.float32) for _ in range(NBUF)],
            [pltpu.SemaphoreType.DMA for _ in range(NBUF)],
            [pltpu.SemaphoreType.DMA for _ in range(NBUF)],
            [pltpu.SemaphoreType.DMA for _ in range(NBUF)],
        ],
        compiler_params=pltpu.CompilerParams(
            use_tc_tiling_on_sc=False, needs_layout_passes=False
        ),
    )(_gather_body)
    return k(tokens_T, table)


def _mask_body(tok_ref, pad_ref, seq_ref):
    pad_ref[...] = (tok_ref[...] == PAD).astype(jnp.int8)
    r = lax.broadcasted_iota(jnp.int32, (L, L), 0)
    c = lax.broadcasted_iota(jnp.int32, (L, L), 1)
    seq_ref[...] = (c > r).astype(jnp.int8)


def _tc_masks(tokens):
    return pl.pallas_call(
        _mask_body,
        out_shape=(
            jax.ShapeDtypeStruct((B, L), jnp.int8),
            jax.ShapeDtypeStruct((L, L), jnp.int8),
        ),
    )(tokens)


def kernel(tokens, table):
    arr = _sc_gather(tokens.T, table)
    features = arr.transpose(2, 4, 0, 1, 3).reshape(B, L, D)
    pad8, seq8 = _tc_masks(tokens)
    padding_masks = pad8.astype(bool)[:, None, None, :]
    sequential_masks = seq8.astype(bool)
    return (features, padding_masks, sequential_masks)

# --- scband reference (transcript-rebuilt; emitter-appended) ---
"""Pipeline reference for scband-usual-embedding-12206297055339 (READ-ONLY COPY).

The authoritative reference and input builder live on the scoring server;
editing this copy changes nothing except your own understanding.
"""

import jax, jax.numpy as jnp
import numpy as np

VOCAB = 1000000
D_MODEL = 64
B = 4096
L = 200
PAD = 0


def setup_inputs(seed: int = 0) -> dict:
    key = jax.random.key(seed)
    k1, k2 = jax.random.split(key)
    tokens = jax.random.randint(k1, (B, L), 0, VOCAB, dtype=jnp.int32)
    table = jax.random.normal(k2, (VOCAB, D_MODEL), dtype=jnp.float32)
    # nn.Embedding zeroes the padding_idx row at init
    table = table.at[PAD].set(0.0)
    return {"tokens": tokens, "table": table}


def reference(tokens, table):
    # generate_padding_mask: True where token == padding_idx, broadcastable for attention
    padding_masks = (tokens == PAD)[:, None, None, :]  # bool [B, 1, 1, L]
    seq_len = tokens.shape[-1]
    # generate_sequential_mask: causal mask, True above diagonal (masked positions)
    sequential_masks = jnp.triu(jnp.ones((seq_len, seq_len), dtype=bool), k=1)  # bool [L, L]
    # WORD_EMBEDDING is None branch: plain embedding lookup (gather)
    features = jnp.take(table, tokens, axis=0)  # float32 [B, L, D_MODEL]
    return (features, padding_masks, sequential_masks)

if __name__ == "__main__":
    import jax
    _d = setup_inputs()
    print(jax.jit(kernel)(*tuple(_d.values())))

</pallas_src>

<mosaic_0001>
#map = affine_map<(d0, d1) -> (0, 0)>
#map1 = affine_map<(d0, d1) -> (0, 0, 0, 0, 0)>
module attributes {stable_mosaic.version = 14 : i64} {
  func.func @_gather_body(%arg0: i32, %arg1: i32, %arg2: memref<200x4096xi32, #tpu.memory_space<hbm>>, %arg3: memref<1000000x64xf32, #tpu.memory_space<hbm>>, %arg4: memref<200x8x32x8x128xf32, #tpu.memory_space<hbm>>, %arg5: memref<128xi32, #tpu.memory_space<vmem>>, %arg6: memref<128xi32, #tpu.memory_space<vmem>>, %arg7: memref<128xi32, #tpu.memory_space<vmem>>, %arg8: memref<128xi32, #tpu.memory_space<vmem>>, %arg9: memref<128x64xf32, #tpu.memory_space<vmem>>, %arg10: memref<128x64xf32, #tpu.memory_space<vmem>>, %arg11: memref<128x64xf32, #tpu.memory_space<vmem>>, %arg12: memref<128x64xf32, #tpu.memory_space<vmem>>, %arg13: memref<8x8x133xf32, #tpu.memory_space<vmem>>, %arg14: memref<8x8x133xf32, #tpu.memory_space<vmem>>, %arg15: memref<8x8x133xf32, #tpu.memory_space<vmem>>, %arg16: memref<8x8x133xf32, #tpu.memory_space<vmem>>, %arg17: memref<!tpu.dma_semaphore, #tpu.memory_space<semaphore_mem>>, %arg18: memref<!tpu.dma_semaphore, #tpu.memory_space<semaphore_mem>>, %arg19: memref<!tpu.dma_semaphore, #tpu.memory_space<semaphore_mem>>, %arg20: memref<!tpu.dma_semaphore, #tpu.memory_space<semaphore_mem>>, %arg21: memref<!tpu.dma_semaphore, #tpu.memory_space<semaphore_mem>>, %arg22: memref<!tpu.dma_semaphore, #tpu.memory_space<semaphore_mem>>, %arg23: memref<!tpu.dma_semaphore, #tpu.memory_space<semaphore_mem>>, %arg24: memref<!tpu.dma_semaphore, #tpu.memory_space<semaphore_mem>>, %arg25: memref<!tpu.dma_semaphore, #tpu.memory_space<semaphore_mem>>, %arg26: memref<!tpu.dma_semaphore, #tpu.memory_space<semaphore_mem>>, %arg27: memref<!tpu.dma_semaphore, #tpu.memory_space<semaphore_mem>>, %arg28: memref<!tpu.dma_semaphore, #tpu.memory_space<semaphore_mem>>) attributes {dimension_semantics = [#tpu.dimension_semantics<core_parallel>, #tpu.dimension_semantics<subcore_parallel>], iteration_bounds = array<i64: 2, 16>, scalar_prefetch = 0 : i64, scratch_operands = 24 : i64, tpu.core_type = #tpu.core_type<sc_vector_subcore>, window_params = [{transform_indices = #map}, {transform_indices = #map}, {transform_indices = #map1}]} {
    %mul3A = arith.constant 2 : i32
    %mul3A_0 = arith.muli %arg1, %mul3A : i32
    %add3A = arith.addi %mul3A_0, %arg0 : i32
    %mul3A_1 = arith.constant 128 : i32
    %mul3A_2 = arith.muli %add3A, %mul3A_1 : i32
    %iota3A = tpu.iota {dimensions = array<i32: 0>} : vector<16xi32>
    %add3A_3 = arith.constant 0 : i32
    %add3A_4 = vector.broadcast %add3A_3 : i32 to vector<16xi32>
    %add3A_5 = arith.addi %add3A_4, %iota3A : vector<16xi32>
    %jit3A = arith.constant 8 : i32
    %div3A = vector.broadcast %jit3A : i32 to vector<16xi32>
    %div3A_6 = arith.divsi %add3A_5, %div3A : vector<16xi32>
    %sign3A = arith.constant 0 : i32
    %sign3A_7 = vector.broadcast %sign3A : i32 to vector<16xi32>
    %sign3A_8 = arith.cmpi sgt, %add3A_5, %sign3A_7 : vector<16xi32>
    %sign3A_9 = arith.extui %sign3A_8 : vector<16xi1> to vector<16xi32>
    %sign3A_10 = arith.constant 0 : i32
    %sign3A_11 = vector.broadcast %sign3A_10 : i32 to vector<16xi32>
    %sign3A_12 = arith.cmpi slt, %add3A_5, %sign3A_11 : vector<16xi32>
    %sign3A_13 = arith.extui %sign3A_12 : vector<16xi1> to vector<16xi32>
    %sign3A_14 = arith.subi %sign3A_9, %sign3A_13 : vector<16xi32>
    %sign3A_15 = arith.constant 0 : i32
    %sign3A_16 = arith.cmpi sgt, %jit3A, %sign3A_15 : i32
    %sign3A_17 = arith.extui %sign3A_16 : i1 to i32
    %sign3A_18 = arith.constant 0 : i32
    %sign3A_19 = arith.cmpi slt, %jit3A, %sign3A_18 : i32
    %sign3A_20 = arith.extui %sign3A_19 : i1 to i32
    %sign3A_21 = arith.subi %sign3A_17, %sign3A_20 : i32
    %ne3A = vector.broadcast %sign3A_21 : i32 to vector<16xi32>
    %ne3A_22 = arith.cmpi ne, %sign3A_14, %ne3A : vector<16xi32>
    %rem3A = vector.broadcast %jit3A : i32 to vector<16xi32>
    %rem3A_23 = arith.remsi %add3A_5, %rem3A : vector<16xi32>
    %ne3A_24 = arith.constant 0 : i32
    %ne3A_25 = vector.broadcast %ne3A_24 : i32 to vector<16xi32>
    %ne3A_26 = arith.cmpi ne, %rem3A_23, %ne3A_25 : vector<16xi32>
    %and3A = arith.andi %ne3A_22, %ne3A_26 : vector<16xi1>
    %sub3A = arith.constant 1 : i32
    %sub3A_27 = vector.broadcast %sub3A : i32 to vector<16xi32>
    %sub3A_28 = arith.subi %div3A_6, %sub3A_27 : vector<16xi32>
    %select_n3A = arith.select %and3A, %sub3A_28, %div3A_6 : vector<16xi1>, vector<16xi32>
    %add3A_29 = arith.constant 16 : i32
    %add3A_30 = vector.broadcast %add3A_29 : i32 to vector<16xi32>
    %add3A_31 = arith.addi %add3A_30, %iota3A : vector<16xi32>
    %jit3A_32 = arith.constant 8 : i32
    %div3A_33 = vector.broadcast %jit3A_32 : i32 to vector<16xi32>
    %div3A_34 = arith.divsi %add3A_31, %div3A_33 : vector<16xi32>
    %sign3A_35 = arith.constant 0 : i32
    %sign3A_36 = vector.broadcast %sign3A_35 : i32 to vector<16xi32>
    %sign3A_37 = arith.cmpi sgt, %add3A_31, %sign3A_36 : vector<16xi32>
    %sign3A_38 = arith.extui %sign3A_37 : vector<16xi1> to vector<16xi32>
    %sign3A_39 = arith.constant 0 : i32
    %sign3A_40 = vector.broadcast %sign3A_39 : i32 to vector<16xi32>
    %sign3A_41 = arith.cmpi slt, %add3A_31, %sign3A_40 : vector<16xi32>
    %sign3A_42 = arith.extui %sign3A_41 : vector<16xi1> to vector<16xi32>
    %sign3A_43 = arith.subi %sign3A_38, %sign3A_42 : vector<16xi32>
    %sign3A_44 = arith.constant 0 : i32
    %sign3A_45 = arith.cmpi sgt, %jit3A_32, %sign3A_44 : i32
    %sign3A_46 = arith.extui %sign3A_45 : i1 to i32
    %sign3A_47 = arith.constant 0 : i32
    %sign3A_48 = arith.cmpi slt, %jit3A_32, %sign3A_47 : i32
    %sign3A_49 = arith.extui %sign3A_48 : i1 to i32
    %sign3A_50 = arith.subi %sign3A_46, %sign3A_49 : i32
    %ne3A_51 = vector.broadcast %sign3A_50 : i32 to vector<16xi32>
    %ne3A_52 = arith.cmpi ne, %sign3A_43, %ne3A_51 : vector<16xi32>
    %rem3A_53 = vector.broadcast %jit3A_32 : i32 to vector<16xi32>
    %rem3A_54 = arith.remsi %add3A_31, %rem3A_53 : vector<16xi32>
    %ne3A_55 = arith.constant 0 : i32
    %ne3A_56 = vector.broadcast %ne3A_55 : i32 to vector<16xi32>
    %ne3A_57 = arith.cmpi ne, %rem3A_54, %ne3A_56 : vector<16xi32>
    %and3A_58 = arith.andi %ne3A_52, %ne3A_57 : vector<16xi1>
    %sub3A_59 = arith.constant 1 : i32
    %sub3A_60 = vector.broadcast %sub3A_59 : i32 to vector<16xi32>
    %sub3A_61 = arith.subi %div3A_34, %sub3A_60 : vector<16xi32>
    %select_n3A_62 = arith.select %and3A_58, %sub3A_61, %div3A_34 : vector<16xi1>, vector<16xi32>
    %add3A_63 = arith.constant 32 : i32
    %add3A_64 = vector.broadcast %add3A_63 : i32 to vector<16xi32>
    %add3A_65 = arith.addi %add3A_64, %iota3A : vector<16xi32>
    %jit3A_66 = arith.constant 8 : i32
    %div3A_67 = vector.broadcast %jit3A_66 : i32 to vector<16xi32>
    %div3A_68 = arith.divsi %add3A_65, %div3A_67 : vector<16xi32>
    %sign3A_69 = arith.constant 0 : i32
    %sign3A_70 = vector.broadcast %sign3A_69 : i32 to vector<16xi32>
    %sign3A_71 = arith.cmpi sgt, %add3A_65, %sign3A_70 : vector<16xi32>
    %sign3A_72 = arith.extui %sign3A_71 : vector<16xi1> to vector<16xi32>
    %sign3A_73 = arith.constant 0 : i32
    %sign3A_74 = vector.broadcast %sign3A_73 : i32 to vector<16xi32>
    %sign3A_75 = arith.cmpi slt, %add3A_65, %sign3A_74 : vector<16xi32>
    %sign3A_76 = arith.extui %sign3A_75 : vector<16xi1> to vector<16xi32>
    %sign3A_77 = arith.subi %sign3A_72, %sign3A_76 : vector<16xi32>
    %sign3A_78 = arith.constant 0 : i32
    %sign3A_79 = arith.cmpi sgt, %jit3A_66, %sign3A_78 : i32
    %sign3A_80 = arith.extui %sign3A_79 : i1 to i32
    %sign3A_81 = arith.constant 0 : i32
    %sign3A_82 = arith.cmpi slt, %jit3A_66, %sign3A_81 : i32
    %sign3A_83 = arith.extui %sign3A_82 : i1 to i32
    %sign3A_84 = arith.subi %sign3A_80, %sign3A_83 : i32
    %ne3A_85 = vector.broadcast %sign3A_84 : i32 to vector<16xi32>
    %ne3A_86 = arith.cmpi ne, %sign3A_77, %ne3A_85 : vector<16xi32>
    %rem3A_87 = vector.broadcast %jit3A_66 : i32 to vector<16xi32>
    %rem3A_88 = arith.remsi %add3A_65, %rem3A_87 : vector<16xi32>
    %ne3A_89 = arith.constant 0 : i32
    %ne3A_90 = vector.broadcast %ne3A_89 : i32 to vector<16xi32>
    %ne3A_91 = arith.cmpi ne, %rem3A_88, %ne3A_90 : vector<16xi32>
    %and3A_92 = arith.andi %ne3A_86, %ne3A_91 : vector<16xi1>
    %sub3A_93 = arith.constant 1 : i32
    %sub3A_94 = vector.broadcast %sub3A_93 : i32 to vector<16xi32>
    %sub3A_95 = arith.subi %div3A_68, %sub3A_94 : vector<16xi32>
    %select_n3A_96 = arith.select %and3A_92, %sub3A_95, %div3A_68 : vector<16xi1>, vector<16xi32>
    %add3A_97 = arith.constant 48 : i32
    %add3A_98 = vector.broadcast %add3A_97 : i32 to vector<16xi32>
    %add3A_99 = arith.addi %add3A_98, %iota3A : vector<16xi32>
    %jit3A_100 = arith.constant 8 : i32
    %div3A_101 = vector.broadcast %jit3A_100 : i32 to vector<16xi32>
    %div3A_102 = arith.divsi %add3A_99, %div3A_101 : vector<16xi32>
    %sign3A_103 = arith.constant 0 : i32
    %sign3A_104 = vector.broadcast %sign3A_103 : i32 to vector<16xi32>
    %sign3A_105 = arith.cmpi sgt, %add3A_99, %sign3A_104 : vector<16xi32>
    %sign3A_106 = arith.extui %sign3A_105 : vector<16xi1> to vector<16xi32>
    %sign3A_107 = arith.constant 0 : i32
    %sign3A_108 = vector.broadcast %sign3A_107 : i32 to vector<16xi32>
    %sign3A_109 = arith.cmpi slt, %add3A_99, %sign3A_108 : vector<16xi32>
    %sign3A_110 = arith.extui %sign3A_109 : vector<16xi1> to vector<16xi32>
    %sign3A_111 = arith.subi %sign3A_106, %sign3A_110 : vector<16xi32>
    %sign3A_112 = arith.constant 0 : i32
    %sign3A_113 = arith.cmpi sgt, %jit3A_100, %sign3A_112 : i32
    %sign3A_114 = arith.extui %sign3A_113 : i1 to i32
    %sign3A_115 = arith.constant 0 : i32
    %sign3A_116 = arith.cmpi slt, %jit3A_100, %sign3A_115 : i32
    %sign3A_117 = arith.extui %sign3A_116 : i1 to i32
    %sign3A_118 = arith.subi %sign3A_114, %sign3A_117 : i32
    %ne3A_119 = vector.broadcast %sign3A_118 : i32 to vector<16xi32>
    %ne3A_120 = arith.cmpi ne, %sign3A_111, %ne3A_119 : vector<16xi32>
    %rem3A_121 = vector.broadcast %jit3A_100 : i32 to vector<16xi32>
    %rem3A_122 = arith.remsi %add3A_99, %rem3A_121 : vector<16xi32>
    %ne3A_123 = arith.constant 0 : i32
    %ne3A_124 = vector.broadcast %ne3A_123 : i32 to vector<16xi32>
    %ne3A_125 = arith.cmpi ne, %rem3A_122, %ne3A_124 : vector<16xi32>
    %and3A_126 = arith.andi %ne3A_120, %ne3A_125 : vector<16xi1>
    %sub3A_127 = arith.constant 1 : i32
    %sub3A_128 = vector.broadcast %sub3A_127 : i32 to vector<16xi32>
    %sub3A_129 = arith.subi %div3A_102, %sub3A_128 : vector<16xi32>
    %select_n3A_130 = arith.select %and3A_126, %sub3A_129, %div3A_102 : vector<16xi1>, vector<16xi32>
    %add3A_131 = arith.constant 0 : i32
    %add3A_132 = vector.broadcast %add3A_131 : i32 to vector<16xi32>
    %add3A_133 = arith.addi %add3A_132, %iota3A : vector<16xi32>
    %jit3A_134 = arith.constant 8 : i32
    %eq3A = arith.constant 0 : i32
    %eq3A_135 = arith.cmpi eq, %jit3A_134, %eq3A : i32
    %jit3A_136 = arith.constant 1 : i32
    %select_n3A_137 = arith.select %eq3A_135, %jit3A_136, %jit3A_134 : i32
    %rem3A_138 = vector.broadcast %select_n3A_137 : i32 to vector<16xi32>
    %rem3A_139 = arith.remsi %add3A_133, %rem3A_138 : vector<16xi32>
    %ne3A_140 = arith.constant 0 : i32
    %ne3A_141 = vector.broadcast %ne3A_140 : i32 to vector<16xi32>
    %ne3A_142 = arith.cmpi ne, %rem3A_139, %ne3A_141 : vector<16xi32>
    %lt3A = arith.constant 0 : i32
    %lt3A_143 = vector.broadcast %lt3A : i32 to vector<16xi32>
    %lt3A_144 = arith.cmpi slt, %rem3A_139, %lt3A_143 : vector<16xi32>
    %lt3A_145 = arith.constant 0 : i32
    %lt3A_146 = arith.cmpi slt, %select_n3A_137, %lt3A_145 : i32
    %ne3A_147 = vector.broadcast %lt3A_146 : i1 to vector<16xi1>
    %ne3A_148 = vector.broadcast %ne3A_147 : vector<16xi1> to vector<16xi1>
    %ne3A_149 = arith.xori %lt3A_144, %ne3A_148 : vector<16xi1>
    %and3A_150 = arith.andi %ne3A_149, %ne3A_142 : vector<16xi1>
    %add3A_151 = vector.broadcast %select_n3A_137 : i32 to vector<16xi32>
    %add3A_152 = arith.addi %rem3A_139, %add3A_151 : vector<16xi32>
    %select_n3A_153 = arith.select %and3A_150, %add3A_152, %rem3A_139 : vector<16xi1>, vector<16xi32>
    %add3A_154 = arith.constant 16 : i32
    %add3A_155 = vector.broadcast %add3A_154 : i32 to vector<16xi32>
    %add3A_156 = arith.addi %add3A_155, %iota3A : vector<16xi32>
    %jit3A_157 = arith.constant 8 : i32
    %eq3A_158 = arith.constant 0 : i32
    %eq3A_159 = arith.cmpi eq, %jit3A_157, %eq3A_158 : i32
    %jit3A_160 = arith.constant 1 : i32
    %select_n3A_161 = arith.select %eq3A_159, %jit3A_160, %jit3A_157 : i32
    %rem3A_162 = vector.broadcast %select_n3A_161 : i32 to vector<16xi32>
    %rem3A_163 = arith.remsi %add3A_156, %rem3A_162 : vector<16xi32>
    %ne3A_164 = arith.constant 0 : i32
    %ne3A_165 = vector.broadcast %ne3A_164 : i32 to vector<16xi32>
    %ne3A_166 = arith.cmpi ne, %rem3A_163, %ne3A_165 : vector<16xi32>
    %lt3A_167 = arith.constant 0 : i32
    %lt3A_168 = vector.broadcast %lt3A_167 : i32 to vector<16xi32>
    %lt3A_169 = arith.cmpi slt, %rem3A_163, %lt3A_168 : vector<16xi32>
    %lt3A_170 = arith.constant 0 : i32
    %lt3A_171 = arith.cmpi slt, %select_n3A_161, %lt3A_170 : i32
    %ne3A_172 = vector.broadcast %lt3A_171 : i1 to vector<16xi1>
    %ne3A_173 = vector.broadcast %ne3A_172 : vector<16xi1> to vector<16xi1>
    %ne3A_174 = arith.xori %lt3A_169, %ne3A_173 : vector<16xi1>
    %and3A_175 = arith.andi %ne3A_174, %ne3A_166 : vector<16xi1>
    %add3A_176 = vector.broadcast %select_n3A_161 : i32 to vector<16xi32>
    %add3A_177 = arith.addi %rem3A_163, %add3A_176 : vector<16xi32>
    %select_n3A_178 = arith.select %and3A_175, %add3A_177, %rem3A_163 : vector<16xi1>, vector<16xi32>
    %add3A_179 = arith.constant 32 : i32
    %add3A_180 = vector.broadcast %add3A_179 : i32 to vector<16xi32>
    %add3A_181 = arith.addi %add3A_180, %iota3A : vector<16xi32>
    %jit3A_182 = arith.constant 8 : i32
    %eq3A_183 = arith.constant 0 : i32
    %eq3A_184 = arith.cmpi eq, %jit3A_182, %eq3A_183 : i32
    %jit3A_185 = arith.constant 1 : i32
    %select_n3A_186 = arith.select %eq3A_184, %jit3A_185, %jit3A_182 : i32
    %rem3A_187 = vector.broadcast %select_n3A_186 : i32 to vector<16xi32>
    %rem3A_188 = arith.remsi %add3A_181, %rem3A_187 : vector<16xi32>
    %ne3A_189 = arith.constant 0 : i32
    %ne3A_190 = vector.broadcast %ne3A_189 : i32 to vector<16xi32>
    %ne3A_191 = arith.cmpi ne, %rem3A_188, %ne3A_190 : vector<16xi32>
    %lt3A_192 = arith.constant 0 : i32
    %lt3A_193 = vector.broadcast %lt3A_192 : i32 to vector<16xi32>
    %lt3A_194 = arith.cmpi slt, %rem3A_188, %lt3A_193 : vector<16xi32>
    %lt3A_195 = arith.constant 0 : i32
    %lt3A_196 = arith.cmpi slt, %select_n3A_186, %lt3A_195 : i32
    %ne3A_197 = vector.broadcast %lt3A_196 : i1 to vector<16xi1>
    %ne3A_198 = vector.broadcast %ne3A_197 : vector<16xi1> to vector<16xi1>
    %ne3A_199 = arith.xori %lt3A_194, %ne3A_198 : vector<16xi1>
    %and3A_200 = arith.andi %ne3A_199, %ne3A_191 : vector<16xi1>
    %add3A_201 = vector.broadcast %select_n3A_186 : i32 to vector<16xi32>
    %add3A_202 = arith.addi %rem3A_188, %add3A_201 : vector<16xi32>
    %select_n3A_203 = arith.select %and3A_200, %add3A_202, %rem3A_188 : vector<16xi1>, vector<16xi32>
    %add3A_204 = arith.constant 48 : i32
    %add3A_205 = vector.broadcast %add3A_204 : i32 to vector<16xi32>
    %add3A_206 = arith.addi %add3A_205, %iota3A : vector<16xi32>
    %jit3A_207 = arith.constant 8 : i32
    %eq3A_208 = arith.constant 0 : i32
    %eq3A_209 = arith.cmpi eq, %jit3A_207, %eq3A_208 : i32
    %jit3A_210 = arith.constant 1 : i32
    %select_n3A_211 = arith.select %eq3A_209, %jit3A_210, %jit3A_207 : i32
    %rem3A_212 = vector.broadcast %select_n3A_211 : i32 to vector<16xi32>
    %rem3A_213 = arith.remsi %add3A_206, %rem3A_212 : vector<16xi32>
    %ne3A_214 = arith.constant 0 : i32
    %ne3A_215 = vector.broadcast %ne3A_214 : i32 to vector<16xi32>
    %ne3A_216 = arith.cmpi ne, %rem3A_213, %ne3A_215 : vector<16xi32>
    %lt3A_217 = arith.constant 0 : i32
    %lt3A_218 = vector.broadcast %lt3A_217 : i32 to vector<16xi32>
    %lt3A_219 = arith.cmpi slt, %rem3A_213, %lt3A_218 : vector<16xi32>
    %lt3A_220 = arith.constant 0 : i32
    %lt3A_221 = arith.cmpi slt, %select_n3A_211, %lt3A_220 : i32
    %ne3A_222 = vector.broadcast %lt3A_221 : i1 to vector<16xi1>
    %ne3A_223 = vector.broadcast %ne3A_222 : vector<16xi1> to vector<16xi1>
    %ne3A_224 = arith.xori %lt3A_219, %ne3A_223 : vector<16xi1>
    %and3A_225 = arith.andi %ne3A_224, %ne3A_216 : vector<16xi1>
    %add3A_226 = vector.broadcast %select_n3A_211 : i32 to vector<16xi32>
    %add3A_227 = arith.addi %rem3A_213, %add3A_226 : vector<16xi32>
    %select_n3A_228 = arith.select %and3A_225, %add3A_227, %rem3A_213 : vector<16xi1>, vector<16xi32>
    %dma_start3A = arith.constant 0 : i32
    %dma_start3A_229 = tpu.memref_slice %arg2[%dma_start3A, %mul3A_2] : memref<200x4096xi32, #tpu.memory_space<hbm>> -> memref<1x128xi32, #tpu.memory_space<hbm>>
    %dma_start3A_230 = tpu.memref_squeeze %dma_start3A_229 : memref<1x128xi32, #tpu.memory_space<hbm>> -> memref<128xi32, #tpu.memory_space<hbm>>
    %dma_start3A_231 = tpu.memref_slice %arg2[%dma_start3A, %mul3A_2] : memref<200x4096xi32, #tpu.memory_space<hbm>> -> memref<1x128xi32, #tpu.memory_space<hbm>>
    %dma_start3A_232 = tpu.memref_squeeze %dma_start3A_231 : memref<1x128xi32, #tpu.memory_space<hbm>> -> memref<128xi32, #tpu.memory_space<hbm>>
    tpu.enqueue_dma source(%dma_start3A_232 : memref<128xi32, #tpu.memory_space<hbm>>) target(%arg5 : memref<128xi32, #tpu.memory_space<vmem>>) target_semaphore(%arg17 : memref<!tpu.dma_semaphore, #tpu.memory_space<semaphore_mem>>)
    %dma_start3A_233 = arith.constant 1 : i32
    %dma_start3A_234 = tpu.memref_slice %arg2[%dma_start3A_233, %mul3A_2] : memref<200x4096xi32, #tpu.memory_space<hbm>> -> memref<1x128xi32, #tpu.memory_space<hbm>>
    %dma_start3A_235 = tpu.memref_squeeze %dma_start3A_234 : memref<1x128xi32, #tpu.memory_space<hbm>> -> memref<128xi32, #tpu.memory_space<hbm>>
    %dma_start3A_236 = tpu.memref_slice %arg2[%dma_start3A_233, %mul3A_2] : memref<200x4096xi32, #tpu.memory_space<hbm>> -> memref<1x128xi32, #tpu.memory_space<hbm>>
    %dma_start3A_237 = tpu.memref_squeeze %dma_start3A_236 : memref<1x128xi32, #tpu.memory_space<hbm>> -> memref<128xi32, #tpu.memory_space<hbm>>
    tpu.enqueue_dma source(%dma_start3A_237 : memref<128xi32, #tpu.memory_space<hbm>>) target(%arg6 : memref<128xi32, #tpu.memory_space<vmem>>) target_semaphore(%arg18 : memref<!tpu.dma_semaphore, #tpu.memory_space<semaphore_mem>>)
    %dma_start3A_238 = arith.constant 2 : i32
    %dma_start3A_239 = tpu.memref_slice %arg2[%dma_start3A_238, %mul3A_2] : memref<200x4096xi32, #tpu.memory_space<hbm>> -> memref<1x128xi32, #tpu.memory_space<hbm>>
    %dma_start3A_240 = tpu.memref_squeeze %dma_start3A_239 : memref<1x128xi32, #tpu.memory_space<hbm>> -> memref<128xi32, #tpu.memory_space<hbm>>
    %dma_start3A_241 = tpu.memref_slice %arg2[%dma_start3A_238, %mul3A_2] : memref<200x4096xi32, #tpu.memory_space<hbm>> -> memref<1x128xi32, #tpu.memory_space<hbm>>
    %dma_start3A_242 = tpu.memref_squeeze %dma_start3A_241 : memref<1x128xi32, #tpu.memory_space<hbm>> -> memref<128xi32, #tpu.memory_space<hbm>>
    tpu.enqueue_dma source(%dma_start3A_242 : memref<128xi32, #tpu.memory_space<hbm>>) target(%arg7 : memref<128xi32, #tpu.memory_space<vmem>>) target_semaphore(%arg19 : memref<!tpu.dma_semaphore, #tpu.memory_space<semaphore_mem>>)
    %dma_start3A_243 = arith.constant 3 : i32
    %dma_start3A_244 = tpu.memref_slice %arg2[%dma_start3A_243, %mul3A_2] : memref<200x4096xi32, #tpu.memory_space<hbm>> -> memref<1x128xi32, #tpu.memory_space<hbm>>
    %dma_start3A_245 = tpu.memref_squeeze %dma_start3A_244 : memref<1x128xi32, #tpu.memory_space<hbm>> -> memref<128xi32, #tpu.memory_space<hbm>>
    %dma_start3A_246 = tpu.memref_slice %arg2[%dma_start3A_243, %mul3A_2] : memref<200x4096xi32, #tpu.memory_space<hbm>> -> memref<1x128xi32, #tpu.memory_space<hbm>>
    %dma_start3A_247 = tpu.memref_squeeze %dma_start3A_246 : memref<1x128xi32, #tpu.memory_space<hbm>> -> memref<128xi32, #tpu.memory_space<hbm>>
    tpu.enqueue_dma source(%dma_start3A_247 : memref<128xi32, #tpu.memory_space<hbm>>) target(%arg8 : memref<128xi32, #tpu.memory_space<vmem>>) target_semaphore(%arg20 : memref<!tpu.dma_semaphore, #tpu.memory_space<semaphore_mem>>)
    %dma_wait3A = arith.constant 0 : i32
    %dma_wait3A_248 = tpu.memref_slice %arg2[%dma_wait3A, %mul3A_2] : memref<200x4096xi32, #tpu.memory_space<hbm>> -> memref<1x128xi32, #tpu.memory_space<hbm>>
    %dma_wait3A_249 = tpu.memref_squeeze %dma_wait3A_248 : memref<1x128xi32, #tpu.memory_space<hbm>> -> memref<128xi32, #tpu.memory_space<hbm>>
    %dma_wait3A_250 = tpu.memref_slice %arg2[%dma_wait3A, %mul3A_2] : memref<200x4096xi32, #tpu.memory_space<hbm>> -> memref<1x128xi32, #tpu.memory_space<hbm>>
    %dma_wait3A_251 = tpu.memref_squeeze %dma_wait3A_250 : memref<1x128xi32, #tpu.memory_space<hbm>> -> memref<128xi32, #tpu.memory_space<hbm>>
    tpu.wait_dma2 semaphore(%arg17 : memref<!tpu.dma_semaphore, #tpu.memory_space<semaphore_mem>>) src(%dma_wait3A_251 : memref<128xi32, #tpu.memory_space<hbm>>) dst(%arg5 : memref<128xi32, #tpu.memory_space<vmem>>)
    %dma_start3A_252 = arith.constant 0 : i32
    %dma_start3A_253 = arith.constant 0 : i32
    %dma_start3A_254 = tpu.memref_slice %arg3[%dma_start3A_252, %dma_start3A_253] : memref<1000000x64xf32, #tpu.memory_space<hbm>> -> memref<1000000x64xf32, #tpu.memory_space<hbm>>
    tpu.enqueue_indirect_dma source(%dma_start3A_254 : memref<1000000x64xf32, #tpu.memory_space<hbm>>) target(%arg9 : memref<128x64xf32, #tpu.memory_space<vmem>>) offsets(%arg5 : memref<128xi32, #tpu.memory_space<vmem>>) semaphore(%arg21 : memref<!tpu.dma_semaphore, #tpu.memory_space<semaphore_mem>>)
    %dma_wait3A_255 = arith.constant 0 : i32
    %dma_wait3A_256 = tpu.memref_slice %arg2[%dma_wait3A_255, %mul3A_2] : memref<200x4096xi32, #tpu.memory_space<hbm>> -> memref<1x128xi32, #tpu.memory_space<hbm>>
    %dma_wait3A_257 = tpu.memref_squeeze %dma_wait3A_256 : memref<1x128xi32, #tpu.memory_space<hbm>> -> memref<128xi32, #tpu.memory_space<hbm>>
    %dma_wait3A_258 = tpu.memref_slice %arg2[%dma_wait3A_255, %mul3A_2] : memref<200x4096xi32, #tpu.memory_space<hbm>> -> memref<1x128xi32, #tpu.memory_space<hbm>>
    %dma_wait3A_259 = tpu.memref_squeeze %dma_wait3A_258 : memref<1x128xi32, #tpu.memory_space<hbm>> -> memref<128xi32, #tpu.memory_space<hbm>>
    tpu.wait_dma2 semaphore(%arg18 : memref<!tpu.dma_semaphore, #tpu.memory_space<semaphore_mem>>) src(%dma_wait3A_259 : memref<128xi32, #tpu.memory_space<hbm>>) dst(%arg6 : memref<128xi32, #tpu.memory_space<vmem>>)
    %dma_start3A_260 = arith.constant 0 : i32
    %dma_start3A_261 = arith.constant 0 : i32
    %dma_start3A_262 = tpu.memref_slice %arg3[%dma_start3A_260, %dma_start3A_261] : memref<1000000x64xf32, #tpu.memory_space<hbm>> -> memref<1000000x64xf32, #tpu.memory_space<hbm>>
    tpu.enqueue_indirect_dma source(%dma_start3A_262 : memref<1000000x64xf32, #tpu.memory_space<hbm>>) target(%arg10 : memref<128x64xf32, #tpu.memory_space<vmem>>) offsets(%arg6 : memref<128xi32, #tpu.memory_space<vmem>>) semaphore(%arg22 : memref<!tpu.dma_semaphore, #tpu.memory_space<semaphore_mem>>)
    %dma_wait3A_263 = arith.constant 0 : i32
    %dma_wait3A_264 = tpu.memref_slice %arg2[%dma_wait3A_263, %mul3A_2] : memref<200x4096xi32, #tpu.memory_space<hbm>> -> memref<1x128xi32, #tpu.memory_space<hbm>>
    %dma_wait3A_265 = tpu.memref_squeeze %dma_wait3A_264 : memref<1x128xi32, #tpu.memory_space<hbm>> -> memref<128xi32, #tpu.memory_space<hbm>>
    %dma_wait3A_266 = tpu.memref_slice %arg2[%dma_wait3A_263, %mul3A_2] : memref<200x4096xi32, #tpu.memory_space<hbm>> -> memref<1x128xi32, #tpu.memory_space<hbm>>
    %dma_wait3A_267 = tpu.memref_squeeze %dma_wait3A_266 : memref<1x128xi32, #tpu.memory_space<hbm>> -> memref<128xi32, #tpu.memory_space<hbm>>
    tpu.wait_dma2 semaphore(%arg19 : memref<!tpu.dma_semaphore, #tpu.memory_space<semaphore_mem>>) src(%dma_wait3A_267 : memref<128xi32, #tpu.memory_space<hbm>>) dst(%arg7 : memref<128xi32, #tpu.memory_space<vmem>>)
    %dma_start3A_268 = arith.constant 0 : i32
    %dma_start3A_269 = arith.constant 0 : i32
    %dma_start3A_270 = tpu.memref_slice %arg3[%dma_start3A_268, %dma_start3A_269] : memref<1000000x64xf32, #tpu.memory_space<hbm>> -> memref<1000000x64xf32, #tpu.memory_space<hbm>>
    tpu.enqueue_indirect_dma source(%dma_start3A_270 : memref<1000000x64xf32, #tpu.memory_space<hbm>>) target(%arg11 : memref<128x64xf32, #tpu.memory_space<vmem>>) offsets(%arg7 : memref<128xi32, #tpu.memory_space<vmem>>) semaphore(%arg23 : memref<!tpu.dma_semaphore, #tpu.memory_space<semaphore_mem>>)
    %dma_wait3A_271 = arith.constant 0 : i32
    %dma_wait3A_272 = tpu.memref_slice %arg2[%dma_wait3A_271, %mul3A_2] : memref<200x4096xi32, #tpu.memory_space<hbm>> -> memref<1x128xi32, #tpu.memory_space<hbm>>
    %dma_wait3A_273 = tpu.memref_squeeze %dma_wait3A_272 : memref<1x128xi32, #tpu.memory_space<hbm>> -> memref<128xi32, #tpu.memory_space<hbm>>
    %dma_wait3A_274 = tpu.memref_slice %arg2[%dma_wait3A_271, %mul3A_2] : memref<200x4096xi32, #tpu.memory_space<hbm>> -> memref<1x128xi32, #tpu.memory_space<hbm>>
    %dma_wait3A_275 = tpu.memref_squeeze %dma_wait3A_274 : memref<1x128xi32, #tpu.memory_space<hbm>> -> memref<128xi32, #tpu.memory_space<hbm>>
    tpu.wait_dma2 semaphore(%arg20 : memref<!tpu.dma_semaphore, #tpu.memory_space<semaphore_mem>>) src(%dma_wait3A_275 : memref<128xi32, #tpu.memory_space<hbm>>) dst(%arg8 : memref<128xi32, #tpu.memory_space<vmem>>)
    %dma_start3A_276 = arith.constant 0 : i32
    %dma_start3A_277 = arith.constant 0 : i32
    %dma_start3A_278 = tpu.memref_slice %arg3[%dma_start3A_276, %dma_start3A_277] : memref<1000000x64xf32, #tpu.memory_space<hbm>> -> memref<1000000x64xf32, #tpu.memory_space<hbm>>
    tpu.enqueue_indirect_dma source(%dma_start3A_278 : memref<1000000x64xf32, #tpu.memory_space<hbm>>) target(%arg12 : memref<128x64xf32, #tpu.memory_space<vmem>>) offsets(%arg8 : memref<128xi32, #tpu.memory_space<vmem>>) semaphore(%arg24 : memref<!tpu.dma_semaphore, #tpu.memory_space<semaphore_mem>>)
    %scan3A = arith.constant 0 : i32
    %scan3A_279 = arith.constant 0 : i32
    %scan3A_280 = arith.constant 50 : i32
    %scan3A_281 = arith.addi %scan3A_279, %scan3A_280 : i32
    %scan3A_282 = arith.constant 1 : i32
    scf.for %scan3A_364 = %scan3A_279 to %scan3A_281 step %scan3A_282  : i32 {
      %dma_wait3A_365 = arith.constant 0 : i32
      %dma_wait3A_366 = arith.constant 0 : i32
      %dma_wait3A_367 = tpu.memref_slice %arg3[%dma_wait3A_365, %dma_wait3A_366] : memref<1000000x64xf32, #tpu.memory_space<hbm>> -> memref<1000000x64xf32, #tpu.memory_space<hbm>>
      tpu.wait_indirect_dma semaphore(%arg21 : memref<!tpu.dma_semaphore, #tpu.memory_space<semaphore_mem>>) src(%dma_wait3A_367 : memref<1000000x64xf32, #tpu.memory_space<hbm>>) dst(%arg9 : memref<128x64xf32, #tpu.memory_space<vmem>>)
      %lt3A_368 = arith.constant 49 : i32
      %lt3A_369 = arith.cmpi slt, %scan3A_364, %lt3A_368 : i32
      %convert_element_type3A = arith.extui %lt3A_369 : i1 to i32
      %cond3A = arith.constant 0 : i32
      %cond3A_370 = arith.cmpi ne, %convert_element_type3A, %cond3A : i32
      scf.if %cond3A_370 {
        %mul3A_546 = arith.constant 4 : i32
        %mul3A_547 = arith.muli %mul3A_546, %scan3A_364 : i32
        %add3A_548 = arith.constant 4 : i32
        %add3A_549 = arith.addi %mul3A_547, %add3A_548 : i32
        %add3A_550 = arith.constant 0 : i32
        %add3A_551 = arith.addi %add3A_549, %add3A_550 : i32
        %dma_start3A_552 = tpu.memref_slice %arg2[%add3A_551, %mul3A_2] : memref<200x4096xi32, #tpu.memory_space<hbm>> -> memref<1x128xi32, #tpu.memory_space<hbm>>
        %dma_start3A_553 = tpu.memref_squeeze %dma_start3A_552 : memref<1x128xi32, #tpu.memory_space<hbm>> -> memref<128xi32, #tpu.memory_space<hbm>>
        %dma_start3A_554 = tpu.memref_slice %arg2[%add3A_551, %mul3A_2] : memref<200x4096xi32, #tpu.memory_space<hbm>> -> memref<1x128xi32, #tpu.memory_space<hbm>>
        %dma_start3A_555 = tpu.memref_squeeze %dma_start3A_554 : memref<1x128xi32, #tpu.memory_space<hbm>> -> memref<128xi32, #tpu.memory_space<hbm>>
        tpu.enqueue_dma source(%dma_start3A_555 : memref<128xi32, #tpu.memory_space<hbm>>) target(%arg5 : memref<128xi32, #tpu.memory_space<vmem>>) target_semaphore(%arg17 : memref<!tpu.dma_semaphore, #tpu.memory_space<semaphore_mem>>)
      } else {
      }
      %dma_wait3A_371 = arith.constant 0 : i32
      %dma_wait3A_372 = arith.constant 0 : i32
      %dma_wait3A_373 = tpu.memref_slice %arg3[%dma_wait3A_371, %dma_wait3A_372] : memref<1000000x64xf32, #tpu.memory_space<hbm>> -> memref<1000000x64xf32, #tpu.memory_space<hbm>>
      tpu.wait_indirect_dma semaphore(%arg22 : memref<!tpu.dma_semaphore, #tpu.memory_space<semaphore_mem>>) src(%dma_wait3A_373 : memref<1000000x64xf32, #tpu.memory_space<hbm>>) dst(%arg10 : memref<128x64xf32, #tpu.memory_space<vmem>>)
      %lt3A_374 = arith.constant 49 : i32
      %lt3A_375 = arith.cmpi slt, %scan3A_364, %lt3A_374 : i32
      %convert_element_type3A_376 = arith.extui %lt3A_375 : i1 to i32
      %cond3A_377 = arith.constant 0 : i32
      %cond3A_378 = arith.cmpi ne, %convert_element_type3A_376, %cond3A_377 : i32
      scf.if %cond3A_378 {
        %mul3A_546 = arith.constant 4 : i32
        %mul3A_547 = arith.muli %mul3A_546, %scan3A_364 : i32
        %add3A_548 = arith.constant 4 : i32
        %add3A_549 = arith.addi %mul3A_547, %add3A_548 : i32
        %add3A_550 = arith.constant 1 : i32
        %add3A_551 = arith.addi %add3A_549, %add3A_550 : i32
        %dma_start3A_552 = tpu.memref_slice %arg2[%add3A_551, %mul3A_2] : memref<200x4096xi32, #tpu.memory_space<hbm>> -> memref<1x128xi32, #tpu.memory_space<hbm>>
        %dma_start3A_553 = tpu.memref_squeeze %dma_start3A_552 : memref<1x128xi32, #tpu.memory_space<hbm>> -> memref<128xi32, #tpu.memory_space<hbm>>
        %dma_start3A_554 = tpu.memref_slice %arg2[%add3A_551, %mul3A_2] : memref<200x4096xi32, #tpu.memory_space<hbm>> -> memref<1x128xi32, #tpu.memory_space<hbm>>
        %dma_start3A_555 = tpu.memref_squeeze %dma_start3A_554 : memref<1x128xi32, #tpu.memory_space<hbm>> -> memref<128xi32, #tpu.memory_space<hbm>>
        tpu.enqueue_dma source(%dma_start3A_555 : memref<128xi32, #tpu.memory_space<hbm>>) target(%arg6 : memref<128xi32, #tpu.memory_space<vmem>>) target_semaphore(%arg18 : memref<!tpu.dma_semaphore, #tpu.memory_space<semaphore_mem>>)
      } else {
      }
      %dma_wait3A_379 = arith.constant 0 : i32
      %dma_wait3A_380 = arith.constant 0 : i32
      %dma_wait3A_381 = tpu.memref_slice %arg3[%dma_wait3A_379, %dma_wait3A_380] : memref<1000000x64xf32, #tpu.memory_space<hbm>> -> memref<1000000x64xf32, #tpu.memory_space<hbm>>
      tpu.wait_indirect_dma semaphore(%arg23 : memref<!tpu.dma_semaphore, #tpu.memory_space<semaphore_mem>>) src(%dma_wait3A_381 : memref<1000000x64xf32, #tpu.memory_space<hbm>>) dst(%arg11 : memref<128x64xf32, #tpu.memory_space<vmem>>)
      %lt3A_382 = arith.constant 49 : i32
      %lt3A_383 = arith.cmpi slt, %scan3A_364, %lt3A_382 : i32
      %convert_element_type3A_384 = arith.extui %lt3A_383 : i1 to i32
      %cond3A_385 = arith.constant 0 : i32
      %cond3A_386 = arith.cmpi ne, %convert_element_type3A_384, %cond3A_385 : i32
      scf.if %cond3A_386 {
        %mul3A_546 = arith.constant 4 : i32
        %mul3A_547 = arith.muli %mul3A_546, %scan3A_364 : i32
        %add3A_548 = arith.constant 4 : i32
        %add3A_549 = arith.addi %mul3A_547, %add3A_548 : i32
        %add3A_550 = arith.constant 2 : i32
        %add3A_551 = arith.addi %add3A_549, %add3A_550 : i32
        %dma_start3A_552 = tpu.memref_slice %arg2[%add3A_551, %mul3A_2] : memref<200x4096xi32, #tpu.memory_space<hbm>> -> memref<1x128xi32, #tpu.memory_space<hbm>>
        %dma_start3A_553 = tpu.memref_squeeze %dma_start3A_552 : memref<1x128xi32, #tpu.memory_space<hbm>> -> memref<128xi32, #tpu.memory_space<hbm>>
        %dma_start3A_554 = tpu.memref_slice %arg2[%add3A_551, %mul3A_2] : memref<200x4096xi32, #tpu.memory_space<hbm>> -> memref<1x128xi32, #tpu.memory_space<hbm>>
        %dma_start3A_555 = tpu.memref_squeeze %dma_start3A_554 : memref<1x128xi32, #tpu.memory_space<hbm>> -> memref<128xi32, #tpu.memory_space<hbm>>
        tpu.enqueue_dma source(%dma_start3A_555 : memref<128xi32, #tpu.memory_space<hbm>>) target(%arg7 : memref<128xi32, #tpu.memory_space<vmem>>) target_semaphore(%arg19 : memref<!tpu.dma_semaphore, #tpu.memory_space<semaphore_mem>>)
      } else {
      }
      %dma_wait3A_387 = arith.constant 0 : i32
      %dma_wait3A_388 = arith.constant 0 : i32
      %dma_wait3A_389 = tpu.memref_slice %arg3[%dma_wait3A_387, %dma_wait3A_388] : memref<1000000x64xf32, #tpu.memory_space<hbm>> -> memref<1000000x64xf32, #tpu.memory_space<hbm>>
      tpu.wait_indirect_dma semaphore(%arg24 : memref<!tpu.dma_semaphore, #tpu.memory_space<semaphore_mem>>) src(%dma_wait3A_389 : memref<1000000x64xf32, #tpu.memory_space<hbm>>) dst(%arg12 : memref<128x64xf32, #tpu.memory_space<vmem>>)
      %lt3A_390 = arith.constant 49 : i32
      %lt3A_391 = arith.cmpi slt, %scan3A_364, %lt3A_390 : i32
      %convert_element_type3A_392 = arith.extui %lt3A_391 : i1 to i32
      %cond3A_393 = arith.constant 0 : i32
      %cond3A_394 = arith.cmpi ne, %convert_element_type3A_392, %cond3A_393 : i32
      scf.if %cond3A_394 {
        %mul3A_546 = arith.constant 4 : i32
        %mul3A_547 = arith.muli %mul3A_546, %scan3A_364 : i32
        %add3A_548 = arith.constant 4 : i32
        %add3A_549 = arith.addi %mul3A_547, %add3A_548 : i32
        %add3A_550 = arith.constant 3 : i32
        %add3A_551 = arith.addi %add3A_549, %add3A_550 : i32
        %dma_start3A_552 = tpu.memref_slice %arg2[%add3A_551, %mul3A_2] : memref<200x4096xi32, #tpu.memory_space<hbm>> -> memref<1x128xi32, #tpu.memory_space<hbm>>
        %dma_start3A_553 = tpu.memref_squeeze %dma_start3A_552 : memref<1x128xi32, #tpu.memory_space<hbm>> -> memref<128xi32, #tpu.memory_space<hbm>>
        %dma_start3A_554 = tpu.memref_slice %arg2[%add3A_551, %mul3A_2] : memref<200x4096xi32, #tpu.memory_space<hbm>> -> memref<1x128xi32, #tpu.memory_space<hbm>>
        %dma_start3A_555 = tpu.memref_squeeze %dma_start3A_554 : memref<1x128xi32, #tpu.memory_space<hbm>> -> memref<128xi32, #tpu.memory_space<hbm>>
        tpu.enqueue_dma source(%dma_start3A_555 : memref<128xi32, #tpu.memory_space<hbm>>) target(%arg8 : memref<128xi32, #tpu.memory_space<vmem>>) target_semaphore(%arg20 : memref<!tpu.dma_semaphore, #tpu.memory_space<semaphore_mem>>)
      } else {
      }
      %mul3A_395 = arith.constant 4 : i32
      %mul3A_396 = arith.muli %mul3A_395, %scan3A_364 : i32
      %add3A_397 = arith.constant 0 : i32
      %add3A_398 = arith.addi %mul3A_396, %add3A_397 : i32
      %ge3A = arith.constant 1 : i32
      %ge3A_399 = arith.cmpi sge, %scan3A_364, %ge3A : i32
      %convert_element_type3A_400 = arith.extui %ge3A_399 : i1 to i32
      %cond3A_401 = arith.constant 0 : i32
      %cond3A_402 = arith.cmpi ne, %convert_element_type3A_400, %cond3A_401 : i32
      scf.if %cond3A_402 {
        %dma_wait3A_546 = arith.constant 0 : i32
        %dma_wait3A_547 = arith.constant 0 : i32
        %dma_wait3A_548 = arith.constant 0 : i32
        %dma_wait3A_549 = arith.constant 0 : i32
        %dma_wait3A_550 = arith.constant 0 : i32
        %dma_wait3A_551 = tpu.memref_slice %arg13[%dma_wait3A_548, %dma_wait3A_549, %dma_wait3A_550] : memref<8x8x133xf32, #tpu.memory_space<vmem>> -> memref<8x8x128xf32, #tpu.memory_space<vmem>>
        %dma_wait3A_552 = arith.constant 0 : i32
        %dma_wait3A_553 = arith.constant 0 : i32
        %dma_wait3A_554 = arith.constant 0 : i32
        %dma_wait3A_555 = tpu.memref_slice %arg4[%dma_wait3A_546, %dma_wait3A_552, %dma_wait3A_547, %dma_wait3A_553, %dma_wait3A_554] : memref<200x8x32x8x128xf32, #tpu.memory_space<hbm>> -> memref<1x8x1x8x128xf32, #tpu.memory_space<hbm>>
        %dma_wait3A_556 = tpu.memref_squeeze %dma_wait3A_555 : memref<1x8x1x8x128xf32, #tpu.memory_space<hbm>> -> memref<8x8x128xf32, #tpu.memory_space<hbm>>
        %dma_wait3A_557 = arith.constant 0 : i32
        %dma_wait3A_558 = arith.constant 0 : i32
        %dma_wait3A_559 = arith.constant 0 : i32
        %dma_wait3A_560 = tpu.memref_slice %arg4[%dma_wait3A_546, %dma_wait3A_557, %dma_wait3A_547, %dma_wait3A_558, %dma_wait3A_559] : memref<200x8x32x8x128xf32, #tpu.memory_space<hbm>> -> memref<1x8x1x8x128xf32, #tpu.memory_space<hbm>>
        %dma_wait3A_561 = tpu.memref_squeeze %dma_wait3A_560 : memref<1x8x1x8x128xf32, #tpu.memory_space<hbm>> -> memref<8x8x128xf32, #tpu.memory_space<hbm>>
        %dma_wait3A_562 = arith.constant 0 : i32
        %dma_wait3A_563 = arith.constant 0 : i32
        %dma_wait3A_564 = arith.constant 0 : i32
        %dma_wait3A_565 = tpu.memref_slice %arg13[%dma_wait3A_562, %dma_wait3A_563, %dma_wait3A_564] : memref<8x8x133xf32, #tpu.memory_space<vmem>> -> memref<8x8x128xf32, #tpu.memory_space<vmem>>
        tpu.wait_dma2 semaphore(%arg25 : memref<!tpu.dma_semaphore, #tpu.memory_space<semaphore_mem>>) src(%dma_wait3A_565 : memref<8x8x128xf32, #tpu.memory_space<vmem>>) dst(%dma_wait3A_561 : memref<8x8x128xf32, #tpu.memory_space<hbm>>)
      } else {
      }
      %scan3A_403 = arith.constant 0 : i32
      %scan3A_404 = arith.constant 0 : i32
      %scan3A_405 = arith.constant 16 : i32
      %scan3A_406 = arith.addi %scan3A_404, %scan3A_405 : i32
      %scan3A_407 = arith.constant 1 : i32
      scf.for %scan3A_546 = %scan3A_404 to %scan3A_406 step %scan3A_407  : i32 {
        %mul3A_547 = arith.constant 8 : i32
        %mul3A_548 = arith.muli %scan3A_546, %mul3A_547 : i32
        %broadcast_in_dim3A = arith.constant 0 : i32
        %broadcast_in_dim3A_549 = vector.broadcast %broadcast_in_dim3A : i32 to vector<16xi32>
        %add3A_550 = arith.constant 0 : i32
        %add3A_551 = arith.addi %mul3A_548, %add3A_550 : i32
        %add3A_552 = vector.broadcast %add3A_551 : i32 to vector<16xi32>
        %add3A_553 = arith.addi %broadcast_in_dim3A_549, %add3A_552 : vector<16xi32>
        %broadcast_in_dim3A_554 = arith.constant 0 : i32
        %broadcast_in_dim3A_555 = vector.broadcast %broadcast_in_dim3A_554 : i32 to vector<16xi32>
        %add3A_556 = arith.constant 1 : i32
        %add3A_557 = arith.addi %mul3A_548, %add3A_556 : i32
        %add3A_558 = vector.broadcast %add3A_557 : i32 to vector<16xi32>
        %add3A_559 = arith.addi %broadcast_in_dim3A_555, %add3A_558 : vector<16xi32>
        %broadcast_in_dim3A_560 = arith.constant 0 : i32
        %broadcast_in_dim3A_561 = vector.broadcast %broadcast_in_dim3A_560 : i32 to vector<16xi32>
        %add3A_562 = arith.constant 2 : i32
        %add3A_563 = arith.addi %mul3A_548, %add3A_562 : i32
        %add3A_564 = vector.broadcast %add3A_563 : i32 to vector<16xi32>
        %add3A_565 = arith.addi %broadcast_in_dim3A_561, %add3A_564 : vector<16xi32>
        %broadcast_in_dim3A_566 = arith.constant 0 : i32
        %broadcast_in_dim3A_567 = vector.broadcast %broadcast_in_dim3A_566 : i32 to vector<16xi32>
        %add3A_568 = arith.constant 3 : i32
        %add3A_569 = arith.addi %mul3A_548, %add3A_568 : i32
        %add3A_570 = vector.broadcast %add3A_569 : i32 to vector<16xi32>
        %add3A_571 = arith.addi %broadcast_in_dim3A_567, %add3A_570 : vector<16xi32>
        %broadcast_in_dim3A_572 = arith.constant 0 : i32
        %broadcast_in_dim3A_573 = vector.broadcast %broadcast_in_dim3A_572 : i32 to vector<16xi32>
        %add3A_574 = arith.constant 4 : i32
        %add3A_575 = arith.addi %mul3A_548, %add3A_574 : i32
        %add3A_576 = vector.broadcast %add3A_575 : i32 to vector<16xi32>
        %add3A_577 = arith.addi %broadcast_in_dim3A_573, %add3A_576 : vector<16xi32>
        %broadcast_in_dim3A_578 = arith.constant 0 : i32
        %broadcast_in_dim3A_579 = vector.broadcast %broadcast_in_dim3A_578 : i32 to vector<16xi32>
        %add3A_580 = arith.constant 5 : i32
        %add3A_581 = arith.addi %mul3A_548, %add3A_580 : i32
        %add3A_582 = vector.broadcast %add3A_581 : i32 to vector<16xi32>
        %add3A_583 = arith.addi %broadcast_in_dim3A_579, %add3A_582 : vector<16xi32>
        %broadcast_in_dim3A_584 = arith.constant 0 : i32
        %broadcast_in_dim3A_585 = vector.broadcast %broadcast_in_dim3A_584 : i32 to vector<16xi32>
        %add3A_586 = arith.constant 6 : i32
        %add3A_587 = arith.addi %mul3A_548, %add3A_586 : i32
        %add3A_588 = vector.broadcast %add3A_587 : i32 to vector<16xi32>
        %add3A_589 = arith.addi %broadcast_in_dim3A_585, %add3A_588 : vector<16xi32>
        %broadcast_in_dim3A_590 = arith.constant 0 : i32
        %broadcast_in_dim3A_591 = vector.broadcast %broadcast_in_dim3A_590 : i32 to vector<16xi32>
        %add3A_592 = arith.constant 7 : i32
        %add3A_593 = arith.addi %mul3A_548, %add3A_592 : i32
        %add3A_594 = vector.broadcast %add3A_593 : i32 to vector<16xi32>
        %add3A_595 = arith.addi %broadcast_in_dim3A_591, %add3A_594 : vector<16xi32>
        %add3A_596 = arith.constant 0 : i32
        %add3A_597 = arith.addi %mul3A_548, %add3A_596 : i32
        %get3A = arith.index_cast %add3A_597 : i32 to index
        %get3A_598 = arith.constant 0 : index
        %get3A_599 = tpu.vector_load %arg9[%get3A, %get3A_598] {strides = array<i32>} : memref<128x64xf32, #tpu.memory_space<vmem>>, vector<16xf32>,
        %add3A_600 = arith.constant 0 : i32
        %add3A_601 = arith.addi %mul3A_548, %add3A_600 : i32
        %get3A_602 = arith.index_cast %add3A_601 : i32 to index
        %get3A_603 = arith.constant 16 : index
        %get3A_604 = tpu.vector_load %arg9[%get3A_602, %get3A_603] {strides = array<i32>} : memref<128x64xf32, #tpu.memory_space<vmem>>, vector<16xf32>,
        %add3A_605 = arith.constant 0 : i32
        %add3A_606 = arith.addi %mul3A_548, %add3A_605 : i32
        %get3A_607 = arith.index_cast %add3A_606 : i32 to index
        %get3A_608 = arith.constant 32 : index
        %get3A_609 = tpu.vector_load %arg9[%get3A_607, %get3A_608] {strides = array<i32>} : memref<128x64xf32, #tpu.memory_space<vmem>>, vector<16xf32>,
        %add3A_610 = arith.constant 0 : i32
        %add3A_611 = arith.addi %mul3A_548, %add3A_610 : i32
        %get3A_612 = arith.index_cast %add3A_611 : i32 to index
        %get3A_613 = arith.constant 48 : index
        %get3A_614 = tpu.vector_load %arg9[%get3A_612, %get3A_613] {strides = array<i32>} : memref<128x64xf32, #tpu.memory_space<vmem>>, vector<16xf32>,
        %add3A_615 = arith.constant 1 : i32
        %add3A_616 = arith.addi %mul3A_548, %add3A_615 : i32
        %get3A_617 = arith.index_cast %add3A_616 : i32 to index
        %get3A_618 = arith.constant 0 : index
        %get3A_619 = tpu.vector_load %arg9[%get3A_617, %get3A_618] {strides = array<i32>} : memref<128x64xf32, #tpu.memory_space<vmem>>, vector<16xf32>,
        %add3A_620 = arith.constant 1 : i32
        %add3A_621 = arith.addi %mul3A_548, %add3A_620 : i32
        %get3A_622 = arith.index_cast %add3A_621 : i32 to index
        %get3A_623 = arith.constant 16 : index
        %get3A_624 = tpu.vector_load %arg9[%get3A_622, %get3A_623] {strides = array<i32>} : memref<128x64xf32, #tpu.memory_space<vmem>>, vector<16xf32>,
        %add3A_625 = arith.constant 1 : i32
        %add3A_626 = arith.addi %mul3A_548, %add3A_625 : i32
        %get3A_627 = arith.index_cast %add3A_626 : i32 to index
        %get3A_628 = arith.constant 32 : index
        %get3A_629 = tpu.vector_load %arg9[%get3A_627, %get3A_628] {strides = array<i32>} : memref<128x64xf32, #tpu.memory_space<vmem>>, vector<16xf32>,
        %add3A_630 = arith.constant 1 : i32
        %add3A_631 = arith.addi %mul3A_548, %add3A_630 : i32
        %get3A_632 = arith.index_cast %add3A_631 : i32 to index
        %get3A_633 = arith.constant 48 : index
        %get3A_634 = tpu.vector_load %arg9[%get3A_632, %get3A_633] {strides = array<i32>} : memref<128x64xf32, #tpu.memory_space<vmem>>, vector<16xf32>,
        %add3A_635 = arith.constant 2 : i32
        %add3A_636 = arith.addi %mul3A_548, %add3A_635 : i32
        %get3A_637 = arith.index_cast %add3A_636 : i32 to index
        %get3A_638 = arith.constant 0 : index
        %get3A_639 = tpu.vector_load %arg9[%get3A_637, %get3A_638] {strides = array<i32>} : memref<128x64xf32, #tpu.memory_space<vmem>>, vector<16xf32>,
        %add3A_640 = arith.constant 2 : i32
        %add3A_641 = arith.addi %mul3A_548, %add3A_640 : i32
        %get3A_642 = arith.index_cast %add3A_641 : i32 to index
        %get3A_643 = arith.constant 16 : index
        %get3A_644 = tpu.vector_load %arg9[%get3A_642, %get3A_643] {strides = array<i32>} : memref<128x64xf32, #tpu.memory_space<vmem>>, vector<16xf32>,
        %add3A_645 = arith.constant 2 : i32
        %add3A_646 = arith.addi %mul3A_548, %add3A_645 : i32
        %get3A_647 = arith.index_cast %add3A_646 : i32 to index
        %get3A_648 = arith.constant 32 : index
        %get3A_649 = tpu.vector_load %arg9[%get3A_647, %get3A_648] {strides = array<i32>} : memref<128x64xf32, #tpu.memory_space<vmem>>, vector<16xf32>,
        %add3A_650 = arith.constant 2 : i32
        %add3A_651 = arith.addi %mul3A_548, %add3A_650 : i32
        %get3A_652 = arith.index_cast %add3A_651 : i32 to index
        %get3A_653 = arith.constant 48 : index
        %get3A_654 = tpu.vector_load %arg9[%get3A_652, %get3A_653] {strides = array<i32>} : memref<128x64xf32, #tpu.memory_space<vmem>>, vector<16xf32>,
        %add3A_655 = arith.constant 3 : i32
        %add3A_656 = arith.addi %mul3A_548, %add3A_655 : i32
        %get3A_657 = arith.index_cast %add3A_656 : i32 to index
        %get3A_658 = arith.constant 0 : index
        %get3A_659 = tpu.vector_load %arg9[%get3A_657, %get3A_658] {strides = array<i32>} : memref<128x64xf32, #tpu.memory_space<vmem>>, vector<16xf32>,
        %add3A_660 = arith.constant 3 : i32
        %add3A_661 = arith.addi %mul3A_548, %add3A_660 : i32
        %get3A_662 = arith.index_cast %add3A_661 : i32 to index
        %get3A_663 = arith.constant 16 : index
        %get3A_664 = tpu.vector_load %arg9[%get3A_662, %get3A_663] {strides = array<i32>} : memref<128x64xf32, #tpu.memory_space<vmem>>, vector<16xf32>,
        %add3A_665 = arith.constant 3 : i32
        %add3A_666 = arith.addi %mul3A_548, %add3A_665 : i32
        %get3A_667 = arith.index_cast %add3A_666 : i32 to index
        %get3A_668 = arith.constant 32 : index
        %get3A_669 = tpu.vector_load %arg9[%get3A_667, %get3A_668] {strides = array<i32>} : memref<128x64xf32, #tpu.memory_space<vmem>>, vector<16xf32>,
        %add3A_670 = arith.constant 3 : i32
        %add3A_671 = arith.addi %mul3A_548, %add3A_670 : i32
        %get3A_672 = arith.index_cast %add3A_671 : i32 to index
        %get3A_673 = arith.constant 48 : index
        %get3A_674 = tpu.vector_load %arg9[%get3A_672, %get3A_673] {strides = array<i32>} : memref<128x64xf32, #tpu.memory_space<vmem>>, vector<16xf32>,
        %add3A_675 = arith.constant 4 : i32
        %add3A_676 = arith.addi %mul3A_548, %add3A_675 : i32
        %get3A_677 = arith.index_cast %add3A_676 : i32 to index
        %get3A_678 = arith.constant 0 : index
        %get3A_679 = tpu.vector_load %arg9[%get3A_677, %get3A_678] {strides = array<i32>} : memref<128x64xf32, #tpu.memory_space<vmem>>, vector<16xf32>,
        %add3A_680 = arith.constant 4 : i32
        %add3A_681 = arith.addi %mul3A_548, %add3A_680 : i32
        %get3A_682 = arith.index_cast %add3A_681 : i32 to index
        %get3A_683 = arith.constant 16 : index
        %get3A_684 = tpu.vector_load %arg9[%get3A_682, %get3A_683] {strides = array<i32>} : memref<128x64xf32, #tpu.memory_space<vmem>>, vector<16xf32>,
        %add3A_685 = arith.constant 4 : i32
        %add3A_686 = arith.addi %mul3A_548, %add3A_685 : i32
        %get3A_687 = arith.index_cast %add3A_686 : i32 to index
        %get3A_688 = arith.constant 32 : index
        %get3A_689 = tpu.vector_load %arg9[%get3A_687, %get3A_688] {strides = array<i32>} : memref<128x64xf32, #tpu.memory_space<vmem>>, vector<16xf32>,
        %add3A_690 = arith.constant 4 : i32
        %add3A_691 = arith.addi %mul3A_548, %add3A_690 : i32
        %get3A_692 = arith.index_cast %add3A_691 : i32 to index
        %get3A_693 = arith.constant 48 : index
        %get3A_694 = tpu.vector_load %arg9[%get3A_692, %get3A_693] {strides = array<i32>} : memref<128x64xf32, #tpu.memory_space<vmem>>, vector<16xf32>,
        %add3A_695 = arith.constant 5 : i32
        %add3A_696 = arith.addi %mul3A_548, %add3A_695 : i32
        %get3A_697 = arith.index_cast %add3A_696 : i32 to index
        %get3A_698 = arith.constant 0 : index
        %get3A_699 = tpu.vector_load %arg9[%get3A_697, %get3A_698] {strides = array<i32>} : memref<128x64xf32, #tpu.memory_space<vmem>>, vector<16xf32>,
        %add3A_700 = arith.constant 5 : i32
        %add3A_701 = arith.addi %mul3A_548, %add3A_700 : i32
        %get3A_702 = arith.index_cast %add3A_701 : i32 to index
        %get3A_703 = arith.constant 16 : index
        %get3A_704 = tpu.vector_load %arg9[%get3A_702, %get3A_703] {strides = array<i32>} : memref<128x64xf32, #tpu.memory_space<vmem>>, vector<16xf32>,
        %add3A_705 = arith.constant 5 : i32
        %add3A_706 = arith.addi %mul3A_548, %add3A_705 : i32
        %get3A_707 = arith.index_cast %add3A_706 : i32 to index
        %get3A_708 = arith.constant 32 : index
        %get3A_709 = tpu.vector_load %arg9[%get3A_707, %get3A_708] {strides = array<i32>} : memref<128x64xf32, #tpu.memory_space<vmem>>, vector<16xf32>,
        %add3A_710 = arith.constant 5 : i32
        %add3A_711 = arith.addi %mul3A_548, %add3A_710 : i32
        %get3A_712 = arith.index_cast %add3A_711 : i32 to index
        %get3A_713 = arith.constant 48 : index
        %get3A_714 = tpu.vector_load %arg9[%get3A_712, %get3A_713] {strides = array<i32>} : memref<128x64xf32, #tpu.memory_space<vmem>>, vector<16xf32>,
        %add3A_715 = arith.constant 6 : i32
        %add3A_716 = arith.addi %mul3A_548, %add3A_715 : i32
        %get3A_717 = arith.index_cast %add3A_716 : i32 to index
        %get3A_718 = arith.constant 0 : index
        %get3A_719 = tpu.vector_load %arg9[%get3A_717, %get3A_718] {strides = array<i32>} : memref<128x64xf32, #tpu.memory_space<vmem>>, vector<16xf32>,
        %add3A_720 = arith.constant 6 : i32
        %add3A_721 = arith.addi %mul3A_548, %add3A_720 : i32
        %get3A_722 = arith.index_cast %add3A_721 : i32 to index
        %get3A_723 = arith.constant 16 : index
        %get3A_724 = tpu.vector_load %arg9[%get3A_722, %get3A_723] {strides = array<i32>} : memref<128x64xf32, #tpu.memory_space<vmem>>, vector<16xf32>,
        %add3A_725 = arith.constant 6 : i32
        %add3A_726 = arith.addi %mul3A_548, %add3A_725 : i32
        %get3A_727 = arith.index_cast %add3A_726 : i32 to index
        %get3A_728 = arith.constant 32 : index
        %get3A_729 = tpu.vector_load %arg9[%get3A_727, %get3A_728] {strides = array<i32>} : memref<128x64xf32, #tpu.memory_space<vmem>>, vector<16xf32>,
        %add3A_730 = arith.constant 6 : i32
        %add3A_731 = arith.addi %mul3A_548, %add3A_730 : i32
        %get3A_732 = arith.index_cast %add3A_731 : i32 to index
        %get3A_733 = arith.constant 48 : index
        %get3A_734 = tpu.vector_load %arg9[%get3A_732, %get3A_733] {strides = array<i32>} : memref<128x64xf32, #tpu.memory_space<vmem>>, vector<16xf32>,
        %add3A_735 = arith.constant 7 : i32
        %add3A_736 = arith.addi %mul3A_548, %add3A_735 : i32
        %get3A_737 = arith.index_cast %add3A_736 : i32 to index
        %get3A_738 = arith.constant 0 : index
        %get3A_739 = tpu.vector_load %arg9[%get3A_737, %get3A_738] {strides = array<i32>} : memref<128x64xf32, #tpu.memory_space<vmem>>, vector<16xf32>,
        %add3A_740 = arith.constant 7 : i32
        %add3A_741 = arith.addi %mul3A_548, %add3A_740 : i32
        %get3A_742 = arith.index_cast %add3A_741 : i32 to index
        %get3A_743 = arith.constant 16 : index
        %get3A_744 = tpu.vector_load %arg9[%get3A_742, %get3A_743] {strides = array<i32>} : memref<128x64xf32, #tpu.memory_space<vmem>>, vector<16xf32>,
        %add3A_745 = arith.constant 7 : i32
        %add3A_746 = arith.addi %mul3A_548, %add3A_745 : i32
        %get3A_747 = arith.index_cast %add3A_746 : i32 to index
        %get3A_748 = arith.constant 32 : index
        %get3A_749 = tpu.vector_load %arg9[%get3A_747, %get3A_748] {strides = array<i32>} : memref<128x64xf32, #tpu.memory_space<vmem>>, vector<16xf32>,
        %add3A_750 = arith.constant 7 : i32
        %add3A_751 = arith.addi %mul3A_548, %add3A_750 : i32
        %get3A_752 = arith.index_cast %add3A_751 : i32 to index
        %get3A_753 = arith.constant 48 : index
        %get3A_754 = tpu.vector_load %arg9[%get3A_752, %get3A_753] {strides = array<i32>} : memref<128x64xf32, #tpu.memory_space<vmem>>, vector<16xf32>,
        tpu.vector_store_idx %arg13[%select_n3A, %select_n3A_153, %add3A_553], %get3A_599 : memref<8x8x133xf32, #tpu.memory_space<vmem>>[vector<16xi32>, vector<16xi32>, vector<16xi32>], vector<16xf32>,
        tpu.vector_store_idx %arg13[%select_n3A_62, %select_n3A_178, %add3A_553], %get3A_604 : memref<8x8x133xf32, #tpu.memory_space<vmem>>[vector<16xi32>, vector<16xi32>, vector<16xi32>], vector<16xf32>,
        tpu.vector_store_idx %arg13[%select_n3A_96, %select_n3A_203, %add3A_553], %get3A_609 : memref<8x8x133xf32, #tpu.memory_space<vmem>>[vector<16xi32>, vector<16xi32>, vector<16xi32>], vector<16xf32>,
        tpu.vector_store_idx %arg13[%select_n3A_130, %select_n3A_228, %add3A_553], %get3A_614 : memref<8x8x133xf32, #tpu.memory_space<vmem>>[vector<16xi32>, vector<16xi32>, vector<16xi32>], vector<16xf32>,
        tpu.vector_store_idx %arg13[%select_n3A, %select_n3A_153, %add3A_559], %get3A_619 : memref<8x8x133xf32, #tpu.memory_space<vmem>>[vector<16xi32>, vector<16xi32>, vector<16xi32>], vector<16xf32>,
        tpu.vector_store_idx %arg13[%select_n3A_62, %select_n3A_178, %add3A_559], %get3A_624 : memref<8x8x133xf32, #tpu.memory_space<vmem>>[vector<16xi32>, vector<16xi32>, vector<16xi32>], vector<16xf32>,
        tpu.vector_store_idx %arg13[%select_n3A_96, %select_n3A_203, %add3A_559], %get3A_629 : memref<8x8x133xf32, #tpu.memory_space<vmem>>[vector<16xi32>, vector<16xi32>, vector<16xi32>], vector<16xf32>,
        tpu.vector_store_idx %arg13[%select_n3A_130, %select_n3A_228, %add3A_559], %get3A_634 : memref<8x8x133xf32, #tpu.memory_space<vmem>>[vector<16xi32>, vector<16xi32>, vector<16xi32>], vector<16xf32>,
        tpu.vector_store_idx %arg13[%select_n3A, %select_n3A_153, %add3A_565], %get3A_639 : memref<8x8x133xf32, #tpu.memory_space<vmem>>[vector<16xi32>, vector<16xi32>, vector<16xi32>], vector<16xf32>,
        tpu.vector_store_idx %arg13[%select_n3A_62, %select_n3A_178, %add3A_565], %get3A_644 : memref<8x8x133xf32, #tpu.memory_space<vmem>>[vector<16xi32>, vector<16xi32>, vector<16xi32>], vector<16xf32>,
        tpu.vector_store_idx %arg13[%select_n3A_96, %select_n3A_203, %add3A_565], %get3A_649 : memref<8x8x133xf32, #tpu.memory_space<vmem>>[vector<16xi32>, vector<16xi32>, vector<16xi32>], vector<16xf32>,
        tpu.vector_store_idx %arg13[%select_n3A_130, %select_n3A_228, %add3A_565], %get3A_654 : memref<8x8x133xf32, #tpu.memory_space<vmem>>[vector<16xi32>, vector<16xi32>, vector<16xi32>], vector<16xf32>,
        tpu.vector_store_idx %arg13[%select_n3A, %select_n3A_153, %add3A_571], %get3A_659 : memref<8x8x133xf32, #tpu.memory_space<vmem>>[vector<16xi32>, vector<16xi32>, vector<16xi32>], vector<16xf32>,
        tpu.vector_store_idx %arg13[%select_n3A_62, %select_n3A_178, %add3A_571], %get3A_664 : memref<8x8x133xf32, #tpu.memory_space<vmem>>[vector<16xi32>, vector<16xi32>, vector<16xi32>], vector<16xf32>,
        tpu.vector_store_idx %arg13[%select_n3A_96, %select_n3A_203, %add3A_571], %get3A_669 : memref<8x8x133xf32, #tpu.memory_space<vmem>>[vector<16xi32>, vector<16xi32>, vector<16xi32>], vector<16xf32>,
        tpu.vector_store_idx %arg13[%select_n3A_130, %select_n3A_228, %add3A_571], %get3A_674 : memref<8x8x133xf32, #tpu.memory_space<vmem>>[vector<16xi32>, vector<16xi32>, vector<16xi32>], vector<16xf32>,
        tpu.vector_store_idx %arg13[%select_n3A, %select_n3A_153, %add3A_577], %get3A_679 : memref<8x8x133xf32, #tpu.memory_space<vmem>>[vector<16xi32>, vector<16xi32>, vector<16xi32>], vector<16xf32>,
        tpu.vector_store_idx %arg13[%select_n3A_62, %select_n3A_178, %add3A_577], %get3A_684 : memref<8x8x133xf32, #tpu.memory_space<vmem>>[vector<16xi32>, vector<16xi32>, vector<16xi32>], vector<16xf32>,
        tpu.vector_store_idx %arg13[%select_n3A_96, %select_n3A_203, %add3A_577], %get3A_689 : memref<8x8x133xf32, #tpu.memory_space<vmem>>[vector<16xi32>, vector<16xi32>, vector<16xi32>], vector<16xf32>,
        tpu.vector_store_idx %arg13[%select_n3A_130, %select_n3A_228, %add3A_577], %get3A_694 : memref<8x8x133xf32, #tpu.memory_space<vmem>>[vector<16xi32>, vector<16xi32>, vector<16xi32>], vector<16xf32>,
        tpu.vector_store_idx %arg13[%select_n3A, %select_n3A_153, %add3A_583], %get3A_699 : memref<8x8x133xf32, #tpu.memory_space<vmem>>[vector<16xi32>, vector<16xi32>, vector<16xi32>], vector<16xf32>,
        tpu.vector_store_idx %arg13[%select_n3A_62, %select_n3A_178, %add3A_583], %get3A_704 : memref<8x8x133xf32, #tpu.memory_space<vmem>>[vector<16xi32>, vector<16xi32>, vector<16xi32>], vector<16xf32>,
        tpu.vector_store_idx %arg13[%select_n3A_96, %select_n3A_203, %add3A_583], %get3A_709 : memref<8x8x133xf32, #tpu.memory_space<vmem>>[vector<16xi32>, vector<16xi32>, vector<16xi32>], vector<16xf32>,
        tpu.vector_store_idx %arg13[%select_n3A_130, %select_n3A_228, %add3A_583], %get3A_714 : memref<8x8x133xf32, #tpu.memory_space<vmem>>[vector<16xi32>, vector<16xi32>, vector<16xi32>], vector<16xf32>,
        tpu.vector_store_idx %arg13[%select_n3A, %select_n3A_153, %add3A_589], %get3A_719 : memref<8x8x133xf32, #tpu.memory_space<vmem>>[vector<16xi32>, vector<16xi32>, vector<16xi32>], vector<16xf32>,
        tpu.vector_store_idx %arg13[%select_n3A_62, %select_n3A_178, %add3A_589], %get3A_724 : memref<8x8x133xf32, #tpu.memory_space<vmem>>[vector<16xi32>, vector<16xi32>, vector<16xi32>], vector<16xf32>,
        tpu.vector_store_idx %arg13[%select_n3A_96, %select_n3A_203, %add3A_589], %get3A_729 : memref<8x8x133xf32, #tpu.memory_space<vmem>>[vector<16xi32>, vector<16xi32>, vector<16xi32>], vector<16xf32>,
        tpu.vector_store_idx %arg13[%select_n3A_130, %select_n3A_228, %add3A_589], %get3A_734 : memref<8x8x133xf32, #tpu.memory_space<vmem>>[vector<16xi32>, vector<16xi32>, vector<16xi32>], vector<16xf32>,
        tpu.vector_store_idx %arg13[%select_n3A, %select_n3A_153, %add3A_595], %get3A_739 : memref<8x8x133xf32, #tpu.memory_space<vmem>>[vector<16xi32>, vector<16xi32>, vector<16xi32>], vector<16xf32>,
        tpu.vector_store_idx %arg13[%select_n3A_62, %select_n3A_178, %add3A_595], %get3A_744 : memref<8x8x133xf32, #tpu.memory_space<vmem>>[vector<16xi32>, vector<16xi32>, vector<16xi32>], vector<16xf32>,
        tpu.vector_store_idx %arg13[%select_n3A_96, %select_n3A_203, %add3A_595], %get3A_749 : memref<8x8x133xf32, #tpu.memory_space<vmem>>[vector<16xi32>, vector<16xi32>, vector<16xi32>], vector<16xf32>,
        tpu.vector_store_idx %arg13[%select_n3A_130, %select_n3A_228, %add3A_595], %get3A_754 : memref<8x8x133xf32, #tpu.memory_space<vmem>>[vector<16xi32>, vector<16xi32>, vector<16xi32>], vector<16xf32>,
      }
      %scan3A_408 = arith.constant 16 : i32
      %dma_start3A_409 = arith.constant 0 : i32
      %dma_start3A_410 = arith.constant 0 : i32
      %dma_start3A_411 = arith.constant 0 : i32
      %dma_start3A_412 = tpu.memref_slice %arg13[%dma_start3A_409, %dma_start3A_410, %dma_start3A_411] : memref<8x8x133xf32, #tpu.memory_space<vmem>> -> memref<8x8x128xf32, #tpu.memory_space<vmem>>
      %dma_start3A_413 = arith.constant 0 : i32
      %dma_start3A_414 = arith.constant 0 : i32
      %dma_start3A_415 = arith.constant 0 : i32
      %dma_start3A_416 = tpu.memref_slice %arg4[%add3A_398, %dma_start3A_413, %add3A, %dma_start3A_414, %dma_start3A_415] : memref<200x8x32x8x128xf32, #tpu.memory_space<hbm>> -> memref<1x8x1x8x128xf32, #tpu.memory_space<hbm>>
      %dma_start3A_417 = tpu.memref_squeeze %dma_start3A_416 : memref<1x8x1x8x128xf32, #tpu.memory_space<hbm>> -> memref<8x8x128xf32, #tpu.memory_space<hbm>>
      %dma_start3A_418 = arith.constant 0 : i32
      %dma_start3A_419 = arith.constant 0 : i32
      %dma_start3A_420 = arith.constant 0 : i32
      %dma_start3A_421 = tpu.memref_slice %arg4[%add3A_398, %dma_start3A_418, %add3A, %dma_start3A_419, %dma_start3A_420] : memref<200x8x32x8x128xf32, #tpu.memory_space<hbm>> -> memref<1x8x1x8x128xf32, #tpu.memory_space<hbm>>
      %dma_start3A_422 = tpu.memref_squeeze %dma_start3A_421 : memref<1x8x1x8x128xf32, #tpu.memory_space<hbm>> -> memref<8x8x128xf32, #tpu.memory_space<hbm>>
      %dma_start3A_423 = arith.constant 0 : i32
      %dma_start3A_424 = arith.constant 0 : i32
      %dma_start3A_425 = arith.constant 0 : i32
      %dma_start3A_426 = tpu.memref_slice %arg13[%dma_start3A_423, %dma_start3A_424, %dma_start3A_425] : memref<8x8x133xf32, #tpu.memory_space<vmem>> -> memref<8x8x128xf32, #tpu.memory_space<vmem>>
      tpu.enqueue_dma source(%dma_start3A_426 : memref<8x8x128xf32, #tpu.memory_space<vmem>>) target(%dma_start3A_422 : memref<8x8x128xf32, #tpu.memory_space<hbm>>) target_semaphore(%arg25 : memref<!tpu.dma_semaphore, #tpu.memory_space<semaphore_mem>>)
      %mul3A_427 = arith.constant 4 : i32
      %mul3A_428 = arith.muli %mul3A_427, %scan3A_364 : i32
      %add3A_429 = arith.constant 1 : i32
      %add3A_430 = arith.addi %mul3A_428, %add3A_429 : i32
      %ge3A_431 = arith.constant 1 : i32
      %ge3A_432 = arith.cmpi sge, %scan3A_364, %ge3A_431 : i32
      %convert_element_type3A_433 = arith.extui %ge3A_432 : i1 to i32
      %cond3A_434 = arith.constant 0 : i32
      %cond3A_435 = arith.cmpi ne, %convert_element_type3A_433, %cond3A_434 : i32
      scf.if %cond3A_435 {
        %dma_wait3A_546 = arith.constant 0 : i32
        %dma_wait3A_547 = arith.constant 0 : i32
        %dma_wait3A_548 = arith.constant 0 : i32
        %dma_wait3A_549 = arith.constant 0 : i32
        %dma_wait3A_550 = arith.constant 0 : i32
        %dma_wait3A_551 = tpu.memref_slice %arg14[%dma_wait3A_548, %dma_wait3A_549, %dma_wait3A_550] : memref<8x8x133xf32, #tpu.memory_space<vmem>> -> memref<8x8x128xf32, #tpu.memory_space<vmem>>
        %dma_wait3A_552 = arith.constant 0 : i32
        %dma_wait3A_553 = arith.constant 0 : i32
        %dma_wait3A_554 = arith.constant 0 : i32
        %dma_wait3A_555 = tpu.memref_slice %arg4[%dma_wait3A_546, %dma_wait3A_552, %dma_wait3A_547, %dma_wait3A_553, %dma_wait3A_554] : memref<200x8x32x8x128xf32, #tpu.memory_space<hbm>> -> memref<1x8x1x8x128xf32, #tpu.memory_space<hbm>>
        %dma_wait3A_556 = tpu.memref_squeeze %dma_wait3A_555 : memref<1x8x1x8x128xf32, #tpu.memory_space<hbm>> -> memref<8x8x128xf32, #tpu.memory_space<hbm>>
        %dma_wait3A_557 = arith.constant 0 : i32
        %dma_wait3A_558 = arith.constant 0 : i32
        %dma_wait3A_559 = arith.constant 0 : i32
        %dma_wait3A_560 = tpu.memref_slice %arg4[%dma_wait3A_546, %dma_wait3A_557, %dma_wait3A_547, %dma_wait3A_558, %dma_wait3A_559] : memref<200x8x32x8x128xf32, #tpu.memory_space<hbm>> -> memref<1x8x1x8x128xf32, #tpu.memory_space<hbm>>
        %dma_wait3A_561 = tpu.memref_squeeze %dma_wait3A_560 : memref<1x8x1x8x128xf32, #tpu.memory_space<hbm>> -> memref<8x8x128xf32, #tpu.memory_space<hbm>>
        %dma_wait3A_562 = arith.constant 0 : i32
        %dma_wait3A_563 = arith.constant 0 : i32
        %dma_wait3A_564 = arith.constant 0 : i32
        %dma_wait3A_565 = tpu.memref_slice %arg14[%dma_wait3A_562, %dma_wait3A_563, %dma_wait3A_564] : memref<8x8x133xf32, #tpu.memory_space<vmem>> -> memref<8x8x128xf32, #tpu.memory_space<vmem>>
        tpu.wait_dma2 semaphore(%arg26 : memref<!tpu.dma_semaphore, #tpu.memory_space<semaphore_mem>>) src(%dma_wait3A_565 : memref<8x8x128xf32, #tpu.memory_space<vmem>>) dst(%dma_wait3A_561 : memref<8x8x128xf32, #tpu.memory_space<hbm>>)
      } else {
      }
      %scan3A_436 = arith.constant 0 : i32
      %scan3A_437 = arith.constant 0 : i32
      %scan3A_438 = arith.constant 16 : i32
      %scan3A_439 = arith.addi %scan3A_437, %scan3A_438 : i32
      %scan3A_440 = arith.constant 1 : i32
      scf.for %scan3A_546 = %scan3A_437 to %scan3A_439 step %scan3A_440  : i32 {
        %mul3A_547 = arith.constant 8 : i32
        %mul3A_548 = arith.muli %scan3A_546, %mul3A_547 : i32
        %broadcast_in_dim3A = arith.constant 0 : i32
        %broadcast_in_dim3A_549 = vector.broadcast %broadcast_in_dim3A : i32 to vector<16xi32>
        %add3A_550 = arith.constant 0 : i32
        %add3A_551 = arith.addi %mul3A_548, %add3A_550 : i32
        %add3A_552 = vector.broadcast %add3A_551 : i32 to vector<16xi32>
        %add3A_553 = arith.addi %broadcast_in_dim3A_549, %add3A_552 : vector<16xi32>
        %broadcast_in_dim3A_554 = arith.constant 0 : i32
        %broadcast_in_dim3A_555 = vector.broadcast %broadcast_in_dim3A_554 : i32 to vector<16xi32>
        %add3A_556 = arith.constant 1 : i32
        %add3A_557 = arith.addi %mul3A_548, %add3A_556 : i32
        %add3A_558 = vector.broadcast %add3A_557 : i32 to vector<16xi32>
        %add3A_559 = arith.addi %broadcast_in_dim3A_555, %add3A_558 : vector<16xi32>
        %broadcast_in_dim3A_560 = arith.constant 0 : i32
        %broadcast_in_dim3A_561 = vector.broadcast %broadcast_in_dim3A_560 : i32 to vector<16xi32>
        %add3A_562 = arith.constant 2 : i32
        %add3A_563 = arith.addi %mul3A_548, %add3A_562 : i32
        %add3A_564 = vector.broadcast %add3A_563 : i32 to vector<16xi32>
        %add3A_565 = arith.addi %broadcast_in_dim3A_561, %add3A_564 : vector<16xi32>
        %broadcast_in_dim3A_566 = arith.constant 0 : i32
        %broadcast_in_dim3A_567 = vector.broadcast %broadcast_in_dim3A_566 : i32 to vector<16xi32>
        %add3A_568 = arith.constant 3 : i32
        %add3A_569 = arith.addi %mul3A_548, %add3A_568 : i32
        %add3A_570 = vector.broadcast %add3A_569 : i32 to vector<16xi32>
        %add3A_571 = arith.addi %broadcast_in_dim3A_567, %add3A_570 : vector<16xi32>
        %broadcast_in_dim3A_572 = arith.constant 0 : i32
        %broadcast_in_dim3A_573 = vector.broadcast %broadcast_in_dim3A_572 : i32 to vector<16xi32>
        %add3A_574 = arith.constant 4 : i32
        %add3A_575 = arith.addi %mul3A_548, %add3A_574 : i32
        %add3A_576 = vector.broadcast %add3A_575 : i32 to vector<16xi32>
        %add3A_577 = arith.addi %broadcast_in_dim3A_573, %add3A_576 : vector<16xi32>
        %broadcast_in_dim3A_578 = arith.constant 0 : i32
        %broadcast_in_dim3A_579 = vector.broadcast %broadcast_in_dim3A_578 : i32 to vector<16xi32>
        %add3A_580 = arith.constant 5 : i32
        %add3A_581 = arith.addi %mul3A_548, %add3A_580 : i32
        %add3A_582 = vector.broadcast %add3A_581 : i32 to vector<16xi32>
        %add3A_583 = arith.addi %broadcast_in_dim3A_579, %add3A_582 : vector<16xi32>
        %broadcast_in_dim3A_584 = arith.constant 0 : i32
        %broadcast_in_dim3A_585 = vector.broadcast %broadcast_in_dim3A_584 : i32 to vector<16xi32>
        %add3A_586 = arith.constant 6 : i32
        %add3A_587 = arith.addi %mul3A_548, %add3A_586 : i32
        %add3A_588 = vector.broadcast %add3A_587 : i32 to vector<16xi32>
        %add3A_589 = arith.addi %broadcast_in_dim3A_585, %add3A_588 : vector<16xi32>
        %broadcast_in_dim3A_590 = arith.constant 0 : i32
        %broadcast_in_dim3A_591 = vector.broadcast %broadcast_in_dim3A_590 : i32 to vector<16xi32>
        %add3A_592 = arith.constant 7 : i32
        %add3A_593 = arith.addi %mul3A_548, %add3A_592 : i32
        %add3A_594 = vector.broadcast %add3A_593 : i32 to vector<16xi32>
        %add3A_595 = arith.addi %broadcast_in_dim3A_591, %add3A_594 : vector<16xi32>
        %add3A_596 = arith.constant 0 : i32
        %add3A_597 = arith.addi %mul3A_548, %add3A_596 : i32
        %get3A = arith.index_cast %add3A_597 : i32 to index
        %get3A_598 = arith.constant 0 : index
        %get3A_599 = tpu.vector_load %arg10[%get3A, %get3A_598] {strides = array<i32>} : memref<128x64xf32, #tpu.memory_space<vmem>>, vector<16xf32>,
        %add3A_600 = arith.constant 0 : i32
        %add3A_601 = arith.addi %mul3A_548, %add3A_600 : i32
        %get3A_602 = arith.index_cast %add3A_601 : i32 to index
        %get3A_603 = arith.constant 16 : index
        %get3A_604 = tpu.vector_load %arg10[%get3A_602, %get3A_603] {strides = array<i32>} : memref<128x64xf32, #tpu.memory_space<vmem>>, vector<16xf32>,
        %add3A_605 = arith.constant 0 : i32
        %add3A_606 = arith.addi %mul3A_548, %add3A_605 : i32
        %get3A_607 = arith.index_cast %add3A_606 : i32 to index
        %get3A_608 = arith.constant 32 : index
        %get3A_609 = tpu.vector_load %arg10[%get3A_607, %get3A_608] {strides = array<i32>} : memref<128x64xf32, #tpu.memory_space<vmem>>, vector<16xf32>,
        %add3A_610 = arith.constant 0 : i32
        %add3A_611 = arith.addi %mul3A_548, %add3A_610 : i32
        %get3A_612 = arith.index_cast %add3A_611 : i32 to index
        %get3A_613 = arith.constant 48 : index
        %get3A_614 = tpu.vector_load %arg10[%get3A_612, %get3A_613] {strides = array<i32>} : memref<128x64xf32, #tpu.memory_space<vmem>>, vector<16xf32>,
        %add3A_615 = arith.constant 1 : i32
        %add3A_616 = arith.addi %mul3A_548, %add3A_615 : i32
        %get3A_617 = arith.index_cast %add3A_616 : i32 to index
        %get3A_618 = arith.constant 0 : index
        %get3A_619 = tpu.vector_load %arg10[%get3A_617, %get3A_618] {strides = array<i32>} : memref<128x64xf32, #tpu.memory_space<vmem>>, vector<16xf32>,
        %add3A_620 = arith.constant 1 : i32
        %add3A_621 = arith.addi %mul3A_548, %add3A_620 : i32
        %get3A_622 = arith.index_cast %add3A_621 : i32 to index
        %get3A_623 = arith.constant 16 : index
        %get3A_624 = tpu.vector_load %arg10[%get3A_622, %get3A_623] {strides = array<i32>} : memref<128x64xf32, #tpu.memory_space<vmem>>, vector<16xf32>,
        %add3A_625 = arith.constant 1 : i32
        %add3A_626 = arith.addi %mul3A_548, %add3A_625 : i32
        %get3A_627 = arith.index_cast %add3A_626 : i32 to index
        %get3A_628 = arith.constant 32 : index
        %get3A_629 = tpu.vector_load %arg10[%get3A_627, %get3A_628] {strides = array<i32>} : memref<128x64xf32, #tpu.memory_space<vmem>>, vector<16xf32>,
        %add3A_630 = arith.constant 1 : i32
        %add3A_631 = arith.addi %mul3A_548, %add3A_630 : i32
        %get3A_632 = arith.index_cast %add3A_631 : i32 to index
        %get3A_633 = arith.constant 48 : index
        %get3A_634 = tpu.vector_load %arg10[%get3A_632, %get3A_633] {strides = array<i32>} : memref<128x64xf32, #tpu.memory_space<vmem>>, vector<16xf32>,
        %add3A_635 = arith.constant 2 : i32
        %add3A_636 = arith.addi %mul3A_548, %add3A_635 : i32
        %get3A_637 = arith.index_cast %add3A_636 : i32 to index
        %get3A_638 = arith.constant 0 : index
        %get3A_639 = tpu.vector_load %arg10[%get3A_637, %get3A_638] {strides = array<i32>} : memref<128x64xf32, #tpu.memory_space<vmem>>, vector<16xf32>,
        %add3A_640 = arith.constant 2 : i32
        %add3A_641 = arith.addi %mul3A_548, %add3A_640 : i32
        %get3A_642 = arith.index_cast %add3A_641 : i32 to index
        %get3A_643 = arith.constant 16 : index
        %get3A_644 = tpu.vector_load %arg10[%get3A_642, %get3A_643] {strides = array<i32>} : memref<128x64xf32, #tpu.memory_space<vmem>>, vector<16xf32>,
        %add3A_645 = arith.constant 2 : i32
        %add3A_646 = arith.addi %mul3A_548, %add3A_645 : i32
        %get3A_647 = arith.index_cast %add3A_646 : i32 to index
        %get3A_648 = arith.constant 32 : index
        %get3A_649 = tpu.vector_load %arg10[%get3A_647, %get3A_648] {strides = array<i32>} : memref<128x64xf32, #tpu.memory_space<vmem>>, vector<16xf32>,
        %add3A_650 = arith.constant 2 : i32
        %add3A_651 = arith.addi %mul3A_548, %add3A_650 : i32
        %get3A_652 = arith.index_cast %add3A_651 : i32 to index
        %get3A_653 = arith.constant 48 : index
        %get3A_654 = tpu.vector_load %arg10[%get3A_652, %get3A_653] {strides = array<i32>} : memref<128x64xf32, #tpu.memory_space<vmem>>, vector<16xf32>,
        %add3A_655 = arith.constant 3 : i32
        %add3A_656 = arith.addi %mul3A_548, %add3A_655 : i32
        %get3A_657 = arith.index_cast %add3A_656 : i32 to index
        %get3A_658 = arith.constant 0 : index
        %get3A_659 = tpu.vector_load %arg10[%get3A_657, %get3A_658] {strides = array<i32>} : memref<128x64xf32, #tpu.memory_space<vmem>>, vector<16xf32>,
        %add3A_660 = arith.constant 3 : i32
        %add3A_661 = arith.addi %mul3A_548, %add3A_660 : i32
        %get3A_662 = arith.index_cast %add3A_661 : i32 to index
        %get3A_663 = arith.constant 16 : index
        %get3A_664 = tpu.vector_load %arg10[%get3A_662, %get3A_663] {strides = array<i32>} : memref<128x64xf32, #tpu.memory_space<vmem>>, vector<16xf32>,
        %add3A_665 = arith.constant 3 : i32
        %add3A_666 = arith.addi %mul3A_548, %add3A_665 : i32
        %get3A_667 = arith.index_cast %add3A_666 : i32 to index
        %get3A_668 = arith.constant 32 : index
        %get3A_669 = tpu.vector_load %arg10[%get3A_667, %get3A_668] {strides = array<i32>} : memref<128x64xf32, #tpu.memory_space<vmem>>, vector<16xf32>,
        %add3A_670 = arith.constant 3 : i32
        %add3A_671 = arith.addi %mul3A_548, %add3A_670 : i32
        %get3A_672 = arith.index_cast %add3A_671 : i32 to index
        %get3A_673 = arith.constant 48 : index
        %get3A_674 = tpu.vector_load %arg10[%get3A_672, %get3A_673] {strides = array<i32>} : memref<128x64xf32, #tpu.memory_space<vmem>>, vector<16xf32>,
        %add3A_675 = arith.constant 4 : i32
        %add3A_676 = arith.addi %mul3A_548, %add3A_675 : i32
        %get3A_677 = arith.index_cast %add3A_676 : i32 to index
        %get3A_678 = arith.constant 0 : index
        %get3A_679 = tpu.vector_load %arg10[%get3A_677, %get3A_678] {strides = array<i32>} : memref<128x64xf32, #tpu.memory_space<vmem>>, vector<16xf32>,
        %add3A_680 = arith.constant 4 : i32
        %add3A_681 = arith.addi %mul3A_548, %add3A_680 : i32
        %get3A_682 = arith.index_cast %add3A_681 : i32 to index
        %get3A_683 = arith.constant 16 : index
        %get3A_684 = tpu.vector_load %arg10[%get3A_682, %get3A_683] {strides = array<i32>} : memref<128x64xf32, #tpu.memory_space<vmem>>, vector<16xf32>,
        %add3A_685 = arith.constant 4 : i32
        %add3A_686 = arith.addi %mul3A_548, %add3A_685 : i32
        %get3A_687 = arith.index_cast %add3A_686 : i32 to index
        %get3A_688 = arith.constant 32 : index
        %get3A_689 = tpu.vector_load %arg10[%get3A_687, %get3A_688] {strides = array<i32>} : memref<128x64xf32, #tpu.memory_space<vmem>>, vector<16xf32>,
        %add3A_690 = arith.constant 4 : i32
        %add3A_691 = arith.addi %mul3A_548, %add3A_690 : i32
        %get3A_692 = arith.index_cast %add3A_691 : i32 to index
        %get3A_693 = arith.constant 48 : index
        %get3A_694 = tpu.vector_load %arg10[%get3A_692, %get3A_693] {strides = array<i32>} : memref<128x64xf32, #tpu.memory_space<vmem>>, vector<16xf32>,
        %add3A_695 = arith.constant 5 : i32
        %add3A_696 = arith.addi %mul3A_548, %add3A_695 : i32
        %get3A_697 = arith.index_cast %add3A_696 : i32 to index
        %get3A_698 = arith.constant 0 : index
        %get3A_699 = tpu.vector_load %arg10[%get3A_697, %get3A_698] {strides = array<i32>} : memref<128x64xf32, #tpu.memory_space<vmem>>, vector<16xf32>,
        %add3A_700 = arith.constant 5 : i32
        %add3A_701 = arith.addi %mul3A_548, %add3A_700 : i32
        %get3A_702 = arith.index_cast %add3A_701 : i32 to index
        %get3A_703 = arith.constant 16 : index
        %get3A_704 = tpu.vector_load %arg10[%get3A_702, %get3A_703] {strides = array<i32>} : memref<128x64xf32, #tpu.memory_space<vmem>>, vector<16xf32>,
        %add3A_705 = arith.constant 5 : i32
        %add3A_706 = arith.addi %mul3A_548, %add3A_705 : i32
        %get3A_707 = arith.index_cast %add3A_706 : i32 to index
        %get3A_708 = arith.constant 32 : index
        %get3A_709 = tpu.vector_load %arg10[%get3A_707, %get3A_708] {strides = array<i32>} : memref<128x64xf32, #tpu.memory_space<vmem>>, vector<16xf32>,
        %add3A_710 = arith.constant 5 : i32
        %add3A_711 = arith.addi %mul3A_548, %add3A_710 : i32
        %get3A_712 = arith.index_cast %add3A_711 : i32 to index
        %get3A_713 = arith.constant 48 : index
        %get3A_714 = tpu.vector_load %arg10[%get3A_712, %get3A_713] {strides = array<i32>} : memref<128x64xf32, #tpu.memory_space<vmem>>, vector<16xf32>,
        %add3A_715 = arith.constant 6 : i32
        %add3A_716 = arith.addi %mul3A_548, %add3A_715 : i32
        %get3A_717 = arith.index_cast %add3A_716 : i32 to index
        %get3A_718 = arith.constant 0 : index
        %get3A_719 = tpu.vector_load %arg10[%get3A_717, %get3A_718] {strides = array<i32>} : memref<128x64xf32, #tpu.memory_space<vmem>>, vector<16xf32>,
        %add3A_720 = arith.constant 6 : i32
        %add3A_721 = arith.addi %mul3A_548, %add3A_720 : i32
        %get3A_722 = arith.index_cast %add3A_721 : i32 to index
        %get3A_723 = arith.constant 16 : index
        %get3A_724 = tpu.vector_load %arg10[%get3A_722, %get3A_723] {strides = array<i32>} : memref<128x64xf32, #tpu.memory_space<vmem>>, vector<16xf32>,
        %add3A_725 = arith.constant 6 : i32
        %add3A_726 = arith.addi %mul3A_548, %add3A_725 : i32
        %get3A_727 = arith.index_cast %add3A_726 : i32 to index
        %get3A_728 = arith.constant 32 : index
        %get3A_729 = tpu.vector_load %arg10[%get3A_727, %get3A_728] {strides = array<i32>} : memref<128x64xf32, #tpu.memory_space<vmem>>, vector<16xf32>,
        %add3A_730 = arith.constant 6 : i32
        %add3A_731 = arith.addi %mul3A_548, %add3A_730 : i32
        %get3A_732 = arith.index_cast %add3A_731 : i32 to index
        %get3A_733 = arith.constant 48 : index
        %get3A_734 = tpu.vector_load %arg10[%get3A_732, %get3A_733] {strides = array<i32>} : memref<128x64xf32, #tpu.memory_space<vmem>>, vector<16xf32>,
        %add3A_735 = arith.constant 7 : i32
        %add3A_736 = arith.addi %mul3A_548, %add3A_735 : i32
        %get3A_737 = arith.index_cast %add3A_736 : i32 to index
        %get3A_738 = arith.constant 0 : index
        %get3A_739 = tpu.vector_load %arg10[%get3A_737, %get3A_738] {strides = array<i32>} : memref<128x64xf32, #tpu.memory_space<vmem>>, vector<16xf32>,
        %add3A_740 = arith.constant 7 : i32
        %add3A_741 = arith.addi %mul3A_548, %add3A_740 : i32
        %get3A_742 = arith.index_cast %add3A_741 : i32 to index
        %get3A_743 = arith.constant 16 : index
        %get3A_744 = tpu.vector_load %arg10[%get3A_742, %get3A_743] {strides = array<i32>} : memref<128x64xf32, #tpu.memory_space<vmem>>, vector<16xf32>,
        %add3A_745 = arith.constant 7 : i32
        %add3A_746 = arith.addi %mul3A_548, %add3A_745 : i32
        %get3A_747 = arith.index_cast %add3A_746 : i32 to index
        %get3A_748 = arith.constant 32 : index
        %get3A_749 = tpu.vector_load %arg10[%get3A_747, %get3A_748] {strides = array<i32>} : memref<128x64xf32, #tpu.memory_space<vmem>>, vector<16xf32>,
        %add3A_750 = arith.constant 7 : i32
        %add3A_751 = arith.addi %mul3A_548, %add3A_750 : i32
        %get3A_752 = arith.index_cast %add3A_751 : i32 to index
        %get3A_753 = arith.constant 48 : index
        %get3A_754 = tpu.vector_load %arg10[%get3A_752, %get3A_753] {strides = array<i32>} : memref<128x64xf32, #tpu.memory_space<vmem>>, vector<16xf32>,
        tpu.vector_store_idx %arg14[%select_n3A, %select_n3A_153, %add3A_553], %get3A_599 : memref<8x8x133xf32, #tpu.memory_space<vmem>>[vector<16xi32>, vector<16xi32>, vector<16xi32>], vector<16xf32>,
        tpu.vector_store_idx %arg14[%select_n3A_62, %select_n3A_178, %add3A_553], %get3A_604 : memref<8x8x133xf32, #tpu.memory_space<vmem>>[vector<16xi32>, vector<16xi32>, vector<16xi32>], vector<16xf32>,
        tpu.vector_store_idx %arg14[%select_n3A_96, %select_n3A_203, %add3A_553], %get3A_609 : memref<8x8x133xf32, #tpu.memory_space<vmem>>[vector<16xi32>, vector<16xi32>, vector<16xi32>], vector<16xf32>,
        tpu.vector_store_idx %arg14[%select_n3A_130, %select_n3A_228, %add3A_553], %get3A_614 : memref<8x8x133xf32, #tpu.memory_space<vmem>>[vector<16xi32>, vector<16xi32>, vector<16xi32>], vector<16xf32>,
        tpu.vector_store_idx %arg14[%select_n3A, %select_n3A_153, %add3A_559], %get3A_619 : memref<8x8x133xf32, #tpu.memory_space<vmem>>[vector<16xi32>, vector<16xi32>, vector<16xi32>], vector<16xf32>,
        tpu.vector_store_idx %arg14[%select_n3A_62, %select_n3A_178, %add3A_559], %get3A_624 : memref<8x8x133xf32, #tpu.memory_space<vmem>>[vector<16xi32>, vector<16xi32>, vector<16xi32>], vector<16xf32>,
        tpu.vector_store_idx %arg14[%select_n3A_96, %select_n3A_203, %add3A_559], %get3A_629 : memref<8x8x133xf32, #tpu.memory_space<vmem>>[vector<16xi32>, vector<16xi32>, vector<16xi32>], vector<16xf32>,
        tpu.vector_store_idx %arg14[%select_n3A_130, %select_n3A_228, %add3A_559], %get3A_634 : memref<8x8x133xf32, #tpu.memory_space<vmem>>[vector<16xi32>, vector<16xi32>, vector<16xi32>], vector<16xf32>,
        tpu.vector_store_idx %arg14[%select_n3A, %select_n3A_153, %add3A_565], %get3A_639 : memref<8x8x133xf32, #tpu.memory_space<vmem>>[vector<16xi32>, vector<16xi32>, vector<16xi32>], vector<16xf32>,
        tpu.vector_store_idx %arg14[%select_n3A_62, %select_n3A_178, %add3A_565], %get3A_644 : memref<8x8x133xf32, #tpu.memory_space<vmem>>[vector<16xi32>, vector<16xi32>, vector<16xi32>], vector<16xf32>,
        tpu.vector_store_idx %arg14[%select_n3A_96, %select_n3A_203, %add3A_565], %get3A_649 : memref<8x8x133xf32, #tpu.memory_space<vmem>>[vector<16xi32>, vector<16xi32>, vector<16xi32>], vector<16xf32>,
        tpu.vector_store_idx %arg14[%select_n3A_130, %select_n3A_228, %add3A_565], %get3A_654 : memref<8x8x133xf32, #tpu.memory_space<vmem>>[vector<16xi32>, vector<16xi32>, vector<16xi32>], vector<16xf32>,
        tpu.vector_store_idx %arg14[%select_n3A, %select_n3A_153, %add3A_571], %get3A_659 : memref<8x8x133xf32, #tpu.memory_space<vmem>>[vector<16xi32>, vector<16xi32>, vector<16xi32>], vector<16xf32>,
        tpu.vector_store_idx %arg14[%select_n3A_62, %select_n3A_178, %add3A_571], %get3A_664 : memref<8x8x133xf32, #tpu.memory_space<vmem>>[vector<16xi32>, vector<16xi32>, vector<16xi32>], vector<16xf32>,
        tpu.vector_store_idx %arg14[%select_n3A_96, %select_n3A_203, %add3A_571], %get3A_669 : memref<8x8x133xf32, #tpu.memory_space<vmem>>[vector<16xi32>, vector<16xi32>, vector<16xi32>], vector<16xf32>,
        tpu.vector_store_idx %arg14[%select_n3A_130, %select_n3A_228, %add3A_571], %get3A_674 : memref<8x8x133xf32, #tpu.memory_space<vmem>>[vector<16xi32>, vector<16xi32>, vector<16xi32>], vector<16xf32>,
        tpu.vector_store_idx %arg14[%select_n3A, %select_n3A_153, %add3A_577], %get3A_679 : memref<8x8x133xf32, #tpu.memory_space<vmem>>[vector<16xi32>, vector<16xi32>, vector<16xi32>], vector<16xf32>,
        tpu.vector_store_idx %arg14[%select_n3A_62, %select_n3A_178, %add3A_577], %get3A_684 : memref<8x8x133xf32, #tpu.memory_space<vmem>>[vector<16xi32>, vector<16xi32>, vector<16xi32>], vector<16xf32>,
        tpu.vector_store_idx %arg14[%select_n3A_96, %select_n3A_203, %add3A_577], %get3A_689 : memref<8x8x133xf32, #tpu.memory_space<vmem>>[vector<16xi32>, vector<16xi32>, vector<16xi32>], vector<16xf32>,
        tpu.vector_store_idx %arg14[%select_n3A_130, %select_n3A_228, %add3A_577], %get3A_694 : memref<8x8x133xf32, #tpu.memory_space<vmem>>[vector<16xi32>, vector<16xi32>, vector<16xi32>], vector<16xf32>,
        tpu.vector_store_idx %arg14[%select_n3A, %select_n3A_153, %add3A_583], %get3A_699 : memref<8x8x133xf32, #tpu.memory_space<vmem>>[vector<16xi32>, vector<16xi32>, vector<16xi32>], vector<16xf32>,
        tpu.vector_store_idx %arg14[%select_n3A_62, %select_n3A_178, %add3A_583], %get3A_704 : memref<8x8x133xf32, #tpu.memory_space<vmem>>[vector<16xi32>, vector<16xi32>, vector<16xi32>], vector<16xf32>,
        tpu.vector_store_idx %arg14[%select_n3A_96, %select_n3A_203, %add3A_583], %get3A_709 : memref<8x8x133xf32, #tpu.memory_space<vmem>>[vector<16xi32>, vector<16xi32>, vector<16xi32>], vector<16xf32>,
        tpu.vector_store_idx %arg14[%select_n3A_130, %select_n3A_228, %add3A_583], %get3A_714 : memref<8x8x133xf32, #tpu.memory_space<vmem>>[vector<16xi32>, vector<16xi32>, vector<16xi32>], vector<16xf32>,
        tpu.vector_store_idx %arg14[%select_n3A, %select_n3A_153, %add3A_589], %get3A_719 : memref<8x8x133xf32, #tpu.memory_space<vmem>>[vector<16xi32>, vector<16xi32>, vector<16xi32>], vector<16xf32>,
        tpu.vector_store_idx %arg14[%select_n3A_62, %select_n3A_178, %add3A_589], %get3A_724 : memref<8x8x133xf32, #tpu.memory_space<vmem>>[vector<16xi32>, vector<16xi32>, vector<16xi32>], vector<16xf32>,
        tpu.vector_store_idx %arg14[%select_n3A_96, %select_n3A_203, %add3A_589], %get3A_729 : memref<8x8x133xf32, #tpu.memory_space<vmem>>[vector<16xi32>, vector<16xi32>, vector<16xi32>], vector<16xf32>,
        tpu.vector_store_idx %arg14[%select_n3A_130, %select_n3A_228, %add3A_589], %get3A_734 : memref<8x8x133xf32, #tpu.memory_space<vmem>>[vector<16xi32>, vector<16xi32>, vector<16xi32>], vector<16xf32>,
        tpu.vector_store_idx %arg14[%select_n3A, %select_n3A_153, %add3A_595], %get3A_739 : memref<8x8x133xf32, #tpu.memory_space<vmem>>[vector<16xi32>, vector<16xi32>, vector<16xi32>], vector<16xf32>,
        tpu.vector_store_idx %arg14[%select_n3A_62, %select_n3A_178, %add3A_595], %get3A_744 : memref<8x8x133xf32, #tpu.memory_space<vmem>>[vector<16xi32>, vector<16xi32>, vector<16xi32>], vector<16xf32>,
        tpu.vector_store_idx %arg14[%select_n3A_96, %select_n3A_203, %add3A_595], %get3A_749 : memref<8x8x133xf32, #tpu.memory_space<vmem>>[vector<16xi32>, vector<16xi32>, vector<16xi32>], vector<16xf32>,
        tpu.vector_store_idx %arg14[%select_n3A_130, %select_n3A_228, %add3A_595], %get3A_754 : memref<8x8x133xf32, #tpu.memory_space<vmem>>[vector<16xi32>, vector<16xi32>, vector<16xi32>], vector<16xf32>,
      }
      %scan3A_441 = arith.constant 16 : i32
      %dma_start3A_442 = arith.constant 0 : i32
      %dma_start3A_443 = arith.constant 0 : i32
      %dma_start3A_444 = arith.constant 0 : i32
      %dma_start3A_445 = tpu.memref_slice %arg14[%dma_start3A_442, %dma_start3A_443, %dma_start3A_444] : memref<8x8x133xf32, #tpu.memory_space<vmem>> -> memref<8x8x128xf32, #tpu.memory_space<vmem>>
      %dma_start3A_446 = arith.constant 0 : i32
      %dma_start3A_447 = arith.constant 0 : i32
      %dma_start3A_448 = arith.constant 0 : i32
      %dma_start3A_449 = tpu.memref_slice %arg4[%add3A_430, %dma_start3A_446, %add3A, %dma_start3A_447, %dma_start3A_448] : memref<200x8x32x8x128xf32, #tpu.memory_space<hbm>> -> memref<1x8x1x8x128xf32, #tpu.memory_space<hbm>>
      %dma_start3A_450 = tpu.memref_squeeze %dma_start3A_449 : memref<1x8x1x8x128xf32, #tpu.memory_space<hbm>> -> memref<8x8x128xf32, #tpu.memory_space<hbm>>
      %dma_start3A_451 = arith.constant 0 : i32
      %dma_start3A_452 = arith.constant 0 : i32
      %dma_start3A_453 = arith.constant 0 : i32
      %dma_start3A_454 = tpu.memref_slice %arg4[%add3A_430, %dma_start3A_451, %add3A, %dma_start3A_452, %dma_start3A_453] : memref<200x8x32x8x128xf32, #tpu.memory_space<hbm>> -> memref<1x8x1x8x128xf32, #tpu.memory_space<hbm>>
      %dma_start3A_455 = tpu.memref_squeeze %dma_start3A_454 : memref<1x8x1x8x128xf32, #tpu.memory_space<hbm>> -> memref<8x8x128xf32, #tpu.memory_space<hbm>>
      %dma_start3A_456 = arith.constant 0 : i32
      %dma_start3A_457 = arith.constant 0 : i32
      %dma_start3A_458 = arith.constant 0 : i32
      %dma_start3A_459 = tpu.memref_slice %arg14[%dma_start3A_456, %dma_start3A_457, %dma_start3A_458] : memref<8x8x133xf32, #tpu.memory_space<vmem>> -> memref<8x8x128xf32, #tpu.memory_space<vmem>>
      tpu.enqueue_dma source(%dma_start3A_459 : memref<8x8x128xf32, #tpu.memory_space<vmem>>) target(%dma_start3A_455 : memref<8x8x128xf32, #tpu.memory_space<hbm>>) target_semaphore(%arg26 : memref<!tpu.dma_semaphore, #tpu.memory_space<semaphore_mem>>)
      %mul3A_460 = arith.constant 4 : i32
      %mul3A_461 = arith.muli %mul3A_460, %scan3A_364 : i32
      %add3A_462 = arith.constant 2 : i32
      %add3A_463 = arith.addi %mul3A_461, %add3A_462 : i32
      %ge3A_464 = arith.constant 1 : i32
      %ge3A_465 = arith.cmpi sge, %scan3A_364, %ge3A_464 : i32
      %convert_element_type3A_466 = arith.extui %ge3A_465 : i1 to i32
      %cond3A_467 = arith.constant 0 : i32
      %cond3A_468 = arith.cmpi ne, %convert_element_type3A_466, %cond3A_467 : i32
      scf.if %cond3A_468 {
        %dma_wait3A_546 = arith.constant 0 : i32
        %dma_wait3A_547 = arith.constant 0 : i32
        %dma_wait3A_548 = arith.constant 0 : i32
        %dma_wait3A_549 = arith.constant 0 : i32
        %dma_wait3A_550 = arith.constant 0 : i32
        %dma_wait3A_551 = tpu.memref_slice %arg15[%dma_wait3A_548, %dma_wait3A_549, %dma_wait3A_550] : memref<8x8x133xf32, #tpu.memory_space<vmem>> -> memref<8x8x128xf32, #tpu.memory_space<vmem>>
        %dma_wait3A_552 = arith.constant 0 : i32
        %dma_wait3A_553 = arith.constant 0 : i32
        %dma_wait3A_554 = arith.constant 0 : i32
        %dma_wait3A_555 = tpu.memref_slice %arg4[%dma_wait3A_546, %dma_wait3A_552, %dma_wait3A_547, %dma_wait3A_553, %dma_wait3A_554] : memref<200x8x32x8x128xf32, #tpu.memory_space<hbm>> -> memref<1x8x1x8x128xf32, #tpu.memory_space<hbm>>
        %dma_wait3A_556 = tpu.memref_squeeze %dma_wait3A_555 : memref<1x8x1x8x128xf32, #tpu.memory_space<hbm>> -> memref<8x8x128xf32, #tpu.memory_space<hbm>>
        %dma_wait3A_557 = arith.constant 0 : i32
        %dma_wait3A_558 = arith.constant 0 : i32
        %dma_wait3A_559 = arith.constant 0 : i32
        %dma_wait3A_560 = tpu.memref_slice %arg4[%dma_wait3A_546, %dma_wait3A_557, %dma_wait3A_547, %dma_wait3A_558, %dma_wait3A_559] : memref<200x8x32x8x128xf32, #tpu.memory_space<hbm>> -> memref<1x8x1x8x128xf32, #tpu.memory_space<hbm>>
        %dma_wait3A_561 = tpu.memref_squeeze %dma_wait3A_560 : memref<1x8x1x8x128xf32, #tpu.memory_space<hbm>> -> memref<8x8x128xf32, #tpu.memory_space<hbm>>
        %dma_wait3A_562 = arith.constant 0 : i32
        %dma_wait3A_563 = arith.constant 0 : i32
        %dma_wait3A_564 = arith.constant 0 : i32
        %dma_wait3A_565 = tpu.memref_slice %arg15[%dma_wait3A_562, %dma_wait3A_563, %dma_wait3A_564] : memref<8x8x133xf32, #tpu.memory_space<vmem>> -> memref<8x8x128xf32, #tpu.memory_space<vmem>>
        tpu.wait_dma2 semaphore(%arg27 : memref<!tpu.dma_semaphore, #tpu.memory_space<semaphore_mem>>) src(%dma_wait3A_565 : memref<8x8x128xf32, #tpu.memory_space<vmem>>) dst(%dma_wait3A_561 : memref<8x8x128xf32, #tpu.memory_space<hbm>>)
      } else {
      }
      %scan3A_469 = arith.constant 0 : i32
      %scan3A_470 = arith.constant 0 : i32
      %scan3A_471 = arith.constant 16 : i32
      %scan3A_472 = arith.addi %scan3A_470, %scan3A_471 : i32
      %scan3A_473 = arith.constant 1 : i32
      scf.for %scan3A_546 = %scan3A_470 to %scan3A_472 step %scan3A_473  : i32 {
        %mul3A_547 = arith.constant 8 : i32
        %mul3A_548 = arith.muli %scan3A_546, %mul3A_547 : i32
        %broadcast_in_dim3A = arith.constant 0 : i32
        %broadcast_in_dim3A_549 = vector.broadcast %broadcast_in_dim3A : i32 to vector<16xi32>
        %add3A_550 = arith.constant 0 : i32
        %add3A_551 = arith.addi %mul3A_548, %add3A_550 : i32
        %add3A_552 = vector.broadcast %add3A_551 : i32 to vector<16xi32>
        %add3A_553 = arith.addi %broadcast_in_dim3A_549, %add3A_552 : vector<16xi32>
        %broadcast_in_dim3A_554 = arith.constant 0 : i32
        %broadcast_in_dim3A_555 = vector.broadcast %broadcast_in_dim3A_554 : i32 to vector<16xi32>
        %add3A_556 = arith.constant 1 : i32
        %add3A_557 = arith.addi %mul3A_548, %add3A_556 : i32
        %add3A_558 = vector.broadcast %add3A_557 : i32 to vector<16xi32>
        %add3A_559 = arith.addi %broadcast_in_dim3A_555, %add3A_558 : vector<16xi32>
        %broadcast_in_dim3A_560 = arith.constant 0 : i32
        %broadcast_in_dim3A_561 = vector.broadcast %broadcast_in_dim3A_560 : i32 to vector<16xi32>
        %add3A_562 = arith.constant 2 : i32
        %add3A_563 = arith.addi %mul3A_548, %add3A_562 : i32
        %add3A_564 = vector.broadcast %add3A_563 : i32 to vector<16xi32>
        %add3A_565 = arith.addi %broadcast_in_dim3A_561, %add3A_564 : vector<16xi32>
        %broadcast_in_dim3A_566 = arith.constant 0 : i32
        %broadcast_in_dim3A_567 = vector.broadcast %broadcast_in_dim3A_566 : i32 to vector<16xi32>
        %add3A_568 = arith.constant 3 : i32
        %add3A_569 = arith.addi %mul3A_548, %add3A_568 : i32
        %add3A_570 = vector.broadcast %add3A_569 : i32 to vector<16xi32>
        %add3A_571 = arith.addi %broadcast_in_dim3A_567, %add3A_570 : vector<16xi32>
        %broadcast_in_dim3A_572 = arith.constant 0 : i32
        %broadcast_in_dim3A_573 = vector.broadcast %broadcast_in_dim3A_572 : i32 to vector<16xi32>
        %add3A_574 = arith.constant 4 : i32
        %add3A_575 = arith.addi %mul3A_548, %add3A_574 : i32
        %add3A_576 = vector.broadcast %add3A_575 : i32 to vector<16xi32>
        %add3A_577 = arith.addi %broadcast_in_dim3A_573, %add3A_576 : vector<16xi32>
        %broadcast_in_dim3A_578 = arith.constant 0 : i32
        %broadcast_in_dim3A_579 = vector.broadcast %broadcast_in_dim3A_578 : i32 to vector<16xi32>
        %add3A_580 = arith.constant 5 : i32
        %add3A_581 = arith.addi %mul3A_548, %add3A_580 : i32
        %add3A_582 = vector.broadcast %add3A_581 : i32 to vector<16xi32>
        %add3A_583 = arith.addi %broadcast_in_dim3A_579, %add3A_582 : vector<16xi32>
        %broadcast_in_dim3A_584 = arith.constant 0 : i32
        %broadcast_in_dim3A_585 = vector.broadcast %broadcast_in_dim3A_584 : i32 to vector<16xi32>
        %add3A_586 = arith.constant 6 : i32
        %add3A_587 = arith.addi %mul3A_548, %add3A_586 : i32
        %add3A_588 = vector.broadcast %add3A_587 : i32 to vector<16xi32>
        %add3A_589 = arith.addi %broadcast_in_dim3A_585, %add3A_588 : vector<16xi32>
        %broadcast_in_dim3A_590 = arith.constant 0 : i32
        %broadcast_in_dim3A_591 = vector.broadcast %broadcast_in_dim3A_590 : i32 to vector<16xi32>
        %add3A_592 = arith.constant 7 : i32
        %add3A_593 = arith.addi %mul3A_548, %add3A_592 : i32
        %add3A_594 = vector.broadcast %add3A_593 : i32 to vector<16xi32>
        %add3A_595 = arith.addi %broadcast_in_dim3A_591, %add3A_594 : vector<16xi32>
        %add3A_596 = arith.constant 0 : i32
        %add3A_597 = arith.addi %mul3A_548, %add3A_596 : i32
        %get3A = arith.index_cast %add3A_597 : i32 to index
        %get3A_598 = arith.constant 0 : index
        %get3A_599 = tpu.vector_load %arg11[%get3A, %get3A_598] {strides = array<i32>} : memref<128x64xf32, #tpu.memory_space<vmem>>, vector<16xf32>,
        %add3A_600 = arith.constant 0 : i32
        %add3A_601 = arith.addi %mul3A_548, %add3A_600 : i32
        %get3A_602 = arith.index_cast %add3A_601 : i32 to index
        %get3A_603 = arith.constant 16 : index
        %get3A_604 = tpu.vector_load %arg11[%get3A_602, %get3A_603] {strides = array<i32>} : memref<128x64xf32, #tpu.memory_space<vmem>>, vector<16xf32>,
        %add3A_605 = arith.constant 0 : i32
        %add3A_606 = arith.addi %mul3A_548, %add3A_605 : i32
        %get3A_607 = arith.index_cast %add3A_606 : i32 to index
        %get3A_608 = arith.constant 32 : index
        %get3A_609 = tpu.vector_load %arg11[%get3A_607, %get3A_608] {strides = array<i32>} : memref<128x64xf32, #tpu.memory_space<vmem>>, vector<16xf32>,
        %add3A_610 = arith.constant 0 : i32
        %add3A_611 = arith.addi %mul3A_548, %add3A_610 : i32
        %get3A_612 = arith.index_cast %add3A_611 : i32 to index
        %get3A_613 = arith.constant 48 : index
        %get3A_614 = tpu.vector_load %arg11[%get3A_612, %get3A_613] {strides = array<i32>} : memref<128x64xf32, #tpu.memory_space<vmem>>, vector<16xf32>,
        %add3A_615 = arith.constant 1 : i32
        %add3A_616 = arith.addi %mul3A_548, %add3A_615 : i32
        %get3A_617 = arith.index_cast %add3A_616 : i32 to index
        %get3A_618 = arith.constant 0 : index
        %get3A_619 = tpu.vector_load %arg11[%get3A_617, %get3A_618] {strides = array<i32>} : memref<128x64xf32, #tpu.memory_space<vmem>>, vector<16xf32>,
        %add3A_620 = arith.constant 1 : i32
        %add3A_621 = arith.addi %mul3A_548, %add3A_620 : i32
        %get3A_622 = arith.index_cast %add3A_621 : i32 to index
        %get3A_623 = arith.constant 16 : index
        %get3A_624 = tpu.vector_load %arg11[%get3A_622, %get3A_623] {strides = array<i32>} : memref<128x64xf32, #tpu.memory_space<vmem>>, vector<16xf32>,
        %add3A_625 = arith.constant 1 : i32
        %add3A_626 = arith.addi %mul3A_548, %add3A_625 : i32
        %get3A_627 = arith.index_cast %add3A_626 : i32 to index
        %get3A_628 = arith.constant 32 : index
        %get3A_629 = tpu.vector_load %arg11[%get3A_627, %get3A_628] {strides = array<i32>} : memref<128x64xf32, #tpu.memory_space<vmem>>, vector<16xf32>,
        %add3A_630 = arith.constant 1 : i32
        %add3A_631 = arith.addi %mul3A_548, %add3A_630 : i32
        %get3A_632 = arith.index_cast %add3A_631 : i32 to index
        %get3A_633 = arith.constant 48 : index
        %get3A_634 = tpu.vector_load %arg11[%get3A_632, %get3A_633] {strides = array<i32>} : memref<128x64xf32, #tpu.memory_space<vmem>>, vector<16xf32>,
        %add3A_635 = arith.constant 2 : i32
        %add3A_636 = arith.addi %mul3A_548, %add3A_635 : i32
        %get3A_637 = arith.index_cast %add3A_636 : i32 to index
        %get3A_638 = arith.constant 0 : index
        %get3A_639 = tpu.vector_load %arg11[%get3A_637, %get3A_638] {strides = array<i32>} : memref<128x64xf32, #tpu.memory_space<vmem>>, vector<16xf32>,
        %add3A_640 = arith.constant 2 : i32
        %add3A_641 = arith.addi %mul3A_548, %add3A_640 : i32
        %get3A_642 = arith.index_cast %add3A_641 : i32 to index
        %get3A_643 = arith.constant 16 : index
        %get3A_644 = tpu.vector_load %arg11[%get3A_642, %get3A_643] {strides = array<i32>} : memref<128x64xf32, #tpu.memory_space<vmem>>, vector<16xf32>,
        %add3A_645 = arith.constant 2 : i32
        %add3A_646 = arith.addi %mul3A_548, %add3A_645 : i32
        %get3A_647 = arith.index_cast %add3A_646 : i32 to index
        %get3A_648 = arith.constant 32 : index
        %get3A_649 = tpu.vector_load %arg11[%get3A_647, %get3A_648] {strides = array<i32>} : memref<128x64xf32, #tpu.memory_space<vmem>>, vector<16xf32>,
        %add3A_650 = arith.constant 2 : i32
        %add3A_651 = arith.addi %mul3A_548, %add3A_650 : i32
        %get3A_652 = arith.index_cast %add3A_651 : i32 to index
        %get3A_653 = arith.constant 48 : index
        %get3A_654 = tpu.vector_load %arg11[%get3A_652, %get3A_653] {strides = array<i32>} : memref<128x64xf32, #tpu.memory_space<vmem>>, vector<16xf32>,
        %add3A_655 = arith.constant 3 : i32
        %add3A_656 = arith.addi %mul3A_548, %add3A_655 : i32
        %get3A_657 = arith.index_cast %add3A_656 : i32 to index
        %get3A_658 = arith.constant 0 : index
        %get3A_659 = tpu.vector_load %arg11[%get3A_657, %get3A_658] {strides = array<i32>} : memref<128x64xf32, #tpu.memory_space<vmem>>, vector<16xf32>,
        %add3A_660 = arith.constant 3 : i32
        %add3A_661 = arith.addi %mul3A_548, %add3A_660 : i32
        %get3A_662 = arith.index_cast %add3A_661 : i32 to index
        %get3A_663 = arith.constant 16 : index
        %get3A_664 = tpu.vector_load %arg11[%get3A_662, %get3A_663] {strides = array<i32>} : memref<128x64xf32, #tpu.memory_space<vmem>>, vector<16xf32>,
        %add3A_665 = arith.constant 3 : i32
        %add3A_666 = arith.addi %mul3A_548, %add3A_665 : i32
        %get3A_667 = arith.index_cast %add3A_666 : i32 to index
        %get3A_668 = arith.constant 32 : index
        %get3A_669 = tpu.vector_load %arg11[%get3A_667, %get3A_668] {strides = array<i32>} : memref<128x64xf32, #tpu.memory_space<vmem>>, vector<16xf32>,
        %add3A_670 = arith.constant 3 : i32
        %add3A_671 = arith.addi %mul3A_548, %add3A_670 : i32
        %get3A_672 = arith.index_cast %add3A_671 : i32 to index
        %get3A_673 = arith.constant 48 : index
        %get3A_674 = tpu.vector_load %arg11[%get3A_672, %get3A_673] {strides = array<i32>} : memref<128x64xf32, #tpu.memory_space<vmem>>, vector<16xf32>,
        %add3A_675 = arith.constant 4 : i32
        %add3A_676 = arith.addi %mul3A_548, %add3A_675 : i32
        %get3A_677 = arith.index_cast %add3A_676 : i32 to index
        %get3A_678 = arith.constant 0 : index
        %get3A_679 = tpu.vector_load %arg11[%get3A_677, %get3A_678] {strides = array<i32>} : memref<128x64xf32, #tpu.memory_space<vmem>>, vector<16xf32>,
        %add3A_680 = arith.constant 4 : i32
        %add3A_681 = arith.addi %mul3A_548, %add3A_680 : i32
        %get3A_682 = arith.index_cast %add3A_681 : i32 to index
        %get3A_683 = arith.constant 16 : index
        %get3A_684 = tpu.vector_load %arg11[%get3A_682, %get3A_683] {strides = array<i32>} : memref<128x64xf32, #tpu.memory_space<vmem>>, vector<16xf32>,
        %add3A_685 = arith.constant 4 : i32
        %add3A_686 = arith.addi %mul3A_548, %add3A_685 : i32
        %get3A_687 = arith.index_cast %add3A_686 : i32 to index
        %get3A_688 = arith.constant 32 : index
        %get3A_689 = tpu.vector_load %arg11[%get3A_687, %get3A_688] {strides = array<i32>} : memref<128x64xf32, #tpu.memory_space<vmem>>, vector<16xf32>,
        %add3A_690 = arith.constant 4 : i32
        %add3A_691 = arith.addi %mul3A_548, %add3A_690 : i32
        %get3A_692 = arith.index_cast %add3A_691 : i32 to index
        %get3A_693 = arith.constant 48 : index
        %get3A_694 = tpu.vector_load %arg11[%get3A_692, %get3A_693] {strides = array<i32>} : memref<128x64xf32, #tpu.memory_space<vmem>>, vector<16xf32>,
        %add3A_695 = arith.constant 5 : i32
        %add3A_696 = arith.addi %mul3A_548, %add3A_695 : i32
        %get3A_697 = arith.index_cast %add3A_696 : i32 to index
        %get3A_698 = arith.constant 0 : index
        %get3A_699 = tpu.vector_load %arg11[%get3A_697, %get3A_698] {strides = array<i32>} : memref<128x64xf32, #tpu.memory_space<vmem>>, vector<16xf32>,
        %add3A_700 = arith.constant 5 : i32
        %add3A_701 = arith.addi %mul3A_548, %add3A_700 : i32
        %get3A_702 = arith.index_cast %add3A_701 : i32 to index
        %get3A_703 = arith.constant 16 : index
        %get3A_704 = tpu.vector_load %arg11[%get3A_702, %get3A_703] {strides = array<i32>} : memref<128x64xf32, #tpu.memory_space<vmem>>, vector<16xf32>,
        %add3A_705 = arith.constant 5 : i32
        %add3A_706 = arith.addi %mul3A_548, %add3A_705 : i32
        %get3A_707 = arith.index_cast %add3A_706 : i32 to index
        %get3A_708 = arith.constant 32 : index
        %get3A_709 = tpu.vector_load %arg11[%get3A_707, %get3A_708] {strides = array<i32>} : memref<128x64xf32, #tpu.memory_space<vmem>>, vector<16xf32>,
        %add3A_710 = arith.constant 5 : i32
        %add3A_711 = arith.addi %mul3A_548, %add3A_710 : i32
        %get3A_712 = arith.index_cast %add3A_711 : i32 to index
        %get3A_713 = arith.constant 48 : index
        %get3A_714 = tpu.vector_load %arg11[%get3A_712, %get3A_713] {strides = array<i32>} : memref<128x64xf32, #tpu.memory_space<vmem>>, vector<16xf32>,
        %add3A_715 = arith.constant 6 : i32
        %add3A_716 = arith.addi %mul3A_548, %add3A_715 : i32
        %get3A_717 = arith.index_cast %add3A_716 : i32 to index
        %get3A_718 = arith.constant 0 : index
        %get3A_719 = tpu.vector_load %arg11[%get3A_717, %get3A_718] {strides = array<i32>} : memref<128x64xf32, #tpu.memory_space<vmem>>, vector<16xf32>,
        %add3A_720 = arith.constant 6 : i32
        %add3A_721 = arith.addi %mul3A_548, %add3A_720 : i32
        %get3A_722 = arith.index_cast %add3A_721 : i32 to index
        %get3A_723 = arith.constant 16 : index
        %get3A_724 = tpu.vector_load %arg11[%get3A_722, %get3A_723] {strides = array<i32>} : memref<128x64xf32, #tpu.memory_space<vmem>>, vector<16xf32>,
        %add3A_725 = arith.constant 6 : i32
        %add3A_726 = arith.addi %mul3A_548, %add3A_725 : i32
        %get3A_727 = arith.index_cast %add3A_726 : i32 to index
        %get3A_728 = arith.constant 32 : index
        %get3A_729 = tpu.vector_load %arg11[%get3A_727, %get3A_728] {strides = array<i32>} : memref<128x64xf32, #tpu.memory_space<vmem>>, vector<16xf32>,
        %add3A_730 = arith.constant 6 : i32
        %add3A_731 = arith.addi %mul3A_548, %add3A_730 : i32
        %get3A_732 = arith.index_cast %add3A_731 : i32 to index
        %get3A_733 = arith.constant 48 : index
        %get3A_734 = tpu.vector_load %arg11[%get3A_732, %get3A_733] {strides = array<i32>} : memref<128x64xf32, #tpu.memory_space<vmem>>, vector<16xf32>,
        %add3A_735 = arith.constant 7 : i32
        %add3A_736 = arith.addi %mul3A_548, %add3A_735 : i32
        %get3A_737 = arith.index_cast %add3A_736 : i32 to index
        %get3A_738 = arith.constant 0 : index
        %get3A_739 = tpu.vector_load %arg11[%get3A_737, %get3A_738] {strides = array<i32>} : memref<128x64xf32, #tpu.memory_space<vmem>>, vector<16xf32>,
        %add3A_740 = arith.constant 7 : i32
        %add3A_741 = arith.addi %mul3A_548, %add3A_740 : i32
        %get3A_742 = arith.index_cast %add3A_741 : i32 to index
        %get3A_743 = arith.constant 16 : index
        %get3A_744 = tpu.vector_load %arg11[%get3A_742, %get3A_743] {strides = array<i32>} : memref<128x64xf32, #tpu.memory_space<vmem>>, vector<16xf32>,
        %add3A_745 = arith.constant 7 : i32
        %add3A_746 = arith.addi %mul3A_548, %add3A_745 : i32
        %get3A_747 = arith.index_cast %add3A_746 : i32 to index
        %get3A_748 = arith.constant 32 : index
        %get3A_749 = tpu.vector_load %arg11[%get3A_747, %get3A_748] {strides = array<i32>} : memref<128x64xf32, #tpu.memory_space<vmem>>, vector<16xf32>,
        %add3A_750 = arith.constant 7 : i32
        %add3A_751 = arith.addi %mul3A_548, %add3A_750 : i32
        %get3A_752 = arith.index_cast %add3A_751 : i32 to index
        %get3A_753 = arith.constant 48 : index
        %get3A_754 = tpu.vector_load %arg11[%get3A_752, %get3A_753] {strides = array<i32>} : memref<128x64xf32, #tpu.memory_space<vmem>>, vector<16xf32>,
        tpu.vector_store_idx %arg15[%select_n3A, %select_n3A_153, %add3A_553], %get3A_599 : memref<8x8x133xf32, #tpu.memory_space<vmem>>[vector<16xi32>, vector<16xi32>, vector<16xi32>], vector<16xf32>,
        tpu.vector_store_idx %arg15[%select_n3A_62, %select_n3A_178, %add3A_553], %get3A_604 : memref<8x8x133xf32, #tpu.memory_space<vmem>>[vector<16xi32>, vector<16xi32>, vector<16xi32>], vector<16xf32>,
        tpu.vector_store_idx %arg15[%select_n3A_96, %select_n3A_203, %add3A_553], %get3A_609 : memref<8x8x133xf32, #tpu.memory_space<vmem>>[vector<16xi32>, vector<16xi32>, vector<16xi32>], vector<16xf32>,
        tpu.vector_store_idx %arg15[%select_n3A_130, %select_n3A_228, %add3A_553], %get3A_614 : memref<8x8x133xf32, #tpu.memory_space<vmem>>[vector<16xi32>, vector<16xi32>, vector<16xi32>], vector<16xf32>,
        tpu.vector_store_idx %arg15[%select_n3A, %select_n3A_153, %add3A_559], %get3A_619 : memref<8x8x133xf32, #tpu.memory_space<vmem>>[vector<16xi32>, vector<16xi32>, vector<16xi32>], vector<16xf32>,
        tpu.vector_store_idx %arg15[%select_n3A_62, %select_n3A_178, %add3A_559], %get3A_624 : memref<8x8x133xf32, #tpu.memory_space<vmem>>[vector<16xi32>, vector<16xi32>, vector<16xi32>], vector<16xf32>,
        tpu.vector_store_idx %arg15[%select_n3A_96, %select_n3A_203, %add3A_559], %get3A_629 : memref<8x8x133xf32, #tpu.memory_space<vmem>>[vector<16xi32>, vector<16xi32>, vector<16xi32>], vector<16xf32>,
        tpu.vector_store_idx %arg15[%select_n3A_130, %select_n3A_228, %add3A_559], %get3A_634 : memref<8x8x133xf32, #tpu.memory_space<vmem>>[vector<16xi32>, vector<16xi32>, vector<16xi32>], vector<16xf32>,
        tpu.vector_store_idx %arg15[%select_n3A, %select_n3A_153, %add3A_565], %get3A_639 : memref<8x8x133xf32, #tpu.memory_space<vmem>>[vector<16xi32>, vector<16xi32>, vector<16xi32>], vector<16xf32>,
        tpu.vector_store_idx %arg15[%select_n3A_62, %select_n3A_178, %add3A_565], %get3A_644 : memref<8x8x133xf32, #tpu.memory_space<vmem>>[vector<16xi32>, vector<16xi32>, vector<16xi32>], vector<16xf32>,
        tpu.vector_store_idx %arg15[%select_n3A_96, %select_n3A_203, %add3A_565], %get3A_649 : memref<8x8x133xf32, #tpu.memory_space<vmem>>[vector<16xi32>, vector<16xi32>, vector<16xi32>], vector<16xf32>,
        tpu.vector_store_idx %arg15[%select_n3A_130, %select_n3A_228, %add3A_565], %get3A_654 : memref<8x8x133xf32, #tpu.memory_space<vmem>>[vector<16xi32>, vector<16xi32>, vector<16xi32>], vector<16xf32>,
        tpu.vector_store_idx %arg15[%select_n3A, %select_n3A_153, %add3A_571], %get3A_659 : memref<8x8x133xf32, #tpu.memory_space<vmem>>[vector<16xi32>, vector<16xi32>, vector<16xi32>], vector<16xf32>,
        tpu.vector_store_idx %arg15[%select_n3A_62, %select_n3A_178, %add3A_571], %get3A_664 : memref<8x8x133xf32, #tpu.memory_space<vmem>>[vector<16xi32>, vector<16xi32>, vector<16xi32>], vector<16xf32>,
        tpu.vector_store_idx %arg15[%select_n3A_96, %select_n3A_203, %add3A_571], %get3A_669 : memref<8x8x133xf32, #tpu.memory_space<vmem>>[vector<16xi32>, vector<16xi32>, vector<16xi32>], vector<16xf32>,
        tpu.vector_store_idx %arg15[%select_n3A_130, %select_n3A_228, %add3A_571], %get3A_674 : memref<8x8x133xf32, #tpu.memory_space<vmem>>[vector<16xi32>, vector<16xi32>, vector<16xi32>], vector<16xf32>,
        tpu.vector_store_idx %arg15[%select_n3A, %select_n3A_153, %add3A_577], %get3A_679 : memref<8x8x133xf32, #tpu.memory_space<vmem>>[vector<16xi32>, vector<16xi32>, vector<16xi32>], vector<16xf32>,
        tpu.vector_store_idx %arg15[%select_n3A_62, %select_n3A_178, %add3A_577], %get3A_684 : memref<8x8x133xf32, #tpu.memory_space<vmem>>[vector<16xi32>, vector<16xi32>, vector<16xi32>], vector<16xf32>,
        tpu.vector_store_idx %arg15[%select_n3A_96, %select_n3A_203, %add3A_577], %get3A_689 : memref<8x8x133xf32, #tpu.memory_space<vmem>>[vector<16xi32>, vector<16xi32>, vector<16xi32>], vector<16xf32>,
        tpu.vector_store_idx %arg15[%select_n3A_130, %select_n3A_228, %add3A_577], %get3A_694 : memref<8x8x133xf32, #tpu.memory_space<vmem>>[vector<16xi32>, vector<16xi32>, vector<16xi32>], vector<16xf32>,
        tpu.vector_store_idx %arg15[%select_n3A, %select_n3A_153, %add3A_583], %get3A_699 : memref<8x8x133xf32, #tpu.memory_space<vmem>>[vector<16xi32>, vector<16xi32>, vector<16xi32>], vector<16xf32>,
        tpu.vector_store_idx %arg15[%select_n3A_62, %select_n3A_178, %add3A_583], %get3A_704 : memref<8x8x133xf32, #tpu.memory_space<vmem>>[vector<16xi32>, vector<16xi32>, vector<16xi32>], vector<16xf32>,
        tpu.vector_store_idx %arg15[%select_n3A_96, %select_n3A_203, %add3A_583], %get3A_709 : memref<8x8x133xf32, #tpu.memory_space<vmem>>[vector<16xi32>, vector<16xi32>, vector<16xi32>], vector<16xf32>,
        tpu.vector_store_idx %arg15[%select_n3A_130, %select_n3A_228, %add3A_583], %get3A_714 : memref<8x8x133xf32, #tpu.memory_space<vmem>>[vector<16xi32>, vector<16xi32>, vector<16xi32>], vector<16xf32>,
        tpu.vector_store_idx %arg15[%select_n3A, %select_n3A_153, %add3A_589], %get3A_719 : memref<8x8x133xf32, #tpu.memory_space<vmem>>[vector<16xi32>, vector<16xi32>, vector<16xi32>], vector<16xf32>,
        tpu.vector_store_idx %arg15[%select_n3A_62, %select_n3A_178, %add3A_589], %get3A_724 : memref<8x8x133xf32, #tpu.memory_space<vmem>>[vector<16xi32>, vector<16xi32>, vector<16xi32>], vector<16xf32>,
        tpu.vector_store_idx %arg15[%select_n3A_96, %select_n3A_203, %add3A_589], %get3A_729 : memref<8x8x133xf32, #tpu.memory_space<vmem>>[vector<16xi32>, vector<16xi32>, vector<16xi32>], vector<16xf32>,
        tpu.vector_store_idx %arg15[%select_n3A_130, %select_n3A_228, %add3A_589], %get3A_734 : memref<8x8x133xf32, #tpu.memory_space<vmem>>[vector<16xi32>, vector<16xi32>, vector<16xi32>], vector<16xf32>,
        tpu.vector_store_idx %arg15[%select_n3A, %select_n3A_153, %add3A_595], %get3A_739 : memref<8x8x133xf32, #tpu.memory_space<vmem>>[vector<16xi32>, vector<16xi32>, vector<16xi32>], vector<16xf32>,
        tpu.vector_store_idx %arg15[%select_n3A_62, %select_n3A_178, %add3A_595], %get3A_744 : memref<8x8x133xf32, #tpu.memory_space<vmem>>[vector<16xi32>, vector<16xi32>, vector<16xi32>], vector<16xf32>,
        tpu.vector_store_idx %arg15[%select_n3A_96, %select_n3A_203, %add3A_595], %get3A_749 : memref<8x8x133xf32, #tpu.memory_space<vmem>>[vector<16xi32>, vector<16xi32>, vector<16xi32>], vector<16xf32>,
        tpu.vector_store_idx %arg15[%select_n3A_130, %select_n3A_228, %add3A_595], %get3A_754 : memref<8x8x133xf32, #tpu.memory_space<vmem>>[vector<16xi32>, vector<16xi32>, vector<16xi32>], vector<16xf32>,
      }
      %scan3A_474 = arith.constant 16 : i32
      %dma_start3A_475 = arith.constant 0 : i32
      %dma_start3A_476 = arith.constant 0 : i32
      %dma_start3A_477 = arith.constant 0 : i32
      %dma_start3A_478 = tpu.memref_slice %arg15[%dma_start3A_475, %dma_start3A_476, %dma_start3A_477] : memref<8x8x133xf32, #tpu.memory_space<vmem>> -> memref<8x8x128xf32, #tpu.memory_space<vmem>>
      %dma_start3A_479 = arith.constant 0 : i32
      %dma_start3A_480 = arith.constant 0 : i32
      %dma_start3A_481 = arith.constant 0 : i32
      %dma_start3A_482 = tpu.memref_slice %arg4[%add3A_463, %dma_start3A_479, %add3A, %dma_start3A_480, %dma_start3A_481] : memref<200x8x32x8x128xf32, #tpu.memory_space<hbm>> -> memref<1x8x1x8x128xf32, #tpu.memory_space<hbm>>
      %dma_start3A_483 = tpu.memref_squeeze %dma_start3A_482 : memref<1x8x1x8x128xf32, #tpu.memory_space<hbm>> -> memref<8x8x128xf32, #tpu.memory_space<hbm>>
      %dma_start3A_484 = arith.constant 0 : i32
      %dma_start3A_485 = arith.constant 0 : i32
      %dma_start3A_486 = arith.constant 0 : i32
      %dma_start3A_487 = tpu.memref_slice %arg4[%add3A_463, %dma_start3A_484, %add3A, %dma_start3A_485, %dma_start3A_486] : memref<200x8x32x8x128xf32, #tpu.memory_space<hbm>> -> memref<1x8x1x8x128xf32, #tpu.memory_space<hbm>>
      %dma_start3A_488 = tpu.memref_squeeze %dma_start3A_487 : memref<1x8x1x8x128xf32, #tpu.memory_space<hbm>> -> memref<8x8x128xf32, #tpu.memory_space<hbm>>
      %dma_start3A_489 = arith.constant 0 : i32
      %dma_start3A_490 = arith.constant 0 : i32
      %dma_start3A_491 = arith.constant 0 : i32
      %dma_start3A_492 = tpu.memref_slice %arg15[%dma_start3A_489, %dma_start3A_490, %dma_start3A_491] : memref<8x8x133xf32, #tpu.memory_space<vmem>> -> memref<8x8x128xf32, #tpu.memory_space<vmem>>
      tpu.enqueue_dma source(%dma_start3A_492 : memref<8x8x128xf32, #tpu.memory_space<vmem>>) target(%dma_start3A_488 : memref<8x8x128xf32, #tpu.memory_space<hbm>>) target_semaphore(%arg27 : memref<!tpu.dma_semaphore, #tpu.memory_space<semaphore_mem>>)
      %mul3A_493 = arith.constant 4 : i32
      %mul3A_494 = arith.muli %mul3A_493, %scan3A_364 : i32
      %add3A_495 = arith.constant 3 : i32
      %add3A_496 = arith.addi %mul3A_494, %add3A_495 : i32
      %ge3A_497 = arith.constant 1 : i32
      %ge3A_498 = arith.cmpi sge, %scan3A_364, %ge3A_497 : i32
      %convert_element_type3A_499 = arith.extui %ge3A_498 : i1 to i32
      %cond3A_500 = arith.constant 0 : i32
      %cond3A_501 = arith.cmpi ne, %convert_element_type3A_499, %cond3A_500 : i32
      scf.if %cond3A_501 {
        %dma_wait3A_546 = arith.constant 0 : i32
        %dma_wait3A_547 = arith.constant 0 : i32
        %dma_wait3A_548 = arith.constant 0 : i32
        %dma_wait3A_549 = arith.constant 0 : i32
        %dma_wait3A_550 = arith.constant 0 : i32
        %dma_wait3A_551 = tpu.memref_slice %arg16[%dma_wait3A_548, %dma_wait3A_549, %dma_wait3A_550] : memref<8x8x133xf32, #tpu.memory_space<vmem>> -> memref<8x8x128xf32, #tpu.memory_space<vmem>>
        %dma_wait3A_552 = arith.constant 0 : i32
        %dma_wait3A_553 = arith.constant 0 : i32
        %dma_wait3A_554 = arith.constant 0 : i32
        %dma_wait3A_555 = tpu.memref_slice %arg4[%dma_wait3A_546, %dma_wait3A_552, %dma_wait3A_547, %dma_wait3A_553, %dma_wait3A_554] : memref<200x8x32x8x128xf32, #tpu.memory_space<hbm>> -> memref<1x8x1x8x128xf32, #tpu.memory_space<hbm>>
        %dma_wait3A_556 = tpu.memref_squeeze %dma_wait3A_555 : memref<1x8x1x8x128xf32, #tpu.memory_space<hbm>> -> memref<8x8x128xf32, #tpu.memory_space<hbm>>
        %dma_wait3A_557 = arith.constant 0 : i32
        %dma_wait3A_558 = arith.constant 0 : i32
        %dma_wait3A_559 = arith.constant 0 : i32
        %dma_wait3A_560 = tpu.memref_slice %arg4[%dma_wait3A_546, %dma_wait3A_557, %dma_wait3A_547, %dma_wait3A_558, %dma_wait3A_559] : memref<200x8x32x8x128xf32, #tpu.memory_space<hbm>> -> memref<1x8x1x8x128xf32, #tpu.memory_space<hbm>>
        %dma_wait3A_561 = tpu.memref_squeeze %dma_wait3A_560 : memref<1x8x1x8x128xf32, #tpu.memory_space<hbm>> -> memref<8x8x128xf32, #tpu.memory_space<hbm>>
        %dma_wait3A_562 = arith.constant 0 : i32
        %dma_wait3A_563 = arith.constant 0 : i32
        %dma_wait3A_564 = arith.constant 0 : i32
        %dma_wait3A_565 = tpu.memref_slice %arg16[%dma_wait3A_562, %dma_wait3A_563, %dma_wait3A_564] : memref<8x8x133xf32, #tpu.memory_space<vmem>> -> memref<8x8x128xf32, #tpu.memory_space<vmem>>
        tpu.wait_dma2 semaphore(%arg28 : memref<!tpu.dma_semaphore, #tpu.memory_space<semaphore_mem>>) src(%dma_wait3A_565 : memref<8x8x128xf32, #tpu.memory_space<vmem>>) dst(%dma_wait3A_561 : memref<8x8x128xf32, #tpu.memory_space<hbm>>)
      } else {
      }
      %scan3A_502 = arith.constant 0 : i32
      %scan3A_503 = arith.constant 0 : i32
      %scan3A_504 = arith.constant 16 : i32
      %scan3A_505 = arith.addi %scan3A_503, %scan3A_504 : i32
      %scan3A_506 = arith.constant 1 : i32
      scf.for %scan3A_546 = %scan3A_503 to %scan3A_505 step %scan3A_506  : i32 {
        %mul3A_547 = arith.constant 8 : i32
        %mul3A_548 = arith.muli %scan3A_546, %mul3A_547 : i32
        %broadcast_in_dim3A = arith.constant 0 : i32
        %broadcast_in_dim3A_549 = vector.broadcast %broadcast_in_dim3A : i32 to vector<16xi32>
        %add3A_550 = arith.constant 0 : i32
        %add3A_551 = arith.addi %mul3A_548, %add3A_550 : i32
        %add3A_552 = vector.broadcast %add3A_551 : i32 to vector<16xi32>
        %add3A_553 = arith.addi %broadcast_in_dim3A_549, %add3A_552 : vector<16xi32>
        %broadcast_in_dim3A_554 = arith.constant 0 : i32
        %broadcast_in_dim3A_555 = vector.broadcast %broadcast_in_dim3A_554 : i32 to vector<16xi32>
        %add3A_556 = arith.constant 1 : i32
        %add3A_557 = arith.addi %mul3A_548, %add3A_556 : i32
        %add3A_558 = vector.broadcast %add3A_557 : i32 to vector<16xi32>
        %add3A_559 = arith.addi %broadcast_in_dim3A_555, %add3A_558 : vector<16xi32>
        %broadcast_in_dim3A_560 = arith.constant 0 : i32
        %broadcast_in_dim3A_561 = vector.broadcast %broadcast_in_dim3A_560 : i32 to vector<16xi32>
        %add3A_562 = arith.constant 2 : i32
        %add3A_563 = arith.addi %mul3A_548, %add3A_562 : i32
        %add3A_564 = vector.broadcast %add3A_563 : i32 to vector<16xi32>
        %add3A_565 = arith.addi %broadcast_in_dim3A_561, %add3A_564 : vector<16xi32>
        %broadcast_in_dim3A_566 = arith.constant 0 : i32
        %broadcast_in_dim3A_567 = vector.broadcast %broadcast_in_dim3A_566 : i32 to vector<16xi32>
        %add3A_568 = arith.constant 3 : i32
        %add3A_569 = arith.addi %mul3A_548, %add3A_568 : i32
        %add3A_570 = vector.broadcast %add3A_569 : i32 to vector<16xi32>
        %add3A_571 = arith.addi %broadcast_in_dim3A_567, %add3A_570 : vector<16xi32>
        %broadcast_in_dim3A_572 = arith.constant 0 : i32
        %broadcast_in_dim3A_573 = vector.broadcast %broadcast_in_dim3A_572 : i32 to vector<16xi32>
        %add3A_574 = arith.constant 4 : i32
        %add3A_575 = arith.addi %mul3A_548, %add3A_574 : i32
        %add3A_576 = vector.broadcast %add3A_575 : i32 to vector<16xi32>
        %add3A_577 = arith.addi %broadcast_in_dim3A_573, %add3A_576 : vector<16xi32>
        %broadcast_in_dim3A_578 = arith.constant 0 : i32
        %broadcast_in_dim3A_579 = vector.broadcast %broadcast_in_dim3A_578 : i32 to vector<16xi32>
        %add3A_580 = arith.constant 5 : i32
        %add3A_581 = arith.addi %mul3A_548, %add3A_580 : i32
        %add3A_582 = vector.broadcast %add3A_581 : i32 to vector<16xi32>
        %add3A_583 = arith.addi %broadcast_in_dim3A_579, %add3A_582 : vector<16xi32>
        %broadcast_in_dim3A_584 = arith.constant 0 : i32
        %broadcast_in_dim3A_585 = vector.broadcast %broadcast_in_dim3A_584 : i32 to vector<16xi32>
        %add3A_586 = arith.constant 6 : i32
        %add3A_587 = arith.addi %mul3A_548, %add3A_586 : i32
        %add3A_588 = vector.broadcast %add3A_587 : i32 to vector<16xi32>
        %add3A_589 = arith.addi %broadcast_in_dim3A_585, %add3A_588 : vector<16xi32>
        %broadcast_in_dim3A_590 = arith.constant 0 : i32
        %broadcast_in_dim3A_591 = vector.broadcast %broadcast_in_dim3A_590 : i32 to vector<16xi32>
        %add3A_592 = arith.constant 7 : i32
        %add3A_593 = arith.addi %mul3A_548, %add3A_592 : i32
        %add3A_594 = vector.broadcast %add3A_593 : i32 to vector<16xi32>
        %add3A_595 = arith.addi %broadcast_in_dim3A_591, %add3A_594 : vector<16xi32>
        %add3A_596 = arith.constant 0 : i32
        %add3A_597 = arith.addi %mul3A_548, %add3A_596 : i32
        %get3A = arith.index_cast %add3A_597 : i32 to index
        %get3A_598 = arith.constant 0 : index
        %get3A_599 = tpu.vector_load %arg12[%get3A, %get3A_598] {strides = array<i32>} : memref<128x64xf32, #tpu.memory_space<vmem>>, vector<16xf32>,
        %add3A_600 = arith.constant 0 : i32
        %add3A_601 = arith.addi %mul3A_548, %add3A_600 : i32
        %get3A_602 = arith.index_cast %add3A_601 : i32 to index
        %get3A_603 = arith.constant 16 : index
        %get3A_604 = tpu.vector_load %arg12[%get3A_602, %get3A_603] {strides = array<i32>} : memref<128x64xf32, #tpu.memory_space<vmem>>, vector<16xf32>,
        %add3A_605 = arith.constant 0 : i32
        %add3A_606 = arith.addi %mul3A_548, %add3A_605 : i32
        %get3A_607 = arith.index_cast %add3A_606 : i32 to index
        %get3A_608 = arith.constant 32 : index
        %get3A_609 = tpu.vector_load %arg12[%get3A_607, %get3A_608] {strides = array<i32>} : memref<128x64xf32, #tpu.memory_space<vmem>>, vector<16xf32>,
        %add3A_610 = arith.constant 0 : i32
        %add3A_611 = arith.addi %mul3A_548, %add3A_610 : i32
        %get3A_612 = arith.index_cast %add3A_611 : i32 to index
        %get3A_613 = arith.constant 48 : index
        %get3A_614 = tpu.vector_load %arg12[%get3A_612, %get3A_613] {strides = array<i32>} : memref<128x64xf32, #tpu.memory_space<vmem>>, vector<16xf32>,
        %add3A_615 = arith.constant 1 : i32
        %add3A_616 = arith.addi %mul3A_548, %add3A_615 : i32
        %get3A_617 = arith.index_cast %add3A_616 : i32 to index
        %get3A_618 = arith.constant 0 : index
        %get3A_619 = tpu.vector_load %arg12[%get3A_617, %get3A_618] {strides = array<i32>} : memref<128x64xf32, #tpu.memory_space<vmem>>, vector<16xf32>,
        %add3A_620 = arith.constant 1 : i32
        %add3A_621 = arith.addi %mul3A_548, %add3A_620 : i32
        %get3A_622 = arith.index_cast %add3A_621 : i32 to index
        %get3A_623 = arith.constant 16 : index
        %get3A_624 = tpu.vector_load %arg12[%get3A_622, %get3A_623] {strides = array<i32>} : memref<128x64xf32, #tpu.memory_space<vmem>>, vector<16xf32>,
        %add3A_625 = arith.constant 1 : i32
        %add3A_626 = arith.addi %mul3A_548, %add3A_625 : i32
        %get3A_627 = arith.index_cast %add3A_626 : i32 to index
        %get3A_628 = arith.constant 32 : index
        %get3A_629 = tpu.vector_load %arg12[%get3A_627, %get3A_628] {strides = array<i32>} : memref<128x64xf32, #tpu.memory_space<vmem>>, vector<16xf32>,
        %add3A_630 = arith.constant 1 : i32
        %add3A_631 = arith.addi %mul3A_548, %add3A_630 : i32
        %get3A_632 = arith.index_cast %add3A_631 : i32 to index
        %get3A_633 = arith.constant 48 : index
        %get3A_634 = tpu.vector_load %arg12[%get3A_632, %get3A_633] {strides = array<i32>} : memref<128x64xf32, #tpu.memory_space<vmem>>, vector<16xf32>,
        %add3A_635 = arith.constant 2 : i32
        %add3A_636 = arith.addi %mul3A_548, %add3A_635 : i32
        %get3A_637 = arith.index_cast %add3A_636 : i32 to index
        %get3A_638 = arith.constant 0 : index
        %get3A_639 = tpu.vector_load %arg12[%get3A_637, %get3A_638] {strides = array<i32>} : memref<128x64xf32, #tpu.memory_space<vmem>>, vector<16xf32>,
        %add3A_640 = arith.constant 2 : i32
        %add3A_641 = arith.addi %mul3A_548, %add3A_640 : i32
        %get3A_642 = arith.index_cast %add3A_641 : i32 to index
        %get3A_643 = arith.constant 16 : index
        %get3A_644 = tpu.vector_load %arg12[%get3A_642, %get3A_643] {strides = array<i32>} : memref<128x64xf32, #tpu.memory_space<vmem>>, vector<16xf32>,
        %add3A_645 = arith.constant 2 : i32
        %add3A_646 = arith.addi %mul3A_548, %add3A_645 : i32
        %get3A_647 = arith.index_cast %add3A_646 : i32 to index
        %get3A_648 = arith.constant 32 : index
        %get3A_649 = tpu.vector_load %arg12[%get3A_647, %get3A_648] {strides = array<i32>} : memref<128x64xf32, #tpu.memory_space<vmem>>, vector<16xf32>,
        %add3A_650 = arith.constant 2 : i32
        %add3A_651 = arith.addi %mul3A_548, %add3A_650 : i32
        %get3A_652 = arith.index_cast %add3A_651 : i32 to index
        %get3A_653 = arith.constant 48 : index
        %get3A_654 = tpu.vector_load %arg12[%get3A_652, %get3A_653] {strides = array<i32>} : memref<128x64xf32, #tpu.memory_space<vmem>>, vector<16xf32>,
        %add3A_655 = arith.constant 3 : i32
        %add3A_656 = arith.addi %mul3A_548, %add3A_655 : i32
        %get3A_657 = arith.index_cast %add3A_656 : i32 to index
        %get3A_658 = arith.constant 0 : index
        %get3A_659 = tpu.vector_load %arg12[%get3A_657, %get3A_658] {strides = array<i32>} : memref<128x64xf32, #tpu.memory_space<vmem>>, vector<16xf32>,
        %add3A_660 = arith.constant 3 : i32
        %add3A_661 = arith.addi %mul3A_548, %add3A_660 : i32
        %get3A_662 = arith.index_cast %add3A_661 : i32 to index
        %get3A_663 = arith.constant 16 : index
        %get3A_664 = tpu.vector_load %arg12[%get3A_662, %get3A_663] {strides = array<i32>} : memref<128x64xf32, #tpu.memory_space<vmem>>, vector<16xf32>,
        %add3A_665 = arith.constant 3 : i32
        %add3A_666 = arith.addi %mul3A_548, %add3A_665 : i32
        %get3A_667 = arith.index_cast %add3A_666 : i32 to index
        %get3A_668 = arith.constant 32 : index
        %get3A_669 = tpu.vector_load %arg12[%get3A_667, %get3A_668] {strides = array<i32>} : memref<128x64xf32, #tpu.memory_space<vmem>>, vector<16xf32>,
        %add3A_670 = arith.constant 3 : i32
        %add3A_671 = arith.addi %mul3A_548, %add3A_670 : i32
        %get3A_672 = arith.index_cast %add3A_671 : i32 to index
        %get3A_673 = arith.constant 48 : index
        %get3A_674 = tpu.vector_load %arg12[%get3A_672, %get3A_673] {strides = array<i32>} : memref<128x64xf32, #tpu.memory_space<vmem>>, vector<16xf32>,
        %add3A_675 = arith.constant 4 : i32
        %add3A_676 = arith.addi %mul3A_548, %add3A_675 : i32
        %get3A_677 = arith.index_cast %add3A_676 : i32 to index
        %get3A_678 = arith.constant 0 : index
        %get3A_679 = tpu.vector_load %arg12[%get3A_677, %get3A_678] {strides = array<i32>} : memref<128x64xf32, #tpu.memory_space<vmem>>, vector<16xf32>,
        %add3A_680 = arith.constant 4 : i32
        %add3A_681 = arith.addi %mul3A_548, %add3A_680 : i32
        %get3A_682 = arith.index_cast %add3A_681 : i32 to index
        %get3A_683 = arith.constant 16 : index
        %get3A_684 = tpu.vector_load %arg12[%get3A_682, %get3A_683] {strides = array<i32>} : memref<128x64xf32, #tpu.memory_space<vmem>>, vector<16xf32>,
        %add3A_685 = arith.constant 4 : i32
        %add3A_686 = arith.addi %mul3A_548, %add3A_685 : i32
        %get3A_687 = arith.index_cast %add3A_686 : i32 to index
        %get3A_688 = arith.constant 32 : index
        %get3A_689 = tpu.vector_load %arg12[%get3A_687, %get3A_688] {strides = array<i32>} : memref<128x64xf32, #tpu.memory_space<vmem>>, vector<16xf32>,
        %add3A_690 = arith.constant 4 : i32
        %add3A_691 = arith.addi %mul3A_548, %add3A_690 : i32
        %get3A_692 = arith.index_cast %add3A_691 : i32 to index
        %get3A_693 = arith.constant 48 : index
        %get3A_694 = tpu.vector_load %arg12[%get3A_692, %get3A_693] {strides = array<i32>} : memref<128x64xf32, #tpu.memory_space<vmem>>, vector<16xf32>,
        %add3A_695 = arith.constant 5 : i32
        %add3A_696 = arith.addi %mul3A_548, %add3A_695 : i32
        %get3A_697 = arith.index_cast %add3A_696 : i32 to index
        %get3A_698 = arith.constant 0 : index
        %get3A_699 = tpu.vector_load %arg12[%get3A_697, %get3A_698] {strides = array<i32>} : memref<128x64xf32, #tpu.memory_space<vmem>>, vector<16xf32>,
        %add3A_700 = arith.constant 5 : i32
        %add3A_701 = arith.addi %mul3A_548, %add3A_700 : i32
        %get3A_702 = arith.index_cast %add3A_701 : i32 to index
        %get3A_703 = arith.constant 16 : index
        %get3A_704 = tpu.vector_load %arg12[%get3A_702, %get3A_703] {strides = array<i32>} : memref<128x64xf32, #tpu.memory_space<vmem>>, vector<16xf32>,
        %add3A_705 = arith.constant 5 : i32
        %add3A_706 = arith.addi %mul3A_548, %add3A_705 : i32
        %get3A_707 = arith.index_cast %add3A_706 : i32 to index
        %get3A_708 = arith.constant 32 : index
        %get3A_709 = tpu.vector_load %arg12[%get3A_707, %get3A_708] {strides = array<i32>} : memref<128x64xf32, #tpu.memory_space<vmem>>, vector<16xf32>,
        %add3A_710 = arith.constant 5 : i32
        %add3A_711 = arith.addi %mul3A_548, %add3A_710 : i32
        %get3A_712 = arith.index_cast %add3A_711 : i32 to index
        %get3A_713 = arith.constant 48 : index
        %get3A_714 = tpu.vector_load %arg12[%get3A_712, %get3A_713] {strides = array<i32>} : memref<128x64xf32, #tpu.memory_space<vmem>>, vector<16xf32>,
        %add3A_715 = arith.constant 6 : i32
        %add3A_716 = arith.addi %mul3A_548, %add3A_715 : i32
        %get3A_717 = arith.index_cast %add3A_716 : i32 to index
        %get3A_718 = arith.constant 0 : index
        %get3A_719 = tpu.vector_load %arg12[%get3A_717, %get3A_718] {strides = array<i32>} : memref<128x64xf32, #tpu.memory_space<vmem>>, vector<16xf32>,
        %add3A_720 = arith.constant 6 : i32
        %add3A_721 = arith.addi %mul3A_548, %add3A_720 : i32
        %get3A_722 = arith.index_cast %add3A_721 : i32 to index
        %get3A_723 = arith.constant 16 : index
        %get3A_724 = tpu.vector_load %arg12[%get3A_722, %get3A_723] {strides = array<i32>} : memref<128x64xf32, #tpu.memory_space<vmem>>, vector<16xf32>,
        %add3A_725 = arith.constant 6 : i32
        %add3A_726 = arith.addi %mul3A_548, %add3A_725 : i32
        %get3A_727 = arith.index_cast %add3A_726 : i32 to index
        %get3A_728 = arith.constant 32 : index
        %get3A_729 = tpu.vector_load %arg12[%get3A_727, %get3A_728] {strides = array<i32>} : memref<128x64xf32, #tpu.memory_space<vmem>>, vector<16xf32>,
        %add3A_730 = arith.constant 6 : i32
        %add3A_731 = arith.addi %mul3A_548, %add3A_730 : i32
        %get3A_732 = arith.index_cast %add3A_731 : i32 to index
        %get3A_733 = arith.constant 48 : index
        %get3A_734 = tpu.vector_load %arg12[%get3A_732, %get3A_733] {strides = array<i32>} : memref<128x64xf32, #tpu.memory_space<vmem>>, vector<16xf32>,
        %add3A_735 = arith.constant 7 : i32
        %add3A_736 = arith.addi %mul3A_548, %add3A_735 : i32
        %get3A_737 = arith.index_cast %add3A_736 : i32 to index
        %get3A_738 = arith.constant 0 : index
        %get3A_739 = tpu.vector_load %arg12[%get3A_737, %get3A_738] {strides = array<i32>} : memref<128x64xf32, #tpu.memory_space<vmem>>, vector<16xf32>,
        %add3A_740 = arith.constant 7 : i32
        %add3A_741 = arith.addi %mul3A_548, %add3A_740 : i32
        %get3A_742 = arith.index_cast %add3A_741 : i32 to index
        %get3A_743 = arith.constant 16 : index
        %get3A_744 = tpu.vector_load %arg12[%get3A_742, %get3A_743] {strides = array<i32>} : memref<128x64xf32, #tpu.memory_space<vmem>>, vector<16xf32>,
        %add3A_745 = arith.constant 7 : i32
        %add3A_746 = arith.addi %mul3A_548, %add3A_745 : i32
        %get3A_747 = arith.index_cast %add3A_746 : i32 to index
        %get3A_748 = arith.constant 32 : index
        %get3A_749 = tpu.vector_load %arg12[%get3A_747, %get3A_748] {strides = array<i32>} : memref<128x64xf32, #tpu.memory_space<vmem>>, vector<16xf32>,
        %add3A_750 = arith.constant 7 : i32
        %add3A_751 = arith.addi %mul3A_548, %add3A_750 : i32
        %get3A_752 = arith.index_cast %add3A_751 : i32 to index
        %get3A_753 = arith.constant 48 : index
        %get3A_754 = tpu.vector_load %arg12[%get3A_752, %get3A_753] {strides = array<i32>} : memref<128x64xf32, #tpu.memory_space<vmem>>, vector<16xf32>,
        tpu.vector_store_idx %arg16[%select_n3A, %select_n3A_153, %add3A_553], %get3A_599 : memref<8x8x133xf32, #tpu.memory_space<vmem>>[vector<16xi32>, vector<16xi32>, vector<16xi32>], vector<16xf32>,
        tpu.vector_store_idx %arg16[%select_n3A_62, %select_n3A_178, %add3A_553], %get3A_604 : memref<8x8x133xf32, #tpu.memory_space<vmem>>[vector<16xi32>, vector<16xi32>, vector<16xi32>], vector<16xf32>,
        tpu.vector_store_idx %arg16[%select_n3A_96, %select_n3A_203, %add3A_553], %get3A_609 : memref<8x8x133xf32, #tpu.memory_space<vmem>>[vector<16xi32>, vector<16xi32>, vector<16xi32>], vector<16xf32>,
        tpu.vector_store_idx %arg16[%select_n3A_130, %select_n3A_228, %add3A_553], %get3A_614 : memref<8x8x133xf32, #tpu.memory_space<vmem>>[vector<16xi32>, vector<16xi32>, vector<16xi32>], vector<16xf32>,
        tpu.vector_store_idx %arg16[%select_n3A, %select_n3A_153, %add3A_559], %get3A_619 : memref<8x8x133xf32, #tpu.memory_space<vmem>>[vector<16xi32>, vector<16xi32>, vector<16xi32>], vector<16xf32>,
        tpu.vector_store_idx %arg16[%select_n3A_62, %select_n3A_178, %add3A_559], %get3A_624 : memref<8x8x133xf32, #tpu.memory_space<vmem>>[vector<16xi32>, vector<16xi32>, vector<16xi32>], vector<16xf32>,
        tpu.vector_store_idx %arg16[%select_n3A_96, %select_n3A_203, %add3A_559], %get3A_629 : memref<8x8x133xf32, #tpu.memory_space<vmem>>[vector<16xi32>, vector<16xi32>, vector<16xi32>], vector<16xf32>,
        tpu.vector_store_idx %arg16[%select_n3A_130, %select_n3A_228, %add3A_559], %get3A_634 : memref<8x8x133xf32, #tpu.memory_space<vmem>>[vector<16xi32>, vector<16xi32>, vector<16xi32>], vector<16xf32>,
        tpu.vector_store_idx %arg16[%select_n3A, %select_n3A_153, %add3A_565], %get3A_639 : memref<8x8x133xf32, #tpu.memory_space<vmem>>[vector<16xi32>, vector<16xi32>, vector<16xi32>], vector<16xf32>,
        tpu.vector_store_idx %arg16[%select_n3A_62, %select_n3A_178, %add3A_565], %get3A_644 : memref<8x8x133xf32, #tpu.memory_space<vmem>>[vector<16xi32>, vector<16xi32>, vector<16xi32>], vector<16xf32>,
        tpu.vector_store_idx %arg16[%select_n3A_96, %select_n3A_203, %add3A_565], %get3A_649 : memref<8x8x133xf32, #tpu.memory_space<vmem>>[vector<16xi32>, vector<16xi32>, vector<16xi32>], vector<16xf32>,
        tpu.vector_store_idx %arg16[%select_n3A_130, %select_n3A_228, %add3A_565], %get3A_654 : memref<8x8x133xf32, #tpu.memory_space<vmem>>[vector<16xi32>, vector<16xi32>, vector<16xi32>], vector<16xf32>,
        tpu.vector_store_idx %arg16[%select_n3A, %select_n3A_153, %add3A_571], %get3A_659 : memref<8x8x133xf32, #tpu.memory_space<vmem>>[vector<16xi32>, vector<16xi32>, vector<16xi32>], vector<16xf32>,
        tpu.vector_store_idx %arg16[%select_n3A_62, %select_n3A_178, %add3A_571], %get3A_664 : memref<8x8x133xf32, #tpu.memory_space<vmem>>[vector<16xi32>, vector<16xi32>, vector<16xi32>], vector<16xf32>,
        tpu.vector_store_idx %arg16[%select_n3A_96, %select_n3A_203, %add3A_571], %get3A_669 : memref<8x8x133xf32, #tpu.memory_space<vmem>>[vector<16xi32>, vector<16xi32>, vector<16xi32>], vector<16xf32>,
        tpu.vector_store_idx %arg16[%select_n3A_130, %select_n3A_228, %add3A_571], %get3A_674 : memref<8x8x133xf32, #tpu.memory_space<vmem>>[vector<16xi32>, vector<16xi32>, vector<16xi32>], vector<16xf32>,
        tpu.vector_store_idx %arg16[%select_n3A, %select_n3A_153, %add3A_577], %get3A_679 : memref<8x8x133xf32, #tpu.memory_space<vmem>>[vector<16xi32>, vector<16xi32>, vector<16xi32>], vector<16xf32>,
        tpu.vector_store_idx %arg16[%select_n3A_62, %select_n3A_178, %add3A_577], %get3A_684 : memref<8x8x133xf32, #tpu.memory_space<vmem>>[vector<16xi32>, vector<16xi32>, vector<16xi32>], vector<16xf32>,
        tpu.vector_store_idx %arg16[%select_n3A_96, %select_n3A_203, %add3A_577], %get3A_689 : memref<8x8x133xf32, #tpu.memory_space<vmem>>[vector<16xi32>, vector<16xi32>, vector<16xi32>], vector<16xf32>,
        tpu.vector_store_idx %arg16[%select_n3A_130, %select_n3A_228, %add3A_577], %get3A_694 : memref<8x8x133xf32, #tpu.memory_space<vmem>>[vector<16xi32>, vector<16xi32>, vector<16xi32>], vector<16xf32>,
        tpu.vector_store_idx %arg16[%select_n3A, %select_n3A_153, %add3A_583], %get3A_699 : memref<8x8x133xf32, #tpu.memory_space<vmem>>[vector<16xi32>, vector<16xi32>, vector<16xi32>], vector<16xf32>,
        tpu.vector_store_idx %arg16[%select_n3A_62, %select_n3A_178, %add3A_583], %get3A_704 : memref<8x8x133xf32, #tpu.memory_space<vmem>>[vector<16xi32>, vector<16xi32>, vector<16xi32>], vector<16xf32>,
        tpu.vector_store_idx %arg16[%select_n3A_96, %select_n3A_203, %add3A_583], %get3A_709 : memref<8x8x133xf32, #tpu.memory_space<vmem>>[vector<16xi32>, vector<16xi32>, vector<16xi32>], vector<16xf32>,
        tpu.vector_store_idx %arg16[%select_n3A_130, %select_n3A_228, %add3A_583], %get3A_714 : memref<8x8x133xf32, #tpu.memory_space<vmem>>[vector<16xi32>, vector<16xi32>, vector<16xi32>], vector<16xf32>,
        tpu.vector_store_idx %arg16[%select_n3A, %select_n3A_153, %add3A_589], %get3A_719 : memref<8x8x133xf32, #tpu.memory_space<vmem>>[vector<16xi32>, vector<16xi32>, vector<16xi32>], vector<16xf32>,
        tpu.vector_store_idx %arg16[%select_n3A_62, %select_n3A_178, %add3A_589], %get3A_724 : memref<8x8x133xf32, #tpu.memory_space<vmem>>[vector<16xi32>, vector<16xi32>, vector<16xi32>], vector<16xf32>,
        tpu.vector_store_idx %arg16[%select_n3A_96, %select_n3A_203, %add3A_589], %get3A_729 : memref<8x8x133xf32, #tpu.memory_space<vmem>>[vector<16xi32>, vector<16xi32>, vector<16xi32>], vector<16xf32>,
        tpu.vector_store_idx %arg16[%select_n3A_130, %select_n3A_228, %add3A_589], %get3A_734 : memref<8x8x133xf32, #tpu.memory_space<vmem>>[vector<16xi32>, vector<16xi32>, vector<16xi32>], vector<16xf32>,
        tpu.vector_store_idx %arg16[%select_n3A, %select_n3A_153, %add3A_595], %get3A_739 : memref<8x8x133xf32, #tpu.memory_space<vmem>>[vector<16xi32>, vector<16xi32>, vector<16xi32>], vector<16xf32>,
        tpu.vector_store_idx %arg16[%select_n3A_62, %select_n3A_178, %add3A_595], %get3A_744 : memref<8x8x133xf32, #tpu.memory_space<vmem>>[vector<16xi32>, vector<16xi32>, vector<16xi32>], vector<16xf32>,
        tpu.vector_store_idx %arg16[%select_n3A_96, %select_n3A_203, %add3A_595], %get3A_749 : memref<8x8x133xf32, #tpu.memory_space<vmem>>[vector<16xi32>, vector<16xi32>, vector<16xi32>], vector<16xf32>,
        tpu.vector_store_idx %arg16[%select_n3A_130, %select_n3A_228, %add3A_595], %get3A_754 : memref<8x8x133xf32, #tpu.memory_space<vmem>>[vector<16xi32>, vector<16xi32>, vector<16xi32>], vector<16xf32>,
      }
      %scan3A_507 = arith.constant 16 : i32
      %dma_start3A_508 = arith.constant 0 : i32
      %dma_start3A_509 = arith.constant 0 : i32
      %dma_start3A_510 = arith.constant 0 : i32
      %dma_start3A_511 = tpu.memref_slice %arg16[%dma_start3A_508, %dma_start3A_509, %dma_start3A_510] : memref<8x8x133xf32, #tpu.memory_space<vmem>> -> memref<8x8x128xf32, #tpu.memory_space<vmem>>
      %dma_start3A_512 = arith.constant 0 : i32
      %dma_start3A_513 = arith.constant 0 : i32
      %dma_start3A_514 = arith.constant 0 : i32
      %dma_start3A_515 = tpu.memref_slice %arg4[%add3A_496, %dma_start3A_512, %add3A, %dma_start3A_513, %dma_start3A_514] : memref<200x8x32x8x128xf32, #tpu.memory_space<hbm>> -> memref<1x8x1x8x128xf32, #tpu.memory_space<hbm>>
      %dma_start3A_516 = tpu.memref_squeeze %dma_start3A_515 : memref<1x8x1x8x128xf32, #tpu.memory_space<hbm>> -> memref<8x8x128xf32, #tpu.memory_space<hbm>>
      %dma_start3A_517 = arith.constant 0 : i32
      %dma_start3A_518 = arith.constant 0 : i32
      %dma_start3A_519 = arith.constant 0 : i32
      %dma_start3A_520 = tpu.memref_slice %arg4[%add3A_496, %dma_start3A_517, %add3A, %dma_start3A_518, %dma_start3A_519] : memref<200x8x32x8x128xf32, #tpu.memory_space<hbm>> -> memref<1x8x1x8x128xf32, #tpu.memory_space<hbm>>
      %dma_start3A_521 = tpu.memref_squeeze %dma_start3A_520 : memref<1x8x1x8x128xf32, #tpu.memory_space<hbm>> -> memref<8x8x128xf32, #tpu.memory_space<hbm>>
      %dma_start3A_522 = arith.constant 0 : i32
      %dma_start3A_523 = arith.constant 0 : i32
      %dma_start3A_524 = arith.constant 0 : i32
      %dma_start3A_525 = tpu.memref_slice %arg16[%dma_start3A_522, %dma_start3A_523, %dma_start3A_524] : memref<8x8x133xf32, #tpu.memory_space<vmem>> -> memref<8x8x128xf32, #tpu.memory_space<vmem>>
      tpu.enqueue_dma source(%dma_start3A_525 : memref<8x8x128xf32, #tpu.memory_space<vmem>>) target(%dma_start3A_521 : memref<8x8x128xf32, #tpu.memory_space<hbm>>) target_semaphore(%arg28 : memref<!tpu.dma_semaphore, #tpu.memory_space<semaphore_mem>>)
      %lt3A_526 = arith.constant 49 : i32
      %lt3A_527 = arith.cmpi slt, %scan3A_364, %lt3A_526 : i32
      %convert_element_type3A_528 = arith.extui %lt3A_527 : i1 to i32
      %cond3A_529 = arith.constant 0 : i32
      %cond3A_530 = arith.cmpi ne, %convert_element_type3A_528, %cond3A_529 : i32
      scf.if %cond3A_530 {
        %dma_wait3A_546 = arith.constant 0 : i32
        %dma_wait3A_547 = tpu.memref_slice %arg2[%dma_wait3A_546, %mul3A_2] : memref<200x4096xi32, #tpu.memory_space<hbm>> -> memref<1x128xi32, #tpu.memory_space<hbm>>
        %dma_wait3A_548 = tpu.memref_squeeze %dma_wait3A_547 : memref<1x128xi32, #tpu.memory_space<hbm>> -> memref<128xi32, #tpu.memory_space<hbm>>
        %dma_wait3A_549 = tpu.memref_slice %arg2[%dma_wait3A_546, %mul3A_2] : memref<200x4096xi32, #tpu.memory_space<hbm>> -> memref<1x128xi32, #tpu.memory_space<hbm>>
        %dma_wait3A_550 = tpu.memref_squeeze %dma_wait3A_549 : memref<1x128xi32, #tpu.memory_space<hbm>> -> memref<128xi32, #tpu.memory_space<hbm>>
        tpu.wait_dma2 semaphore(%arg17 : memref<!tpu.dma_semaphore, #tpu.memory_space<semaphore_mem>>) src(%dma_wait3A_550 : memref<128xi32, #tpu.memory_space<hbm>>) dst(%arg5 : memref<128xi32, #tpu.memory_space<vmem>>)
        %dma_start3A_551 = arith.constant 0 : i32
        %dma_start3A_552 = arith.constant 0 : i32
        %dma_start3A_553 = tpu.memref_slice %arg3[%dma_start3A_551, %dma_start3A_552] : memref<1000000x64xf32, #tpu.memory_space<hbm>> -> memref<1000000x64xf32, #tpu.memory_space<hbm>>
        tpu.enqueue_indirect_dma source(%dma_start3A_553 : memref<1000000x64xf32, #tpu.memory_space<hbm>>) target(%arg9 : memref<128x64xf32, #tpu.memory_space<vmem>>) offsets(%arg5 : memref<128xi32, #tpu.memory_space<vmem>>) semaphore(%arg21 : memref<!tpu.dma_semaphore, #tpu.memory_space<semaphore_mem>>)
      } else {
      }
      %lt3A_531 = arith.constant 49 : i32
      %lt3A_532 = arith.cmpi slt, %scan3A_364, %lt3A_531 : i32
      %convert_element_type3A_533 = arith.extui %lt3A_532 : i1 to i32
      %cond3A_534 = arith.constant 0 : i32
      %cond3A_535 = arith.cmpi ne, %convert_element_type3A_533, %cond3A_534 : i32
      scf.if %cond3A_535 {
        %dma_wait3A_546 = arith.constant 0 : i32
        %dma_wait3A_547 = tpu.memref_slice %arg2[%dma_wait3A_546, %mul3A_2] : memref<200x4096xi32, #tpu.memory_space<hbm>> -> memref<1x128xi32, #tpu.memory_space<hbm>>
        %dma_wait3A_548 = tpu.memref_squeeze %dma_wait3A_547 : memref<1x128xi32, #tpu.memory_space<hbm>> -> memref<128xi32, #tpu.memory_space<hbm>>
        %dma_wait3A_549 = tpu.memref_slice %arg2[%dma_wait3A_546, %mul3A_2] : memref<200x4096xi32, #tpu.memory_space<hbm>> -> memref<1x128xi32, #tpu.memory_space<hbm>>
        %dma_wait3A_550 = tpu.memref_squeeze %dma_wait3A_549 : memref<1x128xi32, #tpu.memory_space<hbm>> -> memref<128xi32, #tpu.memory_space<hbm>>
        tpu.wait_dma2 semaphore(%arg18 : memref<!tpu.dma_semaphore, #tpu.memory_space<semaphore_mem>>) src(%dma_wait3A_550 : memref<128xi32, #tpu.memory_space<hbm>>) dst(%arg6 : memref<128xi32, #tpu.memory_space<vmem>>)
        %dma_start3A_551 = arith.constant 0 : i32
        %dma_start3A_552 = arith.constant 0 : i32
        %dma_start3A_553 = tpu.memref_slice %arg3[%dma_start3A_551, %dma_start3A_552] : memref<1000000x64xf32, #tpu.memory_space<hbm>> -> memref<1000000x64xf32, #tpu.memory_space<hbm>>
        tpu.enqueue_indirect_dma source(%dma_start3A_553 : memref<1000000x64xf32, #tpu.memory_space<hbm>>) target(%arg10 : memref<128x64xf32, #tpu.memory_space<vmem>>) offsets(%arg6 : memref<128xi32, #tpu.memory_space<vmem>>) semaphore(%arg22 : memref<!tpu.dma_semaphore, #tpu.memory_space<semaphore_mem>>)
      } else {
      }
      %lt3A_536 = arith.constant 49 : i32
      %lt3A_537 = arith.cmpi slt, %scan3A_364, %lt3A_536 : i32
      %convert_element_type3A_538 = arith.extui %lt3A_537 : i1 to i32
      %cond3A_539 = arith.constant 0 : i32
      %cond3A_540 = arith.cmpi ne, %convert_element_type3A_538, %cond3A_539 : i32
      scf.if %cond3A_540 {
        %dma_wait3A_546 = arith.constant 0 : i32
        %dma_wait3A_547 = tpu.memref_slice %arg2[%dma_wait3A_546, %mul3A_2] : memref<200x4096xi32, #tpu.memory_space<hbm>> -> memref<1x128xi32, #tpu.memory_space<hbm>>
        %dma_wait3A_548 = tpu.memref_squeeze %dma_wait3A_547 : memref<1x128xi32, #tpu.memory_space<hbm>> -> memref<128xi32, #tpu.memory_space<hbm>>
        %dma_wait3A_549 = tpu.memref_slice %arg2[%dma_wait3A_546, %mul3A_2] : memref<200x4096xi32, #tpu.memory_space<hbm>> -> memref<1x128xi32, #tpu.memory_space<hbm>>
        %dma_wait3A_550 = tpu.memref_squeeze %dma_wait3A_549 : memref<1x128xi32, #tpu.memory_space<hbm>> -> memref<128xi32, #tpu.memory_space<hbm>>
        tpu.wait_dma2 semaphore(%arg19 : memref<!tpu.dma_semaphore, #tpu.memory_space<semaphore_mem>>) src(%dma_wait3A_550 : memref<128xi32, #tpu.memory_space<hbm>>) dst(%arg7 : memref<128xi32, #tpu.memory_space<vmem>>)
        %dma_start3A_551 = arith.constant 0 : i32
        %dma_start3A_552 = arith.constant 0 : i32
        %dma_start3A_553 = tpu.memref_slice %arg3[%dma_start3A_551, %dma_start3A_552] : memref<1000000x64xf32, #tpu.memory_space<hbm>> -> memref<1000000x64xf32, #tpu.memory_space<hbm>>
        tpu.enqueue_indirect_dma source(%dma_start3A_553 : memref<1000000x64xf32, #tpu.memory_space<hbm>>) target(%arg11 : memref<128x64xf32, #tpu.memory_space<vmem>>) offsets(%arg7 : memref<128xi32, #tpu.memory_space<vmem>>) semaphore(%arg23 : memref<!tpu.dma_semaphore, #tpu.memory_space<semaphore_mem>>)
      } else {
      }
      %lt3A_541 = arith.constant 49 : i32
      %lt3A_542 = arith.cmpi slt, %scan3A_364, %lt3A_541 : i32
      %convert_element_type3A_543 = arith.extui %lt3A_542 : i1 to i32
      %cond3A_544 = arith.constant 0 : i32
      %cond3A_545 = arith.cmpi ne, %convert_element_type3A_543, %cond3A_544 : i32
      scf.if %cond3A_545 {
        %dma_wait3A_546 = arith.constant 0 : i32
        %dma_wait3A_547 = tpu.memref_slice %arg2[%dma_wait3A_546, %mul3A_2] : memref<200x4096xi32, #tpu.memory_space<hbm>> -> memref<1x128xi32, #tpu.memory_space<hbm>>
        %dma_wait3A_548 = tpu.memref_squeeze %dma_wait3A_547 : memref<1x128xi32, #tpu.memory_space<hbm>> -> memref<128xi32, #tpu.memory_space<hbm>>
        %dma_wait3A_549 = tpu.memref_slice %arg2[%dma_wait3A_546, %mul3A_2] : memref<200x4096xi32, #tpu.memory_space<hbm>> -> memref<1x128xi32, #tpu.memory_space<hbm>>
        %dma_wait3A_550 = tpu.memref_squeeze %dma_wait3A_549 : memref<1x128xi32, #tpu.memory_space<hbm>> -> memref<128xi32, #tpu.memory_space<hbm>>
        tpu.wait_dma2 semaphore(%arg20 : memref<!tpu.dma_semaphore, #tpu.memory_space<semaphore_mem>>) src(%dma_wait3A_550 : memref<128xi32, #tpu.memory_space<hbm>>) dst(%arg8 : memref<128xi32, #tpu.memory_space<vmem>>)
        %dma_start3A_551 = arith.constant 0 : i32
        %dma_start3A_552 = arith.constant 0 : i32
        %dma_start3A_553 = tpu.memref_slice %arg3[%dma_start3A_551, %dma_start3A_552] : memref<1000000x64xf32, #tpu.memory_space<hbm>> -> memref<1000000x64xf32, #tpu.memory_space<hbm>>
        tpu.enqueue_indirect_dma source(%dma_start3A_553 : memref<1000000x64xf32, #tpu.memory_space<hbm>>) target(%arg12 : memref<128x64xf32, #tpu.memory_space<vmem>>) offsets(%arg8 : memref<128xi32, #tpu.memory_space<vmem>>) semaphore(%arg24 : memref<!tpu.dma_semaphore, #tpu.memory_space<semaphore_mem>>)
      } else {
      }
    }
    %scan3A_283 = arith.constant 50 : i32
    %dma_wait3A_284 = arith.constant 0 : i32
    %dma_wait3A_285 = arith.constant 0 : i32
    %dma_wait3A_286 = arith.constant 0 : i32
    %dma_wait3A_287 = arith.constant 0 : i32
    %dma_wait3A_288 = arith.constant 0 : i32
    %dma_wait3A_289 = tpu.memref_slice %arg13[%dma_wait3A_286, %dma_wait3A_287, %dma_wait3A_288] : memref<8x8x133xf32, #tpu.memory_space<vmem>> -> memref<8x8x128xf32, #tpu.memory_space<vmem>>
    %dma_wait3A_290 = arith.constant 0 : i32
    %dma_wait3A_291 = arith.constant 0 : i32
    %dma_wait3A_292 = arith.constant 0 : i32
    %dma_wait3A_293 = tpu.memref_slice %arg4[%dma_wait3A_284, %dma_wait3A_290, %dma_wait3A_285, %dma_wait3A_291, %dma_wait3A_292] : memref<200x8x32x8x128xf32, #tpu.memory_space<hbm>> -> memref<1x8x1x8x128xf32, #tpu.memory_space<hbm>>
    %dma_wait3A_294 = tpu.memref_squeeze %dma_wait3A_293 : memref<1x8x1x8x128xf32, #tpu.memory_space<hbm>> -> memref<8x8x128xf32, #tpu.memory_space<hbm>>
    %dma_wait3A_295 = arith.constant 0 : i32
    %dma_wait3A_296 = arith.constant 0 : i32
    %dma_wait3A_297 = arith.constant 0 : i32
    %dma_wait3A_298 = tpu.memref_slice %arg4[%dma_wait3A_284, %dma_wait3A_295, %dma_wait3A_285, %dma_wait3A_296, %dma_wait3A_297] : memref<200x8x32x8x128xf32, #tpu.memory_space<hbm>> -> memref<1x8x1x8x128xf32, #tpu.memory_space<hbm>>
    %dma_wait3A_299 = tpu.memref_squeeze %dma_wait3A_298 : memref<1x8x1x8x128xf32, #tpu.memory_space<hbm>> -> memref<8x8x128xf32, #tpu.memory_space<hbm>>
    %dma_wait3A_300 = arith.constant 0 : i32
    %dma_wait3A_301 = arith.constant 0 : i32
    %dma_wait3A_302 = arith.constant 0 : i32
    %dma_wait3A_303 = tpu.memref_slice %arg13[%dma_wait3A_300, %dma_wait3A_301, %dma_wait3A_302] : memref<8x8x133xf32, #tpu.memory_space<vmem>> -> memref<8x8x128xf32, #tpu.memory_space<vmem>>
    tpu.wait_dma2 semaphore(%arg25 : memref<!tpu.dma_semaphore, #tpu.memory_space<semaphore_mem>>) src(%dma_wait3A_303 : memref<8x8x128xf32, #tpu.memory_space<vmem>>) dst(%dma_wait3A_299 : memref<8x8x128xf32, #tpu.memory_space<hbm>>)
    %dma_wait3A_304 = arith.constant 0 : i32
    %dma_wait3A_305 = arith.constant 0 : i32
    %dma_wait3A_306 = arith.constant 0 : i32
    %dma_wait3A_307 = arith.constant 0 : i32
    %dma_wait3A_308 = arith.constant 0 : i32
    %dma_wait3A_309 = tpu.memref_slice %arg14[%dma_wait3A_306, %dma_wait3A_307, %dma_wait3A_308] : memref<8x8x133xf32, #tpu.memory_space<vmem>> -> memref<8x8x128xf32, #tpu.memory_space<vmem>>
    %dma_wait3A_310 = arith.constant 0 : i32
    %dma_wait3A_311 = arith.constant 0 : i32
    %dma_wait3A_312 = arith.constant 0 : i32
    %dma_wait3A_313 = tpu.memref_slice %arg4[%dma_wait3A_304, %dma_wait3A_310, %dma_wait3A_305, %dma_wait3A_311, %dma_wait3A_312] : memref<200x8x32x8x128xf32, #tpu.memory_space<hbm>> -> memref<1x8x1x8x128xf32, #tpu.memory_space<hbm>>
    %dma_wait3A_314 = tpu.memref_squeeze %dma_wait3A_313 : memref<1x8x1x8x128xf32, #tpu.memory_space<hbm>> -> memref<8x8x128xf32, #tpu.memory_space<hbm>>
    %dma_wait3A_315 = arith.constant 0 : i32
    %dma_wait3A_316 = arith.constant 0 : i32
    %dma_wait3A_317 = arith.constant 0 : i32
    %dma_wait3A_318 = tpu.memref_slice %arg4[%dma_wait3A_304, %dma_wait3A_315, %dma_wait3A_305, %dma_wait3A_316, %dma_wait3A_317] : memref<200x8x32x8x128xf32, #tpu.memory_space<hbm>> -> memref<1x8x1x8x128xf32, #tpu.memory_space<hbm>>
    %dma_wait3A_319 = tpu.memref_squeeze %dma_wait3A_318 : memref<1x8x1x8x128xf32, #tpu.memory_space<hbm>> -> memref<8x8x128xf32, #tpu.memory_space<hbm>>
    %dma_wait3A_320 = arith.constant 0 : i32
    %dma_wait3A_321 = arith.constant 0 : i32
    %dma_wait3A_322 = arith.constant 0 : i32
    %dma_wait3A_323 = tpu.memref_slice %arg14[%dma_wait3A_320, %dma_wait3A_321, %dma_wait3A_322] : memref<8x8x133xf32, #tpu.memory_space<vmem>> -> memref<8x8x128xf32, #tpu.memory_space<vmem>>
    tpu.wait_dma2 semaphore(%arg26 : memref<!tpu.dma_semaphore, #tpu.memory_space<semaphore_mem>>) src(%dma_wait3A_323 : memref<8x8x128xf32, #tpu.memory_space<vmem>>) dst(%dma_wait3A_319 : memref<8x8x128xf32, #tpu.memory_space<hbm>>)
    %dma_wait3A_324 = arith.constant 0 : i32
    %dma_wait3A_325 = arith.constant 0 : i32
    %dma_wait3A_326 = arith.constant 0 : i32
    %dma_wait3A_327 = arith.constant 0 : i32
    %dma_wait3A_328 = arith.constant 0 : i32
    %dma_wait3A_329 = tpu.memref_slice %arg15[%dma_wait3A_326, %dma_wait3A_327, %dma_wait3A_328] : memref<8x8x133xf32, #tpu.memory_space<vmem>> -> memref<8x8x128xf32, #tpu.memory_space<vmem>>
    %dma_wait3A_330 = arith.constant 0 : i32
    %dma_wait3A_331 = arith.constant 0 : i32
    %dma_wait3A_332 = arith.constant 0 : i32
    %dma_wait3A_333 = tpu.memref_slice %arg4[%dma_wait3A_324, %dma_wait3A_330, %dma_wait3A_325, %dma_wait3A_331, %dma_wait3A_332] : memref<200x8x32x8x128xf32, #tpu.memory_space<hbm>> -> memref<1x8x1x8x128xf32, #tpu.memory_space<hbm>>
    %dma_wait3A_334 = tpu.memref_squeeze %dma_wait3A_333 : memref<1x8x1x8x128xf32, #tpu.memory_space<hbm>> -> memref<8x8x128xf32, #tpu.memory_space<hbm>>
    %dma_wait3A_335 = arith.constant 0 : i32
    %dma_wait3A_336 = arith.constant 0 : i32
    %dma_wait3A_337 = arith.constant 0 : i32
    %dma_wait3A_338 = tpu.memref_slice %arg4[%dma_wait3A_324, %dma_wait3A_335, %dma_wait3A_325, %dma_wait3A_336, %dma_wait3A_337] : memref<200x8x32x8x128xf32, #tpu.memory_space<hbm>> -> memref<1x8x1x8x128xf32, #tpu.memory_space<hbm>>
    %dma_wait3A_339 = tpu.memref_squeeze %dma_wait3A_338 : memref<1x8x1x8x128xf32, #tpu.memory_space<hbm>> -> memref<8x8x128xf32, #tpu.memory_space<hbm>>
    %dma_wait3A_340 = arith.constant 0 : i32
    %dma_wait3A_341 = arith.constant 0 : i32
    %dma_wait3A_342 = arith.constant 0 : i32
    %dma_wait3A_343 = tpu.memref_slice %arg15[%dma_wait3A_340, %dma_wait3A_341, %dma_wait3A_342] : memref<8x8x133xf32, #tpu.memory_space<vmem>> -> memref<8x8x128xf32, #tpu.memory_space<vmem>>
    tpu.wait_dma2 semaphore(%arg27 : memref<!tpu.dma_semaphore, #tpu.memory_space<semaphore_mem>>) src(%dma_wait3A_343 : memref<8x8x128xf32, #tpu.memory_space<vmem>>) dst(%dma_wait3A_339 : memref<8x8x128xf32, #tpu.memory_space<hbm>>)
    %dma_wait3A_344 = arith.constant 0 : i32
    %dma_wait3A_345 = arith.constant 0 : i32
    %dma_wait3A_346 = arith.constant 0 : i32
    %dma_wait3A_347 = arith.constant 0 : i32
    %dma_wait3A_348 = arith.constant 0 : i32
    %dma_wait3A_349 = tpu.memref_slice %arg16[%dma_wait3A_346, %dma_wait3A_347, %dma_wait3A_348] : memref<8x8x133xf32, #tpu.memory_space<vmem>> -> memref<8x8x128xf32, #tpu.memory_space<vmem>>
    %dma_wait3A_350 = arith.constant 0 : i32
    %dma_wait3A_351 = arith.constant 0 : i32
    %dma_wait3A_352 = arith.constant 0 : i32
    %dma_wait3A_353 = tpu.memref_slice %arg4[%dma_wait3A_344, %dma_wait3A_350, %dma_wait3A_345, %dma_wait3A_351, %dma_wait3A_352] : memref<200x8x32x8x128xf32, #tpu.memory_space<hbm>> -> memref<1x8x1x8x128xf32, #tpu.memory_space<hbm>>
    %dma_wait3A_354 = tpu.memref_squeeze %dma_wait3A_353 : memref<1x8x1x8x128xf32, #tpu.memory_space<hbm>> -> memref<8x8x128xf32, #tpu.memory_space<hbm>>
    %dma_wait3A_355 = arith.constant 0 : i32
    %dma_wait3A_356 = arith.constant 0 : i32
    %dma_wait3A_357 = arith.constant 0 : i32
    %dma_wait3A_358 = tpu.memref_slice %arg4[%dma_wait3A_344, %dma_wait3A_355, %dma_wait3A_345, %dma_wait3A_356, %dma_wait3A_357] : memref<200x8x32x8x128xf32, #tpu.memory_space<hbm>> -> memref<1x8x1x8x128xf32, #tpu.memory_space<hbm>>
    %dma_wait3A_359 = tpu.memref_squeeze %dma_wait3A_358 : memref<1x8x1x8x128xf32, #tpu.memory_space<hbm>> -> memref<8x8x128xf32, #tpu.memory_space<hbm>>
    %dma_wait3A_360 = arith.constant 0 : i32
    %dma_wait3A_361 = arith.constant 0 : i32
    %dma_wait3A_362 = arith.constant 0 : i32
    %dma_wait3A_363 = tpu.memref_slice %arg16[%dma_wait3A_360, %dma_wait3A_361, %dma_wait3A_362] : memref<8x8x133xf32, #tpu.memory_space<vmem>> -> memref<8x8x128xf32, #tpu.memory_space<vmem>>
    tpu.wait_dma2 semaphore(%arg28 : memref<!tpu.dma_semaphore, #tpu.memory_space<semaphore_mem>>) src(%dma_wait3A_363 : memref<8x8x128xf32, #tpu.memory_space<vmem>>) dst(%dma_wait3A_359 : memref<8x8x128xf32, #tpu.memory_space<hbm>>)
    return
  }
}

module attributes {stable_mosaic.version = 14 : i64} {
  func.func @_mask_body(%arg0: memref<4096x200xi32, #tpu.memory_space<vmem>>, %arg1: memref<4096x200xi8, #tpu.memory_space<vmem>>, %arg2: memref<200x200xi8, #tpu.memory_space<vmem>>) attributes {dimension_semantics = [], scalar_prefetch = 0 : i64, scratch_operands = 0 : i64, tpu.core_type = #tpu.core_type<tc>} {
    %get3A = arith.constant 0 : index
    %get3A_0 = arith.constant 0 : index
    %get3A_1 = vector.load %arg0[%get3A, %get3A_0] : memref<4096x200xi32, #tpu.memory_space<vmem>>, vector<4096x200xi32>
    %eq3A = arith.constant 0 : i32
    %eq3A_2 = vector.broadcast %eq3A : i32 to vector<4096x200xi32>
    %eq3A_3 = arith.cmpi eq, %get3A_1, %eq3A_2 : vector<4096x200xi32>
    %convert_element_type3A = arith.extui %eq3A_3 : vector<4096x200xi1> to vector<4096x200xi8>
    %swap3A = arith.constant 0 : index
    %swap3A_4 = arith.constant 0 : index
    %swap3A_5 = vector.load %arg1[%swap3A, %swap3A_4] : memref<4096x200xi8, #tpu.memory_space<vmem>>, vector<4096x200xi8>
    tpu.vector_store %arg1[%swap3A, %swap3A_4], %convert_element_type3A {strides = array<i32>} : memref<4096x200xi8, #tpu.memory_space<vmem>>, vector<4096x200xi8>,
    %iota3A = tpu.iota {dimensions = array<i32: 0>} : vector<200x200xi32>
    %iota3A_6 = tpu.iota {dimensions = array<i32: 1>} : vector<200x200xi32>
    %gt3A = arith.cmpi sgt, %iota3A_6, %iota3A : vector<200x200xi32>
    %convert_element_type3A_7 = arith.extui %gt3A : vector<200x200xi1> to vector<200x200xi8>
    %swap3A_8 = arith.constant 0 : index
    %swap3A_9 = arith.constant 0 : index
    %swap3A_10 = vector.load %arg2[%swap3A_8, %swap3A_9] : memref<200x200xi8, #tpu.memory_space<vmem>>, vector<200x200xi8>
    tpu.vector_store %arg2[%swap3A_8, %swap3A_9], %convert_element_type3A_7 {strides = array<i32>} : memref<200x200xi8, #tpu.memory_space<vmem>>, vector<200x200xi8>,
    return
  }
}

</mosaic_0001>

<sc_bundles>
// kernel: kernel.4.cloned.1.call-start
scs
__scs_entry_jumppad:
0x0: {  	(pc) =	sbr.rel $0x88, $3  }
0x1: {  	(tag) =	ssettag $0x0;
	lr =	simm.s32 $0x1  }
0x2: {  	[smem:$0x3F9F] =	sst lr;
	_ =	strace $0xD0000000  }
0x3: {  	_ = 	snop  }
0x4: {  	_ = 	snop  }
0x5: {  	_ = 	snop  }
0x6: {  	_ = 	snop  }
0x7: {  	_ = 	snop  }
__scs_overlays_trampoline_lowered:
0x8: {  	[smem:$0x3FAE] =	sst s0  }
0x9: {  	[smem:$0x3FAF] =	sst s1  }
0xa: {  	[smem:$0x3FB0] =	sst s2  }
0xb: {  	[smem:$0x3FB1] =	sst s3  }
0xc: {  	[smem:$0x3FB2] =	sst s4  }
0xd: {  	[smem:$0x3FB3] =	sst s5  }
0xe: {  	[smem:$0x3FB4] =	sst s6  }
0xf: {  	[smem:$0x3FB5] =	sst s7  }
0x10: {  	[smem:$0x3FB6] =	sst s8  }
0x11: {  	[smem:$0x3FB7] =	sst s9;
	s0 =	simm.s32 @!p0 $0x0  }
0x12: {  	s1 =	sld [smem:$0x3F9D];
	s0 =	simm.s32 @p0 $0x1  }
0x13: {  	[smem:$0x3FB8] =	sst s0;
	s0 =	simm.s32 @!p1 $0x0  }
0x14: {  	s2 =	sld [smem:$0x3F9C];
	s0 =	simm.s32 @p1 $0x1  }
0x15: {  	[smem:$0x3FB9] =	sst s0;
	s0 =	simm.s32 @!p2 $0x0  }
0x16: {  	s3 =	sld [smem:$0x3FDB];
	s0 =	simm.s32 @p2 $0x1  }
0x17: {  	s4 =	simm.s32 $0x1BF5;
	[smem:$0x3FBB] =	sst s0  }
0x18: {  	s0 =	sld [smem:$0x3F9E];
	_ =	swait.ge [sflag:s4], $0x0  }
0x19: {  	s7 =	sld [smem:$0x3F9F]  }
0x1a: {  	s8 =	sadd.s32 $0xFFFFE003, lr  }
0x1b: {  	s9 =	sadd.s32 $0xFFFFFEF7, lr;
	s5 =	simm.s32 $0xFFFFFFFF;
	p2 =	slt.u32 s8, $0xFFFFF086  }
0x1c: {  	p1 =	slt.u32 s9, $0xF7A;
	s5 =	simm.s32 @!p2 $0x0  }
0x1d: {  	s5 =	simm.s32 @p1 $0x1;
	p0 =	seq.s32 s7, s2  }
0x1e: {  	s7 =	smul.u32 @!p0 $0xF7A, s2;
	p2 =	seq.s32 @!p0 s5, $0x0  }
0x1f: {  	s9 =	smul.u32 $0xF7A, s1;
	s8 =	simm.s32 @!p0 $0x1BF5;
	p2 =	por !p2, p0  }
0x20: {  	[sflag:s8] =	ssyncset.s32 @!p0 $0xFFFFF086;
	s6 =	sadd.s32 @!p0 s3, s7;
	s7 =	simm.s32 @!p0 $0x108  }
0x21: {  	s3 =	sadd.s32 s3, s9;
	s6 =	sadd.s32 @!p0 $0x88, s6;
	s7 =	simm.s32 @p2 $0x1082  }
0x22: {  	[simem:s7], [sflag:s8] =	dma.local @!p0 [hbm:s6], $0xF7A  }
0x23: {  	s9 =	sor.u32 $0xD0000000, s2;
	s6 =	simm.s32 $0x108;
	_ =	swait.ge @!p0 [sflag:s8], $0x0  }
0x24: {  	s3 =	sadd.s32 $0x88, s3;
	s6 =	simm.s32 @!p1 $0x1082;
	[sflag:s4] =	ssyncset.s32 $0xFFFFF086  }
0x25: {  	[simem:s6], [sflag:s4] =	dma.local [hbm:s3], $0xF7A  }
0x26: {  	[smem:$0x3F9F] =	sst s1;
	(tag) =	ssettag s2;
	_ =	strace s9  }
0x27: {  	s1 =	sld [smem:$0x3FAF]  }
0x28: {  	s2 =	sld [smem:$0x3FB0]  }
0x29: {  	s4 =	sld [smem:$0x3FB2]  }
0x2a: {  	p0 =	seq.s32 s5, $0x0;
	s5 =	sld [smem:$0x3FB3]  }
0x2b: {  	s6 =	sld [smem:$0x3FB4]  }
0x2c: {  	s7 =	sld [smem:$0x3FB5]  }
0x2d: {  	s3 =	simm.s32 $0x108;
	s8 =	sld [smem:$0x3FB6]  }
0x2e: {  	s3 =	simm.s32 @!p0 $0x1082;
	s9 =	sld [smem:$0x3FB7]  }
0x2f: {  	lr =	sadd.s32 s0, s3;
	s0 =	sld [smem:$0x3FAE]  }
0x30: {  	s3 =	sld [smem:$0x3FB1]  }
0x31: {  	[smem:$0x3FBA] =	sst s10  }
0x32: {  	s10 =	sld [smem:$0x3FB8];
	_ =	sdelay $0x3  }
0x33: {  	p0 =	seq.s32 s10, $0x1;
	s10 =	sld [smem:$0x3FBA];
	_ =	sdelay $0x3  }
0x34: {  	[smem:$0x3FBA] =	sst s10  }
0x35: {  	s10 =	sld [smem:$0x3FB9];
	_ =	sdelay $0x3  }
0x36: {  	p1 =	seq.s32 s10, $0x1;
	s10 =	sld [smem:$0x3FBA];
	_ =	sdelay $0x3  }
0x37: {  	[smem:$0x3FBA] =	sst s10  }
0x38: {  	s10 =	sld [smem:$0x3FBB]  }
0x39: {  	_ = 	snop;
	(pc) =	sbr.ind lr, $3  }
0x3a: {  	_ = 	snop  }
0x3b: {  	_ = 	snop  }
0x3c: {  	p2 =	seq.s32 s10, $0x1;
	s10 =	sld [smem:$0x3FBA]  }
0x3d: {  	_ =	shalt  }
0x3e: {  	_ =	shalt  }
0x3f: {  	_ =	shalt  }
0x40: {  	_ =	shalt  }
0x41: {  	_ =	shalt  }
0x42: {  	_ =	shalt  }
0x43: {  	_ =	shalt  }
0x44: {  	_ =	shalt  }
0x45: {  	_ =	shalt  }
0x46: {  	_ =	shalt  }
0x47: {  	_ =	shalt  }
0x48: {  	_ =	shalt  }
0x49: {  	_ =	shalt  }
0x4a: {  	_ =	shalt  }
0x4b: {  	_ =	shalt  }
0x4c: {  	_ =	shalt  }
0x4d: {  	_ =	shalt  }
0x4e: {  	_ =	shalt  }
0x4f: {  	_ =	shalt  }
0x50: {  	_ =	shalt  }
0x51: {  	_ =	shalt  }
0x52: {  	_ =	shalt  }
0x53: {  	_ =	shalt  }
0x54: {  	_ =	shalt  }
0x55: {  	_ =	shalt  }
0x56: {  	_ =	shalt  }
0x57: {  	_ =	shalt  }
0x58: {  	_ =	shalt  }
0x59: {  	_ =	shalt  }
0x5a: {  	_ =	shalt  }
0x5b: {  	_ =	shalt  }
0x5c: {  	_ =	shalt  }
0x5d: {  	_ =	shalt  }
0x5e: {  	_ =	shalt  }
0x5f: {  	_ =	shalt  }
0x60: {  	_ =	shalt  }
0x61: {  	_ =	shalt  }
0x62: {  	_ =	shalt  }
0x63: {  	_ =	shalt  }
0x64: {  	_ =	shalt  }
0x65: {  	_ =	shalt  }
0x66: {  	_ =	shalt  }
0x67: {  	_ =	shalt  }
0x68: {  	_ =	shalt  }
0x69: {  	_ =	shalt  }
0x6a: {  	_ =	shalt  }
0x6b: {  	_ =	shalt  }
0x6c: {  	_ =	shalt  }
0x6d: {  	_ =	shalt  }
0x6e: {  	_ =	shalt  }
0x6f: {  	_ =	shalt  }
0x70: {  	_ =	shalt  }
0x71: {  	_ =	shalt  }
0x72: {  	_ =	shalt  }
0x73: {  	_ =	shalt  }
0x74: {  	_ =	shalt  }
0x75: {  	_ =	shalt  }
0x76: {  	_ =	shalt  }
0x77: {  	_ =	shalt  }
0x78: {  	_ =	shalt  }
0x79: {  	_ =	shalt  }
0x7a: {  	_ =	shalt  }
0x7b: {  	_ =	shalt  }
0x7c: {  	_ =	shalt  }
0x7d: {  	_ =	shalt  }
0x7e: {  	_ =	shalt  }
0x7f: {  	_ =	shalt  }
0x80: {  	_ =	shalt  }
0x81: {  	_ =	shalt  }
0x82: {  	_ =	shalt  }
0x83: {  	_ =	shalt  }
0x84: {  	_ =	shalt  }
0x85: {  	_ =	shalt  }
0x86: {  	_ =	shalt  }
0x87: {  	_ =	shalt  }
.Lfunc_end0:
.L_simem_size_0:
called_computation_lowered:
.L_overlay_start_0:
0x88: {  	s2 =	sld [smem:$0x3FD9]  }
0x89: {  	s3 =	sld [smem:$0x3FFE];
	_ =	sdelay $0x1  }
0x8a: {  	s1 =	srdreg.scid  }
0x8b: {  	s0 =	sand.u32 $0x1, s1  }
0x8c: {  	s14 =	sshll.u32 s0, $0xA;
	s2 =	sadd.s32 s3, s2  }
0x8d: {  	s2 =	sadd.s32 s2, s14  }
0x8e: {  	[smem:$0x3FC6] =	sst s2  }
0x8f: {  	_ = 	snop  }
0x90: {  	s2 =	sld [smem:$0x3FD0];
	_ =	sdelay $0x2  }
0x91: {  	s15 =	simm.s32 $0xA;
	s4 =	simm.s32 $0x10  }
0x92: {  	[smem:s4], [sflag:s15] =	dma.local [hbm:s2], $0x1  }
0x93: {  	_ =	swait.eq [sflag:s15], $0x1  }
0x94: {  	[sflag:s15] =	ssyncset.done $0x0  }
0x95: {  	[sflag:s15] =	ssyncadd.s32 $0xFFFFFFFF  }
0x96: {  	s16 =	sld [smem:$0x10];
	(tm) =	ssettm $0x1  }
0x97: {  	s17 =	sld [smem:$0x3FFB];
	_ =	sdelay $0x3  }
0x98: {  	_ =	strace s17  }
0x99: {  	s3 =	sld [smem:$0x3FFC];
	_ =	sdelay $0x3  }
0x9a: {  	_ =	strace s3  }
0x9b: {  	s3 =	sld [smem:$0x3FFD];
	_ =	sdelay $0x3  }
0x9c: {  	_ =	strace s3  }
0x9d: {  	_ =	strace $0x8FFFFFFF  }
0x9e: {  	s18 =	sld [smem:$0x3FDB];
	_ =	sdelay $0x1  }
0x9f: {  	s19 =	simm.s32 $_scs_section_size  }
0xa0: {  	s5 =	simm.s32 $_size__tile_overlayer_lowered;
	s6 =	simm.s32 $_tile_overlayer_lowered  }
0xa1: {  	s22 =	simm.s32 $0x1BFF;
	s21 =	sshll.u32 s6, $0x1;
	s3 =	sadd.s32 s19, s18  }
0xa2: {  	s7 =	simm.s32 $0x0;
	s20 =	sshll.u32 s5, $0x1;
	s5 =	sadd.s32 s21, s3  }
0xa3: {  	[timem:s7], [sflag:s22] =	dma.local [hbm:s5], s20  }
0xa4: {  	_ =	swait.ge [sflag:s22], s20  }
0xa5: {  	s4 =	ssub.s32 $0x0, s20;
	[sflag:s22] =	ssyncset.done $0x0  }
0xa6: {  	[sflag:s22] =	ssyncadd.s32 s4;
	_ =	sdelay $0x1  }
0xa7: {  	s23 =	simm.s32 $0x1B8B  }
0xa8: {  	_ =	swait.ge [sflag:s23], $0x1  }
0xa9: {  	[sflag:s23] =	ssyncset.done $0x0  }
0xaa: {  	s25 =	simm.s32 $0x1B8E;
	s24 =	sld [smem:$0x3FFE];
	[sflag:s23] =	ssyncadd.s32 $0xFFFFFFFF  }
0xab: {  	s26 =	simm.s32 $execute0_lowered;
	[smem:$0x3FD2] =	sst s25  }
0xac: {  	s5 =	sshll.u32 s26, $0x1;
	_ =	strace $0x80000046;
	[dreg:$0x1] =	wrdreg $0xFFFFFFFF  }
0xad: {  	s28 =	simm.s32 $_size_execute0_lowered;
	s3 =	sadd.s32 s3, s5;
	[dreg:$0x0] =	wrdreg $0x0  }
0xae: {  	s5 =	sshll.u32 s28, $0x1;
	[dreg:$0x2] =	wrdreg s3  }
0xaf: {  	[dreg:$0x3] =	wrdreg s5  }
0xb0: {  	[dreg:$0x4] =	wrdreg $0xC0  }
0xb1: {  	_ =	task [dreg:s7], $0x5FFFF  }
0xb2: {  	[dreg:$0x1] =	wrdreg $0xFFFFFFFF  }
0xb3: {  	[dreg:$0x0] =	wrdreg $0x60  }
0xb4: {  	[dreg:$0x2] =	wrdreg s24  }
0xb5: {  	[dreg:$0x3] =	wrdreg s16  }
0xb6: {  	[dreg:$0x4] =	wrdreg $0x9  }
0xb7: {  	_ =	task.clear_ibuf [dreg:s7], $0x5FFFF;
	_ =	strace $0x90000046  }
0xb8: {  	s29 =	simm.s32 $0x9;
	_ =	strace $0x80000048  }
0xb9: {  	_ =	swait.ge [sflag:s29], $0x1  }
0xba: {  	[sflag:s29] =	ssyncadd.s32 $0xFFFFFFFF  }
0xbb: {  	_ =	strace $0x90000048  }
0xbc: {  	_ =	sfence  }
0xbd: {  	s30 =	sld [smem:$0x0];
	_ =	sdelay $0x2  }
0xbe: {  	s31 =	sshll.u32 s1, $0xD;
	s1 =	sshrl.u32 s1, $0x2  }
0xbf: {  	s3 =	sand.u32 $0x4000, s31;
	s1 =	sadd.s32 s1, s30  }
0xc0: {  	s0 =	sor.u32 s3, s0;
	s1 =	sshll.u32 s1, $0x11  }
0xc1: {  	s0 =	sor.u32 s1, s0  }
0xc2: {  	s0 =	sadd.s32 $0x8F2B, s0  }
0xc3: {  	[sflag:s0] =	ssyncadd.remote.s32 $0x1  }
0xc4: {  	_ =	sfence.sel $0xFFFF  }
0xc5: {  	[dreg:$0x0] =	wrdreg $0xFFFFFFFF;
	(pc) =	sbr.abs _section_cstart, $3  }
0xc6: {  	[dreg:$0x1] =	wrdreg $0xFFFFFFFF  }
0xc7: {  	_ =	task.clear_ibuf [dreg:s7], $0x2FFFF;
	_ =	strace $0x9FFFFFFF  }
0xc8: {  	(tm) =	ssettm $0x7FFFFFFF  }
0xc9: {  	_ =	shalt  }
tec
execute0_lowered:
.L_overlay_start_1:
0x0: {  	(tag) =	ssettag $0x1  }
0x1: {  	v0 =	vlaneseq.u32  }
0x2: {  	s0 =	rddreg [dreg:$0x0];
	s3 =	simm.s32 $0x0;
	v0 =	vmul.u32 $0x88, v0  }
0x3: {  	[smem:$0x7FF] =	sst s3  }
0x4: {  	s2 =	rddreg [dreg:$0x1];
	_ =	strace $0x80000047;
	v9 =	vadd.s32 $0x880, v0;
	[tilespmem:$0x1FF80] =	vst v0  }
0x5: {  	v11 =	vadd.s32 $0x1100, v0;
	[tilespmem:$0x1FE10] =	vst v9  }
0x6: {  	v12 =	vadd.s32 $0x1980, v0;
	[tilespmem:$0x1FE20] =	vst v11  }
0x7: {  	v13 =	vor.u32 $0x1, v0;
	[tilespmem:$0x1FE30] =	vst v12  }
0x8: {  	v14 =	vadd.s32 $0x881, v0;
	[tilespmem:$0x1FE40] =	vst v13  }
0x9: {  	v15 =	vadd.s32 $0x1101, v0;
	[tilespmem:$0x1FE50] =	vst v14  }
0xa: {  	v16 =	vadd.s32 $0x1981, v0;
	[tilespmem:$0x1FE60] =	vst v15  }
0xb: {  	v17 =	vor.u32 $0x2, v0;
	[tilespmem:$0x1FE70] =	vst v16  }
0xc: {  	v18 =	vadd.s32 $0x882, v0;
	[tilespmem:$0x1FE80] =	vst v17  }
0xd: {  	v19 =	vadd.s32 $0x1102, v0;
	[tilespmem:$0x1FE90] =	vst v18  }
0xe: {  	v20 =	vadd.s32 $0x1982, v0;
	[tilespmem:$0x1FEA0] =	vst v19  }
0xf: {  	v21 =	vor.u32 $0x3, v0;
	[tilespmem:$0x1FEB0] =	vst v20  }
0x10: {  	v22 =	vadd.s32 $0x883, v0;
	[tilespmem:$0x1FEC0] =	vst v21  }
0x11: {  	v23 =	vadd.s32 $0x1103, v0;
	[tilespmem:$0x1FED0] =	vst v22  }
0x12: {  	s1 =	srdreg.scid;
	s4 =	stileid.u32;
	v24 =	vadd.s32 $0x1983, v0;
	[tilespmem:$0x1FEE0] =	vst v23  }
0x13: {  	s16 =	simm.s32 $0x80;
	s17 =	simm.s32 $0x100;
	s28 =	simm.s32 $0x5;
	v25 =	vor.u32 $0x4, v0;
	[tilespmem:$0x1FEF0] =	vst v24  }
0x14: {  	s29 =	simm.s32 $0x6;
	s1 =	sand.u32 $0x1, s1;
	s4 =	sshll.u32 s4, $0x1;
	v26 =	vadd.s32 $0x884, v0;
	[tilespmem:$0x1FF00] =	vst v25  }
0x15: {  	s30 =	simm.s32 $0x7;
	s6 =	ssub.s32 $0x2, s1;
	s1 =	sor.u32 s1, s4;
	v27 =	vadd.s32 $0x1104, v0;
	[tilespmem:$0x1FF10] =	vst v26  }
0x16: {  	s31 =	simm.s32 $0x8;
	s4 =	sadd.s32 $0xA00, s0;
	s8 =	sshll.u32 s1, $0x4;
	v10 =	vadd.s32 $0x1984, v0;
	[tilespmem:$0x1FF20] =	vst v27  }
0x17: {  	s9 =	simm.s32 $0xC600;
	s10 =	simm.s32 $0xE800;
	v28 =	vor.u32 $0x5, v0;
	s19 =	sadd.s32 s4, s8;
	[tilespmem:$0x1FF30] =	vst v10  }
0x18: {  	s7 =	sshrl.u32 s6, $0x1;
	v29 =	vadd.s32 $0x885, v0;
	[tilespmem:$0x1FF40] =	vst v28;
	s20 =	sadd.s32 $0x200, s19;
	[dreg:$0x3] =	wrdreg s19  }
0x19: {  	v30 =	vadd.s32 $0x1105, v0;
	s18 =	ssub.s32 s6, s7;
	[tilespmem:$0x1FF50] =	vst v29;
	s21 =	sadd.s32 $0x400, s19;
	[dreg:$0x4] =	wrdreg s20  }
0x1a: {  	v31 =	vadd.s32 $0x1985, v0;
	s7 =	sshll.u32 s1, $0x7;
	[tilespmem:$0x1FF60] =	vst v30;
	s22 =	sadd.s32 $0x600, s19;
	[dreg:$0x5] =	wrdreg s21  }
0x1b: {  	s12 =	simm.s32 $0x0;
	v32 =	vor.u32 $0x6, v0;
	[tilespmem:$0x1FF70] =	vst v31;
	s23 =	sor.u32 $0x4000, s7;
	[dreg:$0x6] =	wrdreg s22  }
0x1c: {  	s5 =	sadd.s32 $0xF42E00, s0;
	v2 =	vadd.s32 $0x886, v0;
	[tilespmem:$0x1FF90] =	vst v32;
	s24 =	sor.u32 $0x5000, s7;
	[dreg:$0x7] =	wrdreg s23  }
0x1d: {  	v3 =	vadd.s32 $0x1106, v0;
	s1 =	simm.s32 $0x8200;
	[tilespmem:$0x1FFA0] =	vst v2;
	s25 =	sor.u32 $0x6000, s7;
	[dreg:$0x8] =	wrdreg s24  }
.Ltmp0:
0x1e: {  	v4 =	vadd.s32 $0x1986, v0;
	[tilespmem:$0x1FFB0] =	vst v3;
	s26 =	sor.u32 $0x7000, s7;
	[dreg:$0x9] =	wrdreg s25;
	(pc) =	sbr.rel .LBB2_1-.Ltmp0, $4  }
0x1f: {  	v5 =	vor.u32 $0x7, v0;
	s8 =	simm.s32 $0xA400;
	[tilespmem:$0x1FFC0] =	vst v4;
	s0 =	smax.u32 s18, $0x1;
	[dreg:$0xa] =	wrdreg s26  }
0x20: {  	v6 =	vadd.s32 $0x887, v0;
	[tilespmem:$0x1FFD0] =	vst v5;
	s18 =	simm.s32 $0x180;
	s19 =	simm.s32 $0x1;
	[dreg:$0xb] =	wrdreg s0  }
0x21: {  	v1 =	vimm.s32 $0x0;
	vm0 =	vcmask $0x300;
	v7 =	vadd.s32 $0x1107, v0;
	[tilespmem:$0x1FFE0] =	vst v6;
	s21 =	simm.s32 $0x2;
	s23 =	simm.s32 $0x3;
	s24 =	simm.s32 $0x4200  }
0x22: {  	v1 =	vsel vm0, $0x3, v1;
	v8 =	vadd.s32 $0x1987, v0;
	[tilespmem:$0x1FFF0] =	vst v7;
	s25 =	simm.s32 $0x4;
	s26 =	simm.s32 $0x6200;
	s0 =	simm.s32 $0x9  }
.LBB2_25:
0x23: {  	_ =	swait.ge [sflag:s0], $0x2000  }
0x24: {  	[sflag:s0] =	ssyncset.done $0x0  }
0x25: {  	s6 =	simm.s32 $0xA;
	[sflag:s0] =	ssyncadd.s32 $0xFFFFE000  }
0x26: {  	_ =	swait.ge [sflag:s6], $0x2000  }
0x27: {  	[sflag:s6] =	ssyncset.done $0x0  }
0x28: {  	s20 =	simm.s32 $0xB;
	[sflag:s6] =	ssyncadd.s32 $0xFFFFE000  }
0x29: {  	_ =	swait.ge [sflag:s20], $0x2000  }
0x2a: {  	[sflag:s20] =	ssyncset.done $0x0  }
0x2b: {  	s11 =	simm.s32 $0xC;
	[sflag:s20] =	ssyncadd.s32 $0xFFFFE000  }
0x2c: {  	_ =	swait.ge [sflag:s11], $0x2000  }
0x2d: {  	s12 =	rddreg [dreg:$0xc]  }
0x2e: {  	s22 =	rddreg [dreg:$0xb];
	s12 =	sadd.s32 $0x1, s12  }
0x2f: {  	p0 =	sne.s32 s12, s22  }
.Ltmp1:
0x30: {  	_ = 	snop;
	(pc) =	sbr.rel @!p0 .LBB2_26-.Ltmp1, $3  }
0x31: {  	_ =	sdelay $0x1  }
0x32: {  	[sflag:s11] =	ssyncset.done $0x0  }
0x33: {  	[sflag:s11] =	ssyncadd.s32 $0xFFFFE000  }
.LBB2_1:
0x34: {  	[dreg:$0xc] =	wrdreg s12  }
0x35: {  	s6 =	rddreg [dreg:$0x3]  }
0x36: {  	[tilespmem:s3], [sflag:$0x1] =	stream.linear.gather [hbm4b:s6+s3], $0x80, $0x38;
	[tilespmem:$0x10A00] =	vst v63  }
0x37: {  	s13 =	rddreg [dreg:$0x4]  }
0x38: {  	[tilespmem:s16], [sflag:$0x2] =	stream.linear.gather [hbm4b:s13+s3], $0x80, $0x38;
	[tilespmem:$0x10A00] =	vst v63  }
0x39: {  	s14 =	rddreg [dreg:$0x5]  }
0x3a: {  	[tilespmem:s17], [sflag:$0x3] =	stream.linear.gather [hbm4b:s14+s3], $0x80, $0x38;
	[tilespmem:$0x10A00] =	vst v63  }
0x3b: {  	s15 =	rddreg [dreg:$0x6]  }
0x3c: {  	[tilespmem:s18], [sflag:$0x4] =	stream.linear.gather [hbm4b:s15+s3], $0x80, $0x38;
	[tilespmem:$0x10A00] =	vst v63  }
0x3d: {  	_ =	swait.ge [sflag:s19], $0x80  }
0x3e: {  	[sflag:s19] =	ssyncset.done $0x0  }
0x3f: {  	s20 =	simm.s32 $0x200;
	[sflag:s19] =	ssyncadd.s32 $0xFFFFFF80  }
0x40: {  	[tilespmem:s20], [sflag:$0x5] =	stream.indirect.gather [hbm4b:s5+s16], $0x40, s3, s16, $0xb8;
	[tilespmem:$0x10A00] =	vst v63  }
0x41: {  	_ =	swait.ge [sflag:s21], $0x80  }
0x42: {  	[sflag:s21] =	ssyncset.done $0x0  }
0x43: {  	s22 =	simm.s32 $0x2200;
	[sflag:s21] =	ssyncadd.s32 $0xFFFFFF80  }
0x44: {  	[tilespmem:s22], [sflag:$0x6] =	stream.indirect.gather [hbm4b:s5+s16], $0x40, s16, s16, $0xb8;
	[tilespmem:$0x10A00] =	vst v63  }
0x45: {  	_ =	swait.ge [sflag:s23], $0x80  }
0x46: {  	[sflag:s23] =	ssyncset.done $0x0  }
0x47: {  	[sflag:s23] =	ssyncadd.s32 $0xFFFFFF80  }
0x48: {  	[tilespmem:s24], [sflag:$0x7] =	stream.indirect.gather [hbm4b:s5+s16], $0x40, s17, s16, $0xb8;
	[tilespmem:$0x10A00] =	vst v63  }
0x49: {  	_ =	swait.ge [sflag:s25], $0x80  }
0x4a: {  	[sflag:s25] =	ssyncset.done $0x0  }
0x4b: {  	s15 =	simm.s32 $0x0;
	[sflag:s25] =	ssyncadd.s32 $0xFFFFFF80  }
0x4c: {  	[tilespmem:s26], [sflag:$0x8] =	stream.indirect.gather [hbm4b:s5+s16], $0x40, s18, s16, $0xb8;
	[tilespmem:$0x10A00] =	vst v63  }
.LBB2_2:
0x4d: {  	p0 =	sne.s32 s15, $0x31  }
.Ltmp2:
0x4e: {  	_ = 	snop;
	(pc) =	sbr.rel @p0 .LBB2_4-.Ltmp2, $4  }
0x4f: {  	_ = 	snop  }
0x50: {  	_ =	swait.ge [sflag:s28], $0x2000  }
0x51: {  	[sflag:s28] =	ssyncset.done $0x0  }
0x52: {  	[sflag:s28] =	ssyncadd.s32 $0xFFFFE000  }
0x53: {  	_ =	swait.ge [sflag:s29], $0x2000  }
0x54: {  	[sflag:s29] =	ssyncset.done $0x0  }
0x55: {  	[sflag:s29] =	ssyncadd.s32 $0xFFFFE000  }
0x56: {  	_ =	swait.ge [sflag:s30], $0x2000  }
.Ltmp3:
0x57: {  	[sflag:s30] =	ssyncset.done $0x0;
	(pc) =	sbr.rel .LBB2_6-.Ltmp3, $4  }
0x58: {  	[sflag:s30] =	ssyncadd.s32 $0xFFFFE000  }
0x59: {  	_ =	swait.ge [sflag:s31], $0x2000  }
0x5a: {  	[sflag:s31] =	ssyncset.done $0x0  }
0x5b: {  	s6 =	simm.s32 $0x620000;
	[sflag:s31] =	ssyncadd.s32 $0xFFFFE000  }
.LBB2_4:
0x5c: {  	s11 =	sshll.u32 s15, $0xE;
	s6 =	rddreg [dreg:$0x7]  }
0x5d: {  	s6 =	sadd.s32 s6, s11  }
0x5e: {  	s6 =	sshrl.u32 s6, $0x3  }
0x5f: {  	s12 =	sadd.s32 s4, s6;
	s6 =	simm.s32 $0x0  }
0x60: {  	[tilespmem:s6], [sflag:$0x1] =	stream.linear.gather [hbm4b:s12+s6], $0x80, $0x38;
	[tilespmem:$0x10A00] =	vst v63  }
0x61: {  	_ =	swait.ge [sflag:s29], $0x2000  }
0x62: {  	s14 =	rddreg [dreg:$0x8]  }
0x63: {  	s12 =	sadd.s32 s14, s11  }
0x64: {  	[sflag:s29] =	ssyncset.done $0x0;
	s12 =	sshrl.u32 s12, $0x3  }
0x65: {  	[sflag:s29] =	ssyncadd.s32 $0xFFFFE000;
	s12 =	sadd.s32 s4, s12  }
0x66: {  	[tilespmem:s16], [sflag:$0x2] =	stream.linear.gather [hbm4b:s12+s6], $0x80, $0x38;
	[tilespmem:$0x10A00] =	vst v63  }
0x67: {  	_ =	swait.ge [sflag:s30], $0x2000  }
0x68: {  	s20 =	rddreg [dreg:$0x9]  }
0x69: {  	s12 =	sadd.s32 s20, s11  }
0x6a: {  	[sflag:s30] =	ssyncset.done $0x0;
	s12 =	sshrl.u32 s12, $0x3  }
0x6b: {  	[sflag:s30] =	ssyncadd.s32 $0xFFFFE000;
	s12 =	sadd.s32 s4, s12  }
0x6c: {  	[tilespmem:s17], [sflag:$0x3] =	stream.linear.gather [hbm4b:s12+s6], $0x80, $0x38;
	[tilespmem:$0x10A00] =	vst v63  }
0x6d: {  	p0 =	seq.s32 s15, $0x0;
	_ =	swait.ge [sflag:s31], $0x2000  }
.Ltmp4:
0x6e: {  	s22 =	rddreg [dreg:$0xa];
	(pc) =	sbr.rel @p0 .LBB2_27-.Ltmp4, $4  }
0x6f: {  	s11 =	sadd.s32 s22, s11  }
0x70: {  	[sflag:s31] =	ssyncset.done $0x0;
	s11 =	sshrl.u32 s11, $0x3  }
0x71: {  	[sflag:s31] =	ssyncadd.s32 $0xFFFFE000;
	s11 =	sadd.s32 s4, s11  }
0x72: {  	[tilespmem:s18], [sflag:$0x4] =	stream.linear.gather [hbm4b:s11+s6], $0x80, $0x38;
	[tilespmem:$0x10A00] =	vst v63  }
0x73: {  	s6 =	sshll.u32 s15, $0x11  }
.LBB2_6:
0x74: {  	_ =	swait.ge [sflag:s0], $0x2000  }
0x75: {  	[sflag:s0] =	ssyncset.done $0x0  }
0x76: {  	p0 =	por $0x0, $0x0;
	[sflag:s0] =	ssyncadd.s32 $0xFFFFE000  }
.LBB2_7:
0x77: {  	s11 =	simm.s32 $0x300  }
0x78: {  	v33 =	vld [tilespmem:s11+$0xF0]  }
0x79: {  	v34 =	vld [tilespmem:s11+$0xE0]  }
0x7a: {  	v56 =	vld [tilespmem:s11+$0xD0]  }
0x7b: {  	v57 =	vld [tilespmem:s11+$0xC0]  }
0x7c: {  	v58 =	vld [tilespmem:s11+$0xB0]  }
0x7d: {  	v59 =	vld [tilespmem:s11+$0xA0]  }
0x7e: {  	v60 =	vld [tilespmem:s11+$0x90]  }
0x7f: {  	v61 =	vld [tilespmem:s11+$0x80]  }
0x80: {  	v62 =	vld [tilespmem:s11+$0x70]  }
0x81: {  	v42 =	vld [tilespmem:s11+$0x60]  }
0x82: {  	v43 =	vld [tilespmem:s11+$0x50]  }
0x83: {  	v44 =	vld [tilespmem:s11+$0x40]  }
0x84: {  	v45 =	vld [tilespmem:s11+$0x30]  }
0x85: {  	v46 =	vld [tilespmem:s11+$0x20]  }
0x86: {  	v47 =	vld [tilespmem:s11+$0x10]  }
0x87: {  	v48 =	vld [tilespmem:s11+$0x0]  }
0x88: {  	v49 =	vld [tilespmem:s11+$0xFFFFFFF0]  }
0x89: {  	v50 =	vld [tilespmem:s11+$0xFFFFFFE0]  }
0x8a: {  	v51 =	vld [tilespmem:s11+$0xFFFFFFD0]  }
0x8b: {  	v52 =	vld [tilespmem:s11+$0xFFFFFFC0]  }
0x8c: {  	s12 =	simm.s32 $0x0;
	v53 =	vld [tilespmem:s11+$0xFFFFFFB0]  }
0x8d: {  	v54 =	vld [tilespmem:s11+$0xFFFFFFA0];
	v55 =	vmov s12  }
0x8e: {  	v39 =	vld [tilespmem:s11+$0xFFFFFF10];
	v55 =	vshrl.u32 v55, $0x3  }
0x8f: {  	v41 =	vld [tilespmem:s11+$0xFFFFFF20];
	v55 =	vshll.u32 v55, v1;
	[tilespmem:$0x1FE00] =	vst v34  }
0x90: {  	s14 =	simm.s32 $0x1;
	v37 =	vld [tilespmem:s11+$0xFFFFFF30];
	v55 =	vbroadcast v55, $0x0;
	[tilespmem:$0x1FDF0] =	vst v56  }
0x91: {  	v40 =	vld [tilespmem:s11+$0xFFFFFF40];
	[tilespmem:$0x1FDB0] =	vst v60;
	v60 =	vmov s14  }
0x92: {  	[tilespmem:$0x1FD90] =	vst v62;
	v62 =	vld [tilespmem:s11+$0xFFFFFF00];
	v63 =	vadd.s32 v0, v55;
	v60 =	vshrl.u32 v60, $0x3  }
0x93: {  	[tilespmem:$0x1FDE0] =	vst v57;
	v56 =	vld [tilespmem:s11+$0xFFFFFF90];
	v36 =	vadd.s32 v9, v55;
	v60 =	vshll.u32 v60, v1  }
0x94: {  	s20 =	simm.s32 $0x2;
	[tilespmem:$0x1FDD0] =	vst v58;
	v57 =	vld [tilespmem:s11+$0xFFFFFF80];
	v35 =	vadd.s32 v11, v55;
	v60 =	vbroadcast v60, $0x0  }
0x95: {  	[tilespmem:$0x1FDC0] =	vst v59;
	v58 =	vld [tilespmem:s11+$0xFFFFFF70];
	v34 =	vmov s20;
	v55 =	vadd.s32 v12, v55  }
0x96: {  	[tilespmem:$0x1FDA0] =	vst v61;
	v59 =	vld [tilespmem:s11+$0xFFFFFF60];
	v34 =	vshrl.u32 v34, $0x3;
	v38 =	vadd.s32 v13, v60  }
0x97: {  	v61 =	vld [tilespmem:s11+$0xFFFFFF50];
	v34 =	vshll.u32 v34, v1;
	[tilespmem:v63+s1+$0x0] =	vst.idx.msk $0xffff, v62;
	v62 =	vadd.s32 v14, v60  }
0x98: {  	s22 =	simm.s32 $0x3;
	v34 =	vbroadcast v34, $0x0;
	[tilespmem:v36+s1+$0x0] =	vst.idx.msk $0xffff, v39;
	v36 =	vadd.s32 v15, v60  }
0x99: {  	v63 =	vadd.s32 v16, v60;
	[tilespmem:v35+s1+$0x0] =	vst.idx.msk $0xffff, v41;
	v35 =	vmov s22  }
0x9a: {  	[tilespmem:v55+s1+$0x0] =	vst.idx.msk $0xffff, v37;
	v55 =	vadd.s32 v17, v34;
	v35 =	vshrl.u32 v35, $0x3  }
0x9b: {  	v60 =	vadd.s32 v18, v34;
	v35 =	vshll.u32 v35, v1;
	[tilespmem:v38+s1+$0x0] =	vst.idx.msk $0xffff, v40  }
0x9c: {  	s13 =	simm.s32 $0x4;
	v35 =	vbroadcast v35, $0x0;
	[tilespmem:v62+s1+$0x0] =	vst.idx.msk $0xffff, v61;
	v61 =	vadd.s32 v19, v34  }
0x9d: {  	v62 =	vmov s13;
	v34 =	vadd.s32 v20, v34;
	[tilespmem:v36+s1+$0x0] =	vst.idx.msk $0xffff, v59  }
0x9e: {  	v36 =	vshrl.u32 v62, $0x3;
	[tilespmem:v63+s1+$0x0] =	vst.idx.msk $0xffff, v58;
	v63 =	vadd.s32 v21, v35  }
0x9f: {  	v36 =	vshll.u32 v36, v1;
	[tilespmem:v55+s1+$0x0] =	vst.idx.msk $0xffff, v57;
	v55 =	vadd.s32 v22, v35  }
0xa0: {  	s14 =	simm.s32 $0x5;
	v36 =	vbroadcast v36, $0x0;
	[tilespmem:v60+s1+$0x0] =	vst.idx.msk $0xffff, v56;
	v56 =	vadd.s32 v23, v35  }
0xa1: {  	v57 =	vmov s14;
	v35 =	vadd.s32 v24, v35;
	[tilespmem:v61+s1+$0x0] =	vst.idx.msk $0xffff, v54  }
0xa2: {  	v40 =	vshrl.u32 v57, $0x3;
	v58 =	vadd.s32 v25, v36;
	[tilespmem:v34+s1+$0x0] =	vst.idx.msk $0xffff, v53  }
0xa3: {  	v59 =	vadd.s32 v26, v36;
	v40 =	vshll.u32 v40, v1;
	[tilespmem:v63+s1+$0x0] =	vst.idx.msk $0xffff, v52  }
0xa4: {  	s20 =	simm.s32 $0x6;
	v60 =	vadd.s32 v27, v36;
	v40 =	vbroadcast v40, $0x0;
	[tilespmem:v55+s1+$0x0] =	vst.idx.msk $0xffff, v51  }
0xa5: {  	v61 =	vmov s20;
	v36 =	vadd.s32 v10, v36;
	[tilespmem:v56+s1+$0x0] =	vst.idx.msk $0xffff, v50  }
0xa6: {  	v38 =	vshrl.u32 v61, $0x3;
	v62 =	vadd.s32 v28, v40;
	[tilespmem:v35+s1+$0x0] =	vst.idx.msk $0xffff, v49  }
0xa7: {  	v38 =	vshll.u32 v38, v1;
	v63 =	vadd.s32 v29, v40;
	[tilespmem:v58+s1+$0x0] =	vst.idx.msk $0xffff, v48  }
0xa8: {  	s22 =	simm.s32 $0x7;
	v38 =	vbroadcast v38, $0x0;
	v48 =	vadd.s32 v30, v40;
	[tilespmem:v59+s1+$0x0] =	vst.idx.msk $0xffff, v47  }
0xa9: {  	v53 =	vld [tilespmem:$0x1FD90];
	v49 =	vmov s22;
	v40 =	vadd.s32 v31, v40;
	[tilespmem:v60+s1+$0x0] =	vst.idx.msk $0xffff, v46  }
0xaa: {  	v55 =	vld [tilespmem:$0x1FDA0];
	v50 =	vadd.s32 v32, v38;
	v37 =	vshrl.u32 v49, $0x3;
	[tilespmem:v36+s1+$0x0] =	vst.idx.msk $0xffff, v45  }
0xab: {  	v57 =	vld [tilespmem:$0x1FDB0];
	v51 =	vadd.s32 v2, v38;
	v37 =	vshll.u32 v37, v1;
	[tilespmem:v62+s1+$0x0] =	vst.idx.msk $0xffff, v44  }
0xac: {  	v52 =	vadd.s32 v3, v38;
	v59 =	vld [tilespmem:$0x1FDC0];
	v37 =	vbroadcast v37, $0x0;
	[tilespmem:v63+s1+$0x0] =	vst.idx.msk $0xffff, v43  }
0xad: {  	v38 =	vadd.s32 v4, v38;
	v60 =	vld [tilespmem:$0x1FDD0];
	[tilespmem:v48+s1+$0x0] =	vst.idx.msk $0xffff, v42  }
0xae: {  	v61 =	vld [tilespmem:$0x1FDE0];
	v54 =	vadd.s32 v5, v37;
	[tilespmem:v40+s1+$0x0] =	vst.idx.msk $0xffff, v53  }
0xaf: {  	v56 =	vadd.s32 v6, v37;
	v62 =	vld [tilespmem:$0x1FDF0];
	[tilespmem:v50+s1+$0x0] =	vst.idx.msk $0xffff, v55  }
0xb0: {  	v58 =	vadd.s32 v7, v37;
	v63 =	vld [tilespmem:$0x1FE00];
	[tilespmem:v51+s1+$0x0] =	vst.idx.msk $0xffff, v57  }
0xb1: {  	[tilespmem:v52+s1+$0x0] =	vst.idx.msk $0xffff, v59  }
0xb2: {  	[tilespmem:v38+s1+$0x0] =	vst.idx.msk $0xffff, v60  }
0xb3: {  	[tilespmem:v54+s1+$0x0] =	vst.idx.msk $0xffff, v61  }
0xb4: {  	v9 =	vmovc v2;
	v11 =	vmov v3;
	v12 =	vmov v4;
	v13 =	vmov v5;
	[tilespmem:v56+s1+$0x0] =	vst.idx.msk $0xffff, v62  }
0xb5: {  	s12 =	simm.s32 $0xF;
	v16 =	vmovc v14;
	v14 =	vmov v7;
	v15 =	vmov v17;
	v38 =	vadd.s32 v8, v37;
	[tilespmem:v58+s1+$0x0] =	vst.idx.msk $0xffff, v63  }
.LBB2_8:
0xb6: {  	_ = 	snop  }
0xb7: {  	v2 =	vld [tilespmem:$0x1FE10]  }
0xb8: {  	v4 =	vld [tilespmem:$0x1FE20]  }
0xb9: {  	v7 =	vld [tilespmem:$0x1FE30]  }
0xba: {  	[tilespmem:v38+s1+$0x0] =	vst.idx.msk $0xffff, v33;
	s11 =	sadd.s32 $0x200, s11;
	v17 =	vmov v8;
	v8 =	vld [tilespmem:$0x1FE40]  }
0xbb: {  	v33 =	vld [tilespmem:s11+$0xF0]  }
0xbc: {  	v34 =	vld [tilespmem:s11+$0xE0]  }
0xbd: {  	v35 =	vld [tilespmem:s11+$0xD0]  }
0xbe: {  	v36 =	vld [tilespmem:s11+$0xC0]  }
0xbf: {  	v37 =	vld [tilespmem:s11+$0xB0]  }
0xc0: {  	v38 =	vld [tilespmem:s11+$0xA0]  }
0xc1: {  	v39 =	vld [tilespmem:s11+$0x90]  }
0xc2: {  	v40 =	vld [tilespmem:s11+$0x80]  }
0xc3: {  	v41 =	vld [tilespmem:s11+$0x70]  }
0xc4: {  	v42 =	vld [tilespmem:s11+$0x60]  }
0xc5: {  	v43 =	vld [tilespmem:s11+$0x50]  }
0xc6: {  	v44 =	vld [tilespmem:s11+$0x40]  }
0xc7: {  	v45 =	vld [tilespmem:s11+$0x30]  }
0xc8: {  	v46 =	vld [tilespmem:s11+$0x20]  }
0xc9: {  	v47 =	vld [tilespmem:s11+$0x10]  }
0xca: {  	v48 =	vld [tilespmem:s11+$0x0]  }
0xcb: {  	v49 =	vld [tilespmem:s11+$0xFFFFFFF0]  }
0xcc: {  	v50 =	vld [tilespmem:s11+$0xFFFFFFE0]  }
0xcd: {  	v51 =	vld [tilespmem:s11+$0xFFFFFFD0]  }
0xce: {  	s13 =	smov.u32 s12;
	v52 =	vld [tilespmem:s11+$0xFFFFFFC0]  }
0xcf: {  	v53 =	vld [tilespmem:s11+$0xFFFFFFB0];
	s14 =	sadd.s32 $0xFFFFFFF9, s13  }
0xd0: {  	v54 =	vld [tilespmem:s11+$0xFFFFFFA0];
	v55 =	vmov s14  }
0xd1: {  	v56 =	vld [tilespmem:s11+$0xFFFFFF90];
	v55 =	vshrl.u32 v55, $0x3  }
0xd2: {  	v57 =	vld [tilespmem:s11+$0xFFFFFF80];
	v55 =	vshll.u32 v55, v1  }
0xd3: {  	v58 =	vld [tilespmem:s11+$0xFFFFFF70];
	v55 =	vbroadcast v55, $0x0  }
0xd4: {  	v59 =	vld [tilespmem:s11+$0xFFFFFF60]  }
0xd5: {  	v62 =	vld [tilespmem:s11+$0xFFFFFF00];
	v63 =	vadd.s32 v0, v55  }
0xd6: {  	v0 =	vld [tilespmem:s11+$0xFFFFFF10];
	v2 =	vadd.s32 v2, v55  }
0xd7: {  	v3 =	vld [tilespmem:s11+$0xFFFFFF20];
	v4 =	vadd.s32 v4, v55  }
0xd8: {  	s20 =	sadd.s32 $0xFFFFFFFA, s13;
	v61 =	vld [tilespmem:s11+$0xFFFFFF50]  }
0xd9: {  	v6 =	vld [tilespmem:s11+$0xFFFFFF30];
	v60 =	vmov s20  }
0xda: {  	v60 =	vshrl.u32 v60, $0x3;
	v55 =	vadd.s32 v7, v55;
	v7 =	vld [tilespmem:s11+$0xFFFFFF40];
	[tilespmem:v63+s1+$0x0] =	vst.idx.msk $0xffff, v62  }
0xdb: {  	v60 =	vshll.u32 v60, v1;
	[tilespmem:v2+s1+$0x0] =	vst.idx.msk $0xffff, v0;
	v0 =	vld [tilespmem:$0x1FE60]  }
0xdc: {  	s22 =	sadd.s32 $0xFFFFFFFB, s13;
	v60 =	vbroadcast v60, $0x0;
	[tilespmem:v4+s1+$0x0] =	vst.idx.msk $0xffff, v3;
	v3 =	vld [tilespmem:$0x1FE70]  }
0xdd: {  	v5 =	vmov s22  }
0xde: {  	v5 =	vshrl.u32 v5, $0x3;
	v8 =	vadd.s32 v8, v60  }
0xdf: {  	v5 =	vshll.u32 v5, v1;
	v62 =	vadd.s32 v16, v60  }
0xe0: {  	s20 =	sadd.s32 $0xFFFFFFFC, s13;
	v2 =	vbroadcast v5, $0x0;
	v0 =	vadd.s32 v0, v60  }
0xe1: {  	v5 =	vmov s20;
	v3 =	vadd.s32 v3, v60  }
0xe2: {  	v5 =	vshrl.u32 v5, $0x3;
	[tilespmem:v55+s1+$0x0] =	vst.idx.msk $0xffff, v6;
	v63 =	vadd.s32 v15, v2  }
0xe3: {  	v6 =	vadd.s32 v18, v2;
	v5 =	vshll.u32 v5, v1;
	[tilespmem:v8+s1+$0x0] =	vst.idx.msk $0xffff, v7  }
0xe4: {  	s22 =	sadd.s32 $0xFFFFFFFD, s13;
	v7 =	vadd.s32 v19, v2;
	v5 =	vbroadcast v5, $0x0;
	[tilespmem:v62+s1+$0x0] =	vst.idx.msk $0xffff, v61  }
0xe5: {  	v8 =	vmov s22;
	[tilespmem:v0+s1+$0x0] =	vst.idx.msk $0xffff, v59;
	v0 =	vadd.s32 v20, v2  }
0xe6: {  	v2 =	vadd.s32 v21, v5;
	[tilespmem:v3+s1+$0x0] =	vst.idx.msk $0xffff, v58;
	v3 =	vshrl.u32 v8, $0x3  }
0xe7: {  	v55 =	vadd.s32 v22, v5;
	[tilespmem:v63+s1+$0x0] =	vst.idx.msk $0xffff, v57;
	v3 =	vshll.u32 v3, v1  }
0xe8: {  	s20 =	sadd.s32 $0xFFFFFFFE, s13;
	[tilespmem:v6+s1+$0x0] =	vst.idx.msk $0xffff, v56;
	v6 =	vadd.s32 v23, v5;
	v3 =	vbroadcast v3, $0x0  }
0xe9: {  	v8 =	vmov s20;
	v5 =	vadd.s32 v24, v5;
	[tilespmem:v7+s1+$0x0] =	vst.idx.msk $0xffff, v54  }
0xea: {  	v7 =	vshrl.u32 v8, $0x3;
	[tilespmem:v0+s1+$0x0] =	vst.idx.msk $0xffff, v53;
	v0 =	vadd.s32 v25, v3  }
0xeb: {  	v7 =	vshll.u32 v7, v1;
	[tilespmem:v2+s1+$0x0] =	vst.idx.msk $0xffff, v52;
	v2 =	vadd.s32 v26, v3  }
0xec: {  	v57 =	vadd.s32 v27, v3;
	v7 =	vbroadcast v7, $0x0;
	[tilespmem:v55+s1+$0x0] =	vst.idx.msk $0xffff, v51  }
0xed: {  	v3 =	vadd.s32 v10, v3;
	[tilespmem:v6+s1+$0x0] =	vst.idx.msk $0xffff, v50  }
0xee: {  	s22 =	sadd.s32 $0xFFFFFFFF, s13;
	v58 =	vadd.s32 v28, v7;
	[tilespmem:v5+s1+$0x0] =	vst.idx.msk $0xffff, v49  }
0xef: {  	v8 =	vmov s22;
	[tilespmem:v0+s1+$0x0] =	vst.idx.msk $0xffff, v48;
	v0 =	vadd.s32 v29, v7  }
0xf0: {  	v6 =	vshrl.u32 v8, $0x3;
	[tilespmem:v2+s1+$0x0] =	vst.idx.msk $0xffff, v47;
	v2 =	vadd.s32 v30, v7  }
0xf1: {  	v6 =	vshll.u32 v6, v1;
	[tilespmem:v57+s1+$0x0] =	vst.idx.msk $0xffff, v46  }
0xf2: {  	v6 =	vbroadcast v6, $0x0;
	[tilespmem:v3+s1+$0x0] =	vst.idx.msk $0xffff, v45  }
0xf3: {  	v60 =	vadd.s32 v31, v7;
	[tilespmem:v58+s1+$0x0] =	vst.idx.msk $0xffff, v44  }
0xf4: {  	v59 =	vmov s13;
	v61 =	vadd.s32 v9, v6;
	v3 =	vadd.s32 v32, v6;
	[tilespmem:v0+s1+$0x0] =	vst.idx.msk $0xffff, v43  }
0xf5: {  	v7 =	vshrl.u32 v59, $0x3;
	v0 =	vadd.s32 v11, v6;
	[tilespmem:v2+s1+$0x0] =	vst.idx.msk $0xffff, v42;
	v2 =	vadd.s32 v12, v6;
	v6 =	vld [tilespmem:$0x1FFE0]  }
0xf6: {  	v7 =	vshll.u32 v7, v1  }
0xf7: {  	v7 =	vbroadcast v7, $0x0;
	_ =	sdelay $0x1  }
0xf8: {  	v62 =	vadd.s32 v13, v7;
	[tilespmem:v60+s1+$0x0] =	vst.idx.msk $0xffff, v41  }
0xf9: {  	[tilespmem:v3+s1+$0x0] =	vst.idx.msk $0xffff, v40;
	v3 =	vadd.s32 v6, v7  }
0xfa: {  	p1 =	sne.s32 s12, $0x7F;
	v63 =	vadd.s32 v14, v7;
	[tilespmem:v61+s1+$0x0] =	vst.idx.msk $0xffff, v39  }
.Ltmp5:
0xfb: {  	[tilespmem:v0+s1+$0x0] =	vst.idx.msk $0xffff, v38;
	(pc) =	sbr.rel @p1 .LBB2_8-.Ltmp5, $4  }
0xfc: {  	[tilespmem:v2+s1+$0x0] =	vst.idx.msk $0xffff, v37  }
0xfd: {  	[tilespmem:v62+s1+$0x0] =	vst.idx.msk $0xffff, v36  }
0xfe: {  	[tilespmem:v3+s1+$0x0] =	vst.idx.msk $0xffff, v35  }
0xff: {  	s12 =	sadd.s32 $0x8, s12;
	v8 =	vmov v17;
	v0 =	vld [tilespmem:$0x1FF80];
	v38 =	vadd.s32 v17, v7;
	[tilespmem:v63+s1+$0x0] =	vst.idx.msk $0xffff, v34  }
0x100: {  	_ =	sdelay $0x2  }
0x101: {  	s6 =	sadd.s32 s7, s6  }
0x102: {  	[tilespmem:v38+s1+$0x0] =	vst.idx.msk $0xffff, v33;
	s11 =	simm.s32 $0x8200;
	s12 =	sadd.s32 s2, s6  }
0x103: {  	[hbm4b:s12+s3] =	stream.linear.scatter [tilespmem:s11], [sflag:$0x9], $0x80, $0x38;
	[tilespmem:$0x10A00] =	vst v63  }
0x104: {  	s14 =	simm.s32 $0x8288;
	s13 =	sadd.s32 $0x10, s12  }
0x105: {  	[hbm4b:s13+s3] =	stream.linear.scatter [tilespmem:s14], [sflag:$0x9], $0x80, $0x38;
	[tilespmem:$0x10A00] =	vst v63  }
0x106: {  	s20 =	simm.s32 $0x8310;
	s22 =	sadd.s32 $0x20, s12  }
0x107: {  	[hbm4b:s22+s3] =	stream.linear.scatter [tilespmem:s20], [sflag:$0x9], $0x80, $0x38;
	[tilespmem:$0x10A00] =	vst v63  }
0x108: {  	s13 =	simm.s32 $0x8398;
	s14 =	sadd.s32 $0x30, s12  }
0x109: {  	[hbm4b:s14+s3] =	stream.linear.scatter [tilespmem:s13], [sflag:$0x9], $0x80, $0x38;
	[tilespmem:$0x10A00] =	vst v63  }
0x10a: {  	s20 =	simm.s32 $0x8420;
	s22 =	sadd.s32 $0x40, s12  }
0x10b: {  	[hbm4b:s22+s3] =	stream.linear.scatter [tilespmem:s20], [sflag:$0x9], $0x80, $0x38;
	[tilespmem:$0x10A00] =	vst v63  }
0x10c: {  	s11 =	simm.s32 $0x440;
	s13 =	simm.s32 $0x84A8;
	s14 =	sadd.s32 $0x50, s12  }
0x10d: {  	[hbm4b:s14+s3] =	stream.linear.scatter [tilespmem:s13], [sflag:$0x9], $0x80, $0x38;
	[tilespmem:$0x10A00] =	vst v63  }
0x10e: {  	s20 =	simm.s32 $0x8530;
	s22 =	sadd.s32 $0x60, s12;
	s13 =	simm.s32 $0x2200  }
0x10f: {  	[hbm4b:s22+s3] =	stream.linear.scatter [tilespmem:s20], [sflag:$0x9], $0x80, $0x38;
	[tilespmem:$0x10A00] =	vst v63  }
0x110: {  	s14 =	simm.s32 $0x85B8;
	s20 =	sadd.s32 $0x70, s12;
	s12 =	sadd.s32 $0x1000, s12  }
.LBB2_10:
0x111: {  	[hbm4b:s20+s3] =	stream.linear.scatter [tilespmem:s14], [sflag:$0x9], $0x80, $0x38;
	[tilespmem:$0x10A00] =	vst v63  }
0x112: {  	s14 =	smov.u32 s11;
	s11 =	smov.u32 s13  }
0x113: {  	s22 =	sadd.s32 $0x1100, s13;
	s11 =	sshra.s32 s11, $0x2;
	s20 =	sadd.s32 $0x8200, s14  }
0x114: {  	[hbm4b:s12+s3] =	stream.linear.scatter [tilespmem:s20], [sflag:$0x9], $0x80, $0x38;
	[tilespmem:$0x10A00] =	vst v63  }
0x115: {  	p1 =	sne.s32 s13, $0x7700;
	s13 =	sadd.s32 $0x8288, s14;
	s20 =	sadd.s32 $0x10, s12  }
0x116: {  	[hbm4b:s20+s3] =	stream.linear.scatter [tilespmem:s13], [sflag:$0x9], $0x80, $0x38;
	[tilespmem:$0x10A00] =	vst v63  }
0x117: {  	s13 =	sadd.s32 $0x8310, s14;
	s20 =	sadd.s32 $0x20, s12  }
0x118: {  	[hbm4b:s20+s3] =	stream.linear.scatter [tilespmem:s13], [sflag:$0x9], $0x80, $0x38;
	[tilespmem:$0x10A00] =	vst v63  }
0x119: {  	s13 =	sadd.s32 $0x8398, s14;
	s20 =	sadd.s32 $0x30, s12  }
0x11a: {  	[hbm4b:s20+s3] =	stream.linear.scatter [tilespmem:s13], [sflag:$0x9], $0x80, $0x38;
	[tilespmem:$0x10A00] =	vst v63  }
0x11b: {  	s13 =	sadd.s32 $0x8420, s14;
	s20 =	sadd.s32 $0x40, s12  }
0x11c: {  	[hbm4b:s20+s3] =	stream.linear.scatter [tilespmem:s13], [sflag:$0x9], $0x80, $0x38;
	[tilespmem:$0x10A00] =	vst v63  }
.Ltmp6:
0x11d: {  	s13 =	sadd.s32 $0x84A8, s14;
	s20 =	sadd.s32 $0x50, s12;
	(pc) =	sbr.rel @p1 .LBB2_10-.Ltmp6, $4  }
0x11e: {  	[hbm4b:s20+s3] =	stream.linear.scatter [tilespmem:s13], [sflag:$0x9], $0x80, $0x38;
	[tilespmem:$0x10A00] =	vst v63  }
0x11f: {  	s13 =	sadd.s32 $0x8530, s14;
	s20 =	sadd.s32 $0x60, s12;
	s14 =	sadd.s32 $0x85B8, s14  }
0x120: {  	[hbm4b:s20+s3] =	stream.linear.scatter [tilespmem:s13], [sflag:$0x9], $0x80, $0x38;
	[tilespmem:$0x10A00] =	vst v63  }
0x121: {  	s20 =	sadd.s32 $0x70, s12;
	s12 =	sadd.s32 $0x1000, s12;
	s13 =	smov.u32 s22  }
0x122: {  	[hbm4b:s20+s3] =	stream.linear.scatter [tilespmem:s14], [sflag:$0x9], $0x80, $0x38;
	[tilespmem:$0x10A00] =	vst v63  }
0x123: {  	s13 =	sadd.s32 $0x8200, s11  }
0x124: {  	[hbm4b:s12+s3] =	stream.linear.scatter [tilespmem:s13], [sflag:$0x9], $0x80, $0x38;
	[tilespmem:$0x10A00] =	vst v63  }
0x125: {  	s20 =	sadd.s32 $0x8288, s11;
	s22 =	sadd.s32 $0x10, s12  }
0x126: {  	[hbm4b:s22+s3] =	stream.linear.scatter [tilespmem:s20], [sflag:$0x9], $0x80, $0x38;
	[tilespmem:$0x10A00] =	vst v63  }
0x127: {  	s20 =	sadd.s32 $0x8310, s11;
	s22 =	sadd.s32 $0x20, s12  }
0x128: {  	[hbm4b:s22+s3] =	stream.linear.scatter [tilespmem:s20], [sflag:$0x9], $0x80, $0x38;
	[tilespmem:$0x10A00] =	vst v63  }
0x129: {  	s20 =	sadd.s32 $0x8398, s11;
	s22 =	sadd.s32 $0x30, s12  }
0x12a: {  	[hbm4b:s22+s3] =	stream.linear.scatter [tilespmem:s20], [sflag:$0x9], $0x80, $0x38;
	[tilespmem:$0x10A00] =	vst v63  }
0x12b: {  	s20 =	sadd.s32 $0x8420, s11;
	s22 =	sadd.s32 $0x40, s12  }
0x12c: {  	[hbm4b:s22+s3] =	stream.linear.scatter [tilespmem:s20], [sflag:$0x9], $0x80, $0x38;
	[tilespmem:$0x10A00] =	vst v63  }
0x12d: {  	s20 =	sadd.s32 $0x84A8, s11;
	s22 =	sadd.s32 $0x50, s12  }
0x12e: {  	[hbm4b:s22+s3] =	stream.linear.scatter [tilespmem:s20], [sflag:$0x9], $0x80, $0x38;
	[tilespmem:$0x10A00] =	vst v63  }
0x12f: {  	s20 =	sadd.s32 $0x8530, s11;
	s22 =	sadd.s32 $0x60, s12  }
0x130: {  	[hbm4b:s22+s3] =	stream.linear.scatter [tilespmem:s20], [sflag:$0x9], $0x80, $0x38;
	[tilespmem:$0x10A00] =	vst v63  }
0x131: {  	s20 =	sadd.s32 $0x85B8, s11;
	s22 =	sadd.s32 $0x70, s12;
	s11 =	simm.s32 @!p0 $0xA  }
0x132: {  	[hbm4b:s22+s3] =	stream.linear.scatter [tilespmem:s20], [sflag:$0x9], $0x80, $0x38;
	[tilespmem:$0x10A00] =	vst v63  }
0x133: {  	_ =	swait.ge @!p0 [sflag:s11], $0x2000  }
0x134: {  	[sflag:s11] =	ssyncset.done @!p0 $0x0  }
0x135: {  	v9 =	vld [tilespmem:$0x1FF80];
	[sflag:s11] =	ssyncadd.s32 @!p0 $0xFFFFE000;
	s11 =	simm.s32 $0x2300  }
0x136: {  	v33 =	vld [tilespmem:s11+$0xF0]  }
0x137: {  	v34 =	vld [tilespmem:s11+$0xE0]  }
0x138: {  	v35 =	vld [tilespmem:s11+$0xD0]  }
0x139: {  	v0 =	vld [tilespmem:s11+$0xC0]  }
0x13a: {  	v2 =	vld [tilespmem:s11+$0xB0]  }
0x13b: {  	v3 =	vld [tilespmem:s11+$0xA0]  }
0x13c: {  	s13 =	simm.s32 $0x0;
	v4 =	vld [tilespmem:s11+$0x90]  }
0x13d: {  	v47 =	vmov s13;
	v5 =	vld [tilespmem:s11+$0x80]  }
0x13e: {  	v47 =	vshrl.u32 v47, $0x3;
	v6 =	vld [tilespmem:s11+$0x70]  }
0x13f: {  	v47 =	vshll.u32 v47, v1;
	v7 =	vld [tilespmem:s11+$0x60]  }
0x140: {  	v47 =	vbroadcast v47, $0x0;
	v8 =	vld [tilespmem:s11+$0x50]  }
0x141: {  	v36 =	vld [tilespmem:s11+$0x40]  }
0x142: {  	v55 =	vadd.s32 v9, v47;
	v9 =	vld [tilespmem:$0x1FE10]  }
0x143: {  	v37 =	vld [tilespmem:s11+$0x30]  }
0x144: {  	v38 =	vld [tilespmem:s11+$0x20]  }
0x145: {  	v39 =	vld [tilespmem:s11+$0x10]  }
0x146: {  	v40 =	vld [tilespmem:s11+$0x0]  }
0x147: {  	v57 =	vadd.s32 v9, v47;
	v9 =	vld [tilespmem:$0x1FE20]  }
0x148: {  	v41 =	vld [tilespmem:s11+$0xFFFFFFF0]  }
0x149: {  	v42 =	vld [tilespmem:s11+$0xFFFFFFE0]  }
0x14a: {  	v43 =	vld [tilespmem:s11+$0xFFFFFFD0]  }
0x14b: {  	v44 =	vld [tilespmem:s11+$0xFFFFFFC0]  }
0x14c: {  	v59 =	vadd.s32 v9, v47;
	v9 =	vld [tilespmem:$0x1FE30]  }
0x14d: {  	v45 =	vld [tilespmem:s11+$0xFFFFFFB0]  }
0x14e: {  	v46 =	vld [tilespmem:s11+$0xFFFFFFA0]  }
0x14f: {  	v48 =	vld [tilespmem:s11+$0xFFFFFF90]  }
0x150: {  	s14 =	simm.s32 $0x1;
	v49 =	vld [tilespmem:s11+$0xFFFFFF80]  }
0x151: {  	v52 =	vmov s14;
	v47 =	vadd.s32 v9, v47;
	v9 =	vld [tilespmem:$0x1FE40]  }
0x152: {  	v52 =	vshrl.u32 v52, $0x3;
	v50 =	vld [tilespmem:s11+$0xFFFFFF70]  }
0x153: {  	v52 =	vshll.u32 v52, v1;
	v51 =	vld [tilespmem:s11+$0xFFFFFF60]  }
0x154: {  	v52 =	vbroadcast v52, $0x0;
	v53 =	vld [tilespmem:s11+$0xFFFFFF50]  }
0x155: {  	v54 =	vld [tilespmem:s11+$0xFFFFFF00]  }
0x156: {  	v63 =	vadd.s32 v9, v52;
	v9 =	vld [tilespmem:$0x1FE50]  }
0x157: {  	v56 =	vld [tilespmem:s11+$0xFFFFFF10]  }
0x158: {  	v58 =	vld [tilespmem:s11+$0xFFFFFF20]  }
0x159: {  	v61 =	vld [tilespmem:s11+$0xFFFFFF30]  }
0x15a: {  	v62 =	vld [tilespmem:s11+$0xFFFFFF40]  }
0x15b: {  	[tilespmem:v55+s8+$0x0] =	vst.idx.msk $0xffff, v54;
	v54 =	vadd.s32 v9, v52;
	v9 =	vld [tilespmem:$0x1FE60];
	_ =	sdelay $0x4  }
0x15c: {  	s20 =	simm.s32 $0x2;
	[tilespmem:v57+s8+$0x0] =	vst.idx.msk $0xffff, v56;
	v56 =	vadd.s32 v9, v52;
	v9 =	vld [tilespmem:$0x1FE70]  }
0x15d: {  	v60 =	vmov s20;
	v18 =	vld [tilespmem:$0x1FE80]  }
0x15e: {  	v60 =	vshrl.u32 v60, $0x3;
	v19 =	vld [tilespmem:$0x1FE90]  }
0x15f: {  	v20 =	vld [tilespmem:$0x1FEA0];
	v60 =	vshll.u32 v60, v1  }
0x160: {  	s22 =	simm.s32 $0x3;
	v21 =	vld [tilespmem:$0x1FEB0];
	v55 =	vbroadcast v60, $0x0  }
0x161: {  	v32 =	vmov s22;
	v22 =	vld [tilespmem:$0x1FEC0];
	[tilespmem:v59+s8+$0x0] =	vst.idx.msk $0xffff, v58;
	v52 =	vadd.s32 v9, v52  }
0x162: {  	v23 =	vld [tilespmem:$0x1FED0];
	v57 =	vshrl.u32 v32, $0x3;
	[tilespmem:v47+s8+$0x0] =	vst.idx.msk $0xffff, v61;
	v47 =	vadd.s32 v18, v55  }
0x163: {  	v24 =	vld [tilespmem:$0x1FEE0];
	v60 =	vadd.s32 v19, v55;
	v57 =	vshll.u32 v57, v1;
	[tilespmem:v63+s8+$0x0] =	vst.idx.msk $0xffff, v62  }
0x164: {  	s13 =	simm.s32 $0x4;
	v25 =	vld [tilespmem:$0x1FEF0];
	v61 =	vadd.s32 v20, v55;
	v62 =	vbroadcast v57, $0x0;
	[tilespmem:v54+s8+$0x0] =	vst.idx.msk $0xffff, v53  }
0x165: {  	v26 =	vld [tilespmem:$0x1FF00];
	v55 =	vadd.s32 v21, v55;
	v63 =	vmov s13;
	[tilespmem:v56+s8+$0x0] =	vst.idx.msk $0xffff, v51  }
0x166: {  	v27 =	vld [tilespmem:$0x1FF10];
	v32 =	vadd.s32 v22, v62;
	v51 =	vshrl.u32 v63, $0x3;
	[tilespmem:v52+s8+$0x0] =	vst.idx.msk $0xffff, v50  }
0x167: {  	v28 =	vld [tilespmem:$0x1FF20];
	v56 =	vadd.s32 v23, v62;
	v57 =	vshll.u32 v51, v1;
	[tilespmem:v47+s8+$0x0] =	vst.idx.msk $0xffff, v49  }
0x168: {  	s14 =	simm.s32 $0x5;
	v29 =	vld [tilespmem:$0x1FF30];
	v58 =	vadd.s32 v24, v62;
	v49 =	vbroadcast v57, $0x0;
	[tilespmem:v60+s8+$0x0] =	vst.idx.msk $0xffff, v48  }
0x169: {  	v30 =	vld [tilespmem:$0x1FF40];
	v59 =	vmov s14;
	v60 =	vadd.s32 v25, v62;
	[tilespmem:v61+s8+$0x0] =	vst.idx.msk $0xffff, v46  }
0x16a: {  	v31 =	vld [tilespmem:$0x1FF50];
	v61 =	vadd.s32 v26, v49;
	v46 =	vshrl.u32 v59, $0x3;
	[tilespmem:v55+s8+$0x0] =	vst.idx.msk $0xffff, v45  }
0x16b: {  	v62 =	vadd.s32 v27, v49;
	v46 =	vshll.u32 v46, v1;
	[tilespmem:v32+s8+$0x0] =	vst.idx.msk $0xffff, v44;
	v32 =	vld [tilespmem:$0x1FF60]  }
0x16c: {  	s20 =	simm.s32 $0x6;
	v10 =	vld [tilespmem:$0x1FF70];
	v63 =	vadd.s32 v28, v49;
	v46 =	vbroadcast v46, $0x0;
	[tilespmem:v56+s8+$0x0] =	vst.idx.msk $0xffff, v43  }
0x16d: {  	v9 =	vld [tilespmem:$0x1FF90];
	v50 =	vmov s20;
	v52 =	vadd.s32 v29, v49;
	[tilespmem:v58+s8+$0x0] =	vst.idx.msk $0xffff, v42  }
0x16e: {  	v11 =	vld [tilespmem:$0x1FFA0];
	v53 =	vadd.s32 v30, v46;
	v42 =	vshrl.u32 v50, $0x3;
	[tilespmem:v60+s8+$0x0] =	vst.idx.msk $0xffff, v41  }
0x16f: {  	v12 =	vld [tilespmem:$0x1FFB0];
	v54 =	vadd.s32 v31, v46;
	v42 =	vshll.u32 v42, v1;
	[tilespmem:v61+s8+$0x0] =	vst.idx.msk $0xffff, v40  }
0x170: {  	s22 =	simm.s32 $0x7;
	v13 =	vld [tilespmem:$0x1FFC0];
	v42 =	vbroadcast v42, $0x0;
	[tilespmem:v62+s8+$0x0] =	vst.idx.msk $0xffff, v39;
	v55 =	vadd.s32 v32, v46  }
0x171: {  	v14 =	vld [tilespmem:$0x1FFD0];
	v56 =	vmov s22;
	v57 =	vadd.s32 v10, v46;
	[tilespmem:v63+s8+$0x0] =	vst.idx.msk $0xffff, v38  }
0x172: {  	v15 =	vld [tilespmem:$0x1FFE0];
	v58 =	vadd.s32 v9, v42;
	v38 =	vshrl.u32 v56, $0x3;
	[tilespmem:v52+s8+$0x0] =	vst.idx.msk $0xffff, v37  }
0x173: {  	v16 =	vld [tilespmem:$0x1FFF0];
	v59 =	vadd.s32 v11, v42;
	v38 =	vshll.u32 v38, v1;
	[tilespmem:v53+s8+$0x0] =	vst.idx.msk $0xffff, v36  }
0x174: {  	v38 =	vbroadcast v38, $0x0;
	[tilespmem:v54+s8+$0x0] =	vst.idx.msk $0xffff, v8;
	v8 =	vadd.s32 v12, v42  }
0x175: {  	v60 =	vadd.s32 v13, v42;
	[tilespmem:v55+s8+$0x0] =	vst.idx.msk $0xffff, v7  }
0x176: {  	v61 =	vadd.s32 v14, v38;
	[tilespmem:v57+s8+$0x0] =	vst.idx.msk $0xffff, v6  }
0x177: {  	v62 =	vadd.s32 v15, v38;
	[tilespmem:v58+s8+$0x0] =	vst.idx.msk $0xffff, v5  }
0x178: {  	v63 =	vadd.s32 v16, v38;
	[tilespmem:v59+s8+$0x0] =	vst.idx.msk $0xffff, v4  }
0x179: {  	[tilespmem:v8+s8+$0x0] =	vst.idx.msk $0xffff, v3  }
0x17a: {  	[tilespmem:v60+s8+$0x0] =	vst.idx.msk $0xffff, v2  }
0x17b: {  	[tilespmem:v61+s8+$0x0] =	vst.idx.msk $0xffff, v0  }
0x17c: {  	[tilespmem:v62+s8+$0x0] =	vst.idx.msk $0xffff, v35  }
0x17d: {  	s12 =	simm.s32 $0xF;
	v38 =	vadd.s32 v17, v38;
	[tilespmem:v63+s8+$0x0] =	vst.idx.msk $0xffff, v34  }
.LBB2_12:
0x17e: {  	_ = 	snop  }
0x17f: {  	v55 =	vld [tilespmem:$0x1FF80]  }
0x180: {  	v57 =	vld [tilespmem:$0x1FE10]  }
0x181: {  	v59 =	vld [tilespmem:$0x1FE20]  }
0x182: {  	[tilespmem:v38+s8+$0x0] =	vst.idx.msk $0xffff, v33;
	s11 =	sadd.s32 $0x200, s11;
	v62 =	vld [tilespmem:$0x1FE30]  }
0x183: {  	v33 =	vld [tilespmem:s11+$0xF0]  }
0x184: {  	v34 =	vld [tilespmem:s11+$0xE0]  }
0x185: {  	v35 =	vld [tilespmem:s11+$0xD0]  }
0x186: {  	v36 =	vld [tilespmem:s11+$0xC0]  }
0x187: {  	v37 =	vld [tilespmem:s11+$0xB0]  }
0x188: {  	v38 =	vld [tilespmem:s11+$0xA0]  }
0x189: {  	v39 =	vld [tilespmem:s11+$0x90]  }
0x18a: {  	v40 =	vld [tilespmem:s11+$0x80]  }
0x18b: {  	v41 =	vld [tilespmem:s11+$0x70]  }
0x18c: {  	v42 =	vld [tilespmem:s11+$0x60]  }
0x18d: {  	v43 =	vld [tilespmem:s11+$0x50]  }
0x18e: {  	v44 =	vld [tilespmem:s11+$0x40]  }
0x18f: {  	v45 =	vld [tilespmem:s11+$0x30]  }
0x190: {  	v46 =	vld [tilespmem:s11+$0x20]  }
0x191: {  	v0 =	vld [tilespmem:s11+$0x10]  }
0x192: {  	v2 =	vld [tilespmem:s11+$0x0]  }
0x193: {  	v3 =	vld [tilespmem:s11+$0xFFFFFFF0]  }
0x194: {  	v4 =	vld [tilespmem:s11+$0xFFFFFFE0]  }
0x195: {  	v5 =	vld [tilespmem:s11+$0xFFFFFFD0]  }
0x196: {  	v6 =	vld [tilespmem:s11+$0xFFFFFFC0]  }
0x197: {  	s13 =	smov.u32 s12;
	v7 =	vld [tilespmem:s11+$0xFFFFFFB0]  }
0x198: {  	s14 =	sadd.s32 $0xFFFFFFF9, s13;
	v8 =	vld [tilespmem:s11+$0xFFFFFFA0]  }
0x199: {  	v48 =	vld [tilespmem:s11+$0xFFFFFF90];
	v47 =	vmov s14  }
0x19a: {  	v49 =	vld [tilespmem:s11+$0xFFFFFF80];
	v47 =	vshrl.u32 v47, $0x3  }
0x19b: {  	v50 =	vld [tilespmem:s11+$0xFFFFFF70];
	v47 =	vshll.u32 v47, v1  }
0x19c: {  	v51 =	vld [tilespmem:s11+$0xFFFFFF60];
	v47 =	vbroadcast v47, $0x0  }
0x19d: {  	v53 =	vld [tilespmem:s11+$0xFFFFFF50]  }
0x19e: {  	v54 =	vld [tilespmem:s11+$0xFFFFFF00];
	v55 =	vadd.s32 v55, v47  }
0x19f: {  	v56 =	vld [tilespmem:s11+$0xFFFFFF10];
	s22 =	sadd.s32 $0xFFFFFFFB, s13  }
0x1a0: {  	v58 =	vld [tilespmem:s11+$0xFFFFFF20];
	v60 =	vmov s22  }
0x1a1: {  	v61 =	vld [tilespmem:s11+$0xFFFFFF30];
	v60 =	vshrl.u32 v60, $0x3  }
0x1a2: {  	s20 =	sadd.s32 $0xFFFFFFFA, s13;
	v57 =	vadd.s32 v57, v47;
	v59 =	vadd.s32 v59, v47;
	v47 =	vadd.s32 v62, v47;
	v62 =	vld [tilespmem:s11+$0xFFFFFF40]  }
0x1a3: {  	v52 =	vmov s20;
	[tilespmem:v55+s8+$0x0] =	vst.idx.msk $0xffff, v54;
	v55 =	vshll.u32 v60, v1;
	v60 =	vld [tilespmem:$0x1FE60]  }
0x1a4: {  	v52 =	vshrl.u32 v52, $0x3  }
0x1a5: {  	v63 =	vld [tilespmem:$0x1FE40];
	v52 =	vshll.u32 v52, v1  }
0x1a6: {  	v52 =	vbroadcast v52, $0x0;
	v54 =	vld [tilespmem:$0x1FE50];
	_ =	sdelay $0x1  }
0x1a7: {  	[tilespmem:v57+s8+$0x0] =	vst.idx.msk $0xffff, v56;
	v56 =	vadd.s32 v60, v52;
	v60 =	vld [tilespmem:$0x1FE70];
	_ =	sdelay $0x1  }
0x1a8: {  	v63 =	vadd.s32 v63, v52  }
0x1a9: {  	v54 =	vadd.s32 v54, v52  }
0x1aa: {  	s20 =	sadd.s32 $0xFFFFFFFC, s13;
	v55 =	vbroadcast v55, $0x0  }
0x1ab: {  	v57 =	vmov s20;
	[tilespmem:v59+s8+$0x0] =	vst.idx.msk $0xffff, v58;
	v52 =	vadd.s32 v60, v52  }
0x1ac: {  	v57 =	vshrl.u32 v57, $0x3;
	[tilespmem:v47+s8+$0x0] =	vst.idx.msk $0xffff, v61;
	v47 =	vadd.s32 v18, v55  }
0x1ad: {  	v57 =	vshll.u32 v57, v1;
	[tilespmem:v63+s8+$0x0] =	vst.idx.msk $0xffff, v62;
	v60 =	vadd.s32 v19, v55  }
0x1ae: {  	s22 =	sadd.s32 $0xFFFFFFFD, s13;
	[tilespmem:v54+s8+$0x0] =	vst.idx.msk $0xffff, v53;
	v53 =	vadd.s32 v20, v55;
	v54 =	vbroadcast v57, $0x0  }
0x1af: {  	v61 =	vmov s22;
	v62 =	vadd.s32 v21, v55;
	[tilespmem:v56+s8+$0x0] =	vst.idx.msk $0xffff, v51  }
0x1b0: {  	v63 =	vshrl.u32 v61, $0x3;
	[tilespmem:v52+s8+$0x0] =	vst.idx.msk $0xffff, v50;
	v50 =	vadd.s32 v22, v54  }
0x1b1: {  	v57 =	vshll.u32 v63, v1;
	v56 =	vadd.s32 v23, v54;
	[tilespmem:v47+s8+$0x0] =	vst.idx.msk $0xffff, v49  }
0x1b2: {  	s20 =	sadd.s32 $0xFFFFFFFE, s13;
	v59 =	vadd.s32 v24, v54;
	v49 =	vbroadcast v57, $0x0;
	[tilespmem:v60+s8+$0x0] =	vst.idx.msk $0xffff, v48  }
0x1b3: {  	v60 =	vmov s20;
	[tilespmem:v53+s8+$0x0] =	vst.idx.msk $0xffff, v8;
	v8 =	vadd.s32 v25, v54  }
0x1b4: {  	v61 =	vadd.s32 v26, v49;
	[tilespmem:v62+s8+$0x0] =	vst.idx.msk $0xffff, v7;
	v62 =	vshrl.u32 v60, $0x3  }
0x1b5: {  	v63 =	vadd.s32 v27, v49;
	[tilespmem:v50+s8+$0x0] =	vst.idx.msk $0xffff, v6;
	v52 =	vshll.u32 v62, v1  }
0x1b6: {  	s22 =	sadd.s32 $0xFFFFFFFF, s13;
	v53 =	vadd.s32 v28, v49;
	[tilespmem:v56+s8+$0x0] =	vst.idx.msk $0xffff, v5;
	v54 =	vbroadcast v52, $0x0  }
0x1b7: {  	v55 =	vmov s22;
	v56 =	vadd.s32 v29, v49;
	[tilespmem:v59+s8+$0x0] =	vst.idx.msk $0xffff, v4  }
0x1b8: {  	[tilespmem:v8+s8+$0x0] =	vst.idx.msk $0xffff, v3;
	v3 =	vadd.s32 v30, v54;
	v8 =	vshrl.u32 v55, $0x3  }
0x1b9: {  	[tilespmem:v61+s8+$0x0] =	vst.idx.msk $0xffff, v2;
	v2 =	vadd.s32 v31, v54;
	v57 =	vshll.u32 v8, v1  }
0x1ba: {  	[tilespmem:v63+s8+$0x0] =	vst.idx.msk $0xffff, v0;
	v0 =	vadd.s32 v32, v54;
	v58 =	vbroadcast v57, $0x0  }
0x1bb: {  	v59 =	vmov s13;
	v60 =	vadd.s32 v10, v54;
	[tilespmem:v53+s8+$0x0] =	vst.idx.msk $0xffff, v46  }
0x1bc: {  	v7 =	vshrl.u32 v59, $0x3;
	[tilespmem:v56+s8+$0x0] =	vst.idx.msk $0xffff, v45;
	v61 =	vadd.s32 v9, v58  }
0x1bd: {  	v7 =	vshll.u32 v7, v1;
	[tilespmem:v3+s8+$0x0] =	vst.idx.msk $0xffff, v44;
	v3 =	vadd.s32 v11, v58  }
0x1be: {  	v7 =	vbroadcast v7, $0x0;
	[tilespmem:v2+s8+$0x0] =	vst.idx.msk $0xffff, v43;
	v2 =	vadd.s32 v12, v58  }
0x1bf: {  	[tilespmem:v0+s8+$0x0] =	vst.idx.msk $0xffff, v42;
	v0 =	vadd.s32 v13, v58  }
0x1c0: {  	v62 =	vadd.s32 v14, v7;
	[tilespmem:v60+s8+$0x0] =	vst.idx.msk $0xffff, v41  }
0x1c1: {  	v63 =	vadd.s32 v15, v7;
	[tilespmem:v61+s8+$0x0] =	vst.idx.msk $0xffff, v40  }
0x1c2: {  	p1 =	sne.s32 s12, $0x7F;
	[tilespmem:v3+s8+$0x0] =	vst.idx.msk $0xffff, v39;
	v3 =	vadd.s32 v16, v7  }
.Ltmp7:
0x1c3: {  	[tilespmem:v2+s8+$0x0] =	vst.idx.msk $0xffff, v38;
	(pc) =	sbr.rel @p1 .LBB2_12-.Ltmp7, $4  }
0x1c4: {  	[tilespmem:v0+s8+$0x0] =	vst.idx.msk $0xffff, v37  }
0x1c5: {  	[tilespmem:v62+s8+$0x0] =	vst.idx.msk $0xffff, v36  }
0x1c6: {  	[tilespmem:v63+s8+$0x0] =	vst.idx.msk $0xffff, v35  }
0x1c7: {  	s12 =	sadd.s32 $0x8, s12;
	v38 =	vadd.s32 v17, v7;
	[tilespmem:v3+s8+$0x0] =	vst.idx.msk $0xffff, v34  }
0x1c8: {  	_ =	sdelay $0x2  }
0x1c9: {  	s11 =	sor.u32 $0x8000, s6  }
0x1ca: {  	[tilespmem:v38+s8+$0x0] =	vst.idx.msk $0xffff, v33;
	s13 =	simm.s32 $0xA400;
	s12 =	sadd.s32 s2, s11  }
0x1cb: {  	[hbm4b:s12+s3] =	stream.linear.scatter [tilespmem:s13], [sflag:$0xA], $0x80, $0x38;
	[tilespmem:$0x10A00] =	vst v63  }
0x1cc: {  	s14 =	simm.s32 $0xA488;
	s13 =	sadd.s32 $0x10, s12  }
0x1cd: {  	[hbm4b:s13+s3] =	stream.linear.scatter [tilespmem:s14], [sflag:$0xA], $0x80, $0x38;
	[tilespmem:$0x10A00] =	vst v63  }
0x1ce: {  	s20 =	simm.s32 $0xA510;
	s22 =	sadd.s32 $0x20, s12  }
0x1cf: {  	[hbm4b:s22+s3] =	stream.linear.scatter [tilespmem:s20], [sflag:$0xA], $0x80, $0x38;
	[tilespmem:$0x10A00] =	vst v63  }
0x1d0: {  	s13 =	simm.s32 $0xA598;
	s14 =	sadd.s32 $0x30, s12  }
0x1d1: {  	[hbm4b:s14+s3] =	stream.linear.scatter [tilespmem:s13], [sflag:$0xA], $0x80, $0x38;
	[tilespmem:$0x10A00] =	vst v63  }
0x1d2: {  	s20 =	simm.s32 $0xA620;
	s22 =	sadd.s32 $0x40, s12  }
0x1d3: {  	[hbm4b:s22+s3] =	stream.linear.scatter [tilespmem:s20], [sflag:$0xA], $0x80, $0x38;
	[tilespmem:$0x10A00] =	vst v63  }
0x1d4: {  	s11 =	simm.s32 $0x440;
	s13 =	simm.s32 $0xA6A8;
	s14 =	sadd.s32 $0x50, s12  }
0x1d5: {  	[hbm4b:s14+s3] =	stream.linear.scatter [tilespmem:s13], [sflag:$0xA], $0x80, $0x38;
	[tilespmem:$0x10A00] =	vst v63  }
0x1d6: {  	s20 =	simm.s32 $0xA730;
	s22 =	sadd.s32 $0x60, s12;
	s13 =	simm.s32 $0x2200  }
0x1d7: {  	[hbm4b:s22+s3] =	stream.linear.scatter [tilespmem:s20], [sflag:$0xA], $0x80, $0x38;
	[tilespmem:$0x10A00] =	vst v63  }
0x1d8: {  	s14 =	simm.s32 $0xA7B8;
	s20 =	sadd.s32 $0x70, s12;
	s12 =	sadd.s32 $0x1000, s12  }
.LBB2_14:
0x1d9: {  	[hbm4b:s20+s3] =	stream.linear.scatter [tilespmem:s14], [sflag:$0xA], $0x80, $0x38;
	[tilespmem:$0x10A00] =	vst v63  }
0x1da: {  	s14 =	smov.u32 s11;
	s11 =	smov.u32 s13  }
0x1db: {  	s22 =	sadd.s32 $0x1100, s13;
	s11 =	sshra.s32 s11, $0x2;
	s20 =	sadd.s32 $0xA400, s14  }
0x1dc: {  	[hbm4b:s12+s3] =	stream.linear.scatter [tilespmem:s20], [sflag:$0xA], $0x80, $0x38;
	[tilespmem:$0x10A00] =	vst v63  }
0x1dd: {  	p1 =	sne.s32 s13, $0x7700;
	s13 =	sadd.s32 $0xA488, s14;
	s20 =	sadd.s32 $0x10, s12  }
0x1de: {  	[hbm4b:s20+s3] =	stream.linear.scatter [tilespmem:s13], [sflag:$0xA], $0x80, $0x38;
	[tilespmem:$0x10A00] =	vst v63  }
0x1df: {  	s13 =	sadd.s32 $0xA510, s14;
	s20 =	sadd.s32 $0x20, s12  }
0x1e0: {  	[hbm4b:s20+s3] =	stream.linear.scatter [tilespmem:s13], [sflag:$0xA], $0x80, $0x38;
	[tilespmem:$0x10A00] =	vst v63  }
0x1e1: {  	s13 =	sadd.s32 $0xA598, s14;
	s20 =	sadd.s32 $0x30, s12  }
0x1e2: {  	[hbm4b:s20+s3] =	stream.linear.scatter [tilespmem:s13], [sflag:$0xA], $0x80, $0x38;
	[tilespmem:$0x10A00] =	vst v63  }
0x1e3: {  	s13 =	sadd.s32 $0xA620, s14;
	s20 =	sadd.s32 $0x40, s12  }
0x1e4: {  	[hbm4b:s20+s3] =	stream.linear.scatter [tilespmem:s13], [sflag:$0xA], $0x80, $0x38;
	[tilespmem:$0x10A00] =	vst v63  }
.Ltmp8:
0x1e5: {  	s13 =	sadd.s32 $0xA6A8, s14;
	s20 =	sadd.s32 $0x50, s12;
	(pc) =	sbr.rel @p1 .LBB2_14-.Ltmp8, $4  }
0x1e6: {  	[hbm4b:s20+s3] =	stream.linear.scatter [tilespmem:s13], [sflag:$0xA], $0x80, $0x38;
	[tilespmem:$0x10A00] =	vst v63  }
0x1e7: {  	s13 =	sadd.s32 $0xA730, s14;
	s20 =	sadd.s32 $0x60, s12;
	s14 =	sadd.s32 $0xA7B8, s14  }
0x1e8: {  	[hbm4b:s20+s3] =	stream.linear.scatter [tilespmem:s13], [sflag:$0xA], $0x80, $0x38;
	[tilespmem:$0x10A00] =	vst v63  }
0x1e9: {  	s20 =	sadd.s32 $0x70, s12;
	s12 =	sadd.s32 $0x1000, s12;
	s13 =	smov.u32 s22  }
0x1ea: {  	[hbm4b:s20+s3] =	stream.linear.scatter [tilespmem:s14], [sflag:$0xA], $0x80, $0x38;
	[tilespmem:$0x10A00] =	vst v63  }
0x1eb: {  	s13 =	sadd.s32 $0xA400, s11  }
0x1ec: {  	[hbm4b:s12+s3] =	stream.linear.scatter [tilespmem:s13], [sflag:$0xA], $0x80, $0x38;
	[tilespmem:$0x10A00] =	vst v63  }
0x1ed: {  	s20 =	sadd.s32 $0xA488, s11;
	s22 =	sadd.s32 $0x10, s12  }
0x1ee: {  	[hbm4b:s22+s3] =	stream.linear.scatter [tilespmem:s20], [sflag:$0xA], $0x80, $0x38;
	[tilespmem:$0x10A00] =	vst v63  }
0x1ef: {  	s20 =	sadd.s32 $0xA510, s11;
	s22 =	sadd.s32 $0x20, s12  }
0x1f0: {  	[hbm4b:s22+s3] =	stream.linear.scatter [tilespmem:s20], [sflag:$0xA], $0x80, $0x38;
	[tilespmem:$0x10A00] =	vst v63  }
0x1f1: {  	s20 =	sadd.s32 $0xA598, s11;
	s22 =	sadd.s32 $0x30, s12  }
0x1f2: {  	[hbm4b:s22+s3] =	stream.linear.scatter [tilespmem:s20], [sflag:$0xA], $0x80, $0x38;
	[tilespmem:$0x10A00] =	vst v63  }
0x1f3: {  	s20 =	sadd.s32 $0xA620, s11;
	s22 =	sadd.s32 $0x40, s12  }
0x1f4: {  	[hbm4b:s22+s3] =	stream.linear.scatter [tilespmem:s20], [sflag:$0xA], $0x80, $0x38;
	[tilespmem:$0x10A00] =	vst v63  }
0x1f5: {  	s20 =	sadd.s32 $0xA6A8, s11;
	s22 =	sadd.s32 $0x50, s12  }
0x1f6: {  	[hbm4b:s22+s3] =	stream.linear.scatter [tilespmem:s20], [sflag:$0xA], $0x80, $0x38;
	[tilespmem:$0x10A00] =	vst v63  }
0x1f7: {  	s20 =	sadd.s32 $0xA730, s11;
	s22 =	sadd.s32 $0x60, s12  }
0x1f8: {  	[hbm4b:s22+s3] =	stream.linear.scatter [tilespmem:s20], [sflag:$0xA], $0x80, $0x38;
	[tilespmem:$0x10A00] =	vst v63  }
0x1f9: {  	s20 =	sadd.s32 $0xA7B8, s11;
	s22 =	sadd.s32 $0x70, s12;
	s11 =	simm.s32 @!p0 $0xB  }
0x1fa: {  	[hbm4b:s22+s3] =	stream.linear.scatter [tilespmem:s20], [sflag:$0xA], $0x80, $0x38;
	[tilespmem:$0x10A00] =	vst v63  }
0x1fb: {  	_ =	swait.ge @!p0 [sflag:s11], $0x2000  }
0x1fc: {  	[sflag:s11] =	ssyncset.done @!p0 $0x0  }
0x1fd: {  	v9 =	vld [tilespmem:$0x1FF80];
	[sflag:s11] =	ssyncadd.s32 @!p0 $0xFFFFE000;
	s11 =	simm.s32 $0x4300  }
0x1fe: {  	v33 =	vld [tilespmem:s11+$0xF0]  }
0x1ff: {  	v34 =	vld [tilespmem:s11+$0xE0]  }
0x200: {  	v35 =	vld [tilespmem:s11+$0xD0]  }
0x201: {  	v0 =	vld [tilespmem:s11+$0xC0]  }
0x202: {  	v2 =	vld [tilespmem:s11+$0xB0]  }
0x203: {  	v3 =	vld [tilespmem:s11+$0xA0]  }
0x204: {  	s13 =	simm.s32 $0x0;
	v4 =	vld [tilespmem:s11+$0x90]  }
0x205: {  	v47 =	vmov s13;
	v5 =	vld [tilespmem:s11+$0x80]  }
0x206: {  	v47 =	vshrl.u32 v47, $0x3;
	v6 =	vld [tilespmem:s11+$0x70]  }
0x207: {  	v47 =	vshll.u32 v47, v1;
	v7 =	vld [tilespmem:s11+$0x60]  }
0x208: {  	v47 =	vbroadcast v47, $0x0;
	v8 =	vld [tilespmem:s11+$0x50]  }
0x209: {  	v36 =	vld [tilespmem:s11+$0x40]  }
0x20a: {  	v55 =	vadd.s32 v9, v47;
	v9 =	vld [tilespmem:$0x1FE10]  }
0x20b: {  	v37 =	vld [tilespmem:s11+$0x30]  }
0x20c: {  	v38 =	vld [tilespmem:s11+$0x20]  }
0x20d: {  	v39 =	vld [tilespmem:s11+$0x10]  }
0x20e: {  	v40 =	vld [tilespmem:s11+$0x0]  }
0x20f: {  	v57 =	vadd.s32 v9, v47;
	v9 =	vld [tilespmem:$0x1FE20]  }
0x210: {  	v41 =	vld [tilespmem:s11+$0xFFFFFFF0]  }
0x211: {  	v42 =	vld [tilespmem:s11+$0xFFFFFFE0]  }
0x212: {  	v43 =	vld [tilespmem:s11+$0xFFFFFFD0]  }
0x213: {  	v44 =	vld [tilespmem:s11+$0xFFFFFFC0]  }
0x214: {  	v59 =	vadd.s32 v9, v47;
	v9 =	vld [tilespmem:$0x1FE30]  }
0x215: {  	v45 =	vld [tilespmem:s11+$0xFFFFFFB0]  }
0x216: {  	v46 =	vld [tilespmem:s11+$0xFFFFFFA0]  }
0x217: {  	v48 =	vld [tilespmem:s11+$0xFFFFFF90]  }
0x218: {  	s14 =	simm.s32 $0x1;
	v49 =	vld [tilespmem:s11+$0xFFFFFF80]  }
0x219: {  	v52 =	vmov s14;
	v47 =	vadd.s32 v9, v47;
	v9 =	vld [tilespmem:$0x1FE40]  }
0x21a: {  	v52 =	vshrl.u32 v52, $0x3;
	v50 =	vld [tilespmem:s11+$0xFFFFFF70]  }
0x21b: {  	v52 =	vshll.u32 v52, v1;
	v51 =	vld [tilespmem:s11+$0xFFFFFF60]  }
0x21c: {  	v52 =	vbroadcast v52, $0x0;
	v53 =	vld [tilespmem:s11+$0xFFFFFF50]  }
0x21d: {  	v54 =	vld [tilespmem:s11+$0xFFFFFF00]  }
0x21e: {  	v63 =	vadd.s32 v9, v52;
	v9 =	vld [tilespmem:$0x1FE50]  }
0x21f: {  	v56 =	vld [tilespmem:s11+$0xFFFFFF10]  }
0x220: {  	v58 =	vld [tilespmem:s11+$0xFFFFFF20]  }
0x221: {  	v61 =	vld [tilespmem:s11+$0xFFFFFF30]  }
0x222: {  	v62 =	vld [tilespmem:s11+$0xFFFFFF40]  }
0x223: {  	[tilespmem:v55+s9+$0x0] =	vst.idx.msk $0xffff, v54;
	v54 =	vadd.s32 v9, v52;
	v9 =	vld [tilespmem:$0x1FE60];
	_ =	sdelay $0x4  }
0x224: {  	s20 =	simm.s32 $0x2;
	[tilespmem:v57+s9+$0x0] =	vst.idx.msk $0xffff, v56;
	v56 =	vadd.s32 v9, v52;
	v9 =	vld [tilespmem:$0x1FE70]  }
0x225: {  	v60 =	vmov s20;
	v18 =	vld [tilespmem:$0x1FE80]  }
0x226: {  	v60 =	vshrl.u32 v60, $0x3;
	v19 =	vld [tilespmem:$0x1FE90]  }
0x227: {  	v20 =	vld [tilespmem:$0x1FEA0];
	v60 =	vshll.u32 v60, v1  }
0x228: {  	s22 =	simm.s32 $0x3;
	v21 =	vld [tilespmem:$0x1FEB0];
	v55 =	vbroadcast v60, $0x0  }
0x229: {  	v32 =	vmov s22;
	v22 =	vld [tilespmem:$0x1FEC0];
	[tilespmem:v59+s9+$0x0] =	vst.idx.msk $0xffff, v58;
	v52 =	vadd.s32 v9, v52  }
0x22a: {  	v23 =	vld [tilespmem:$0x1FED0];
	v57 =	vshrl.u32 v32, $0x3;
	[tilespmem:v47+s9+$0x0] =	vst.idx.msk $0xffff, v61;
	v47 =	vadd.s32 v18, v55  }
0x22b: {  	v24 =	vld [tilespmem:$0x1FEE0];
	v60 =	vadd.s32 v19, v55;
	v57 =	vshll.u32 v57, v1;
	[tilespmem:v63+s9+$0x0] =	vst.idx.msk $0xffff, v62  }
0x22c: {  	s13 =	simm.s32 $0x4;
	v25 =	vld [tilespmem:$0x1FEF0];
	v61 =	vadd.s32 v20, v55;
	v62 =	vbroadcast v57, $0x0;
	[tilespmem:v54+s9+$0x0] =	vst.idx.msk $0xffff, v53  }
0x22d: {  	v26 =	vld [tilespmem:$0x1FF00];
	v55 =	vadd.s32 v21, v55;
	v63 =	vmov s13;
	[tilespmem:v56+s9+$0x0] =	vst.idx.msk $0xffff, v51  }
0x22e: {  	v27 =	vld [tilespmem:$0x1FF10];
	v32 =	vadd.s32 v22, v62;
	v51 =	vshrl.u32 v63, $0x3;
	[tilespmem:v52+s9+$0x0] =	vst.idx.msk $0xffff, v50  }
0x22f: {  	v28 =	vld [tilespmem:$0x1FF20];
	v56 =	vadd.s32 v23, v62;
	v57 =	vshll.u32 v51, v1;
	[tilespmem:v47+s9+$0x0] =	vst.idx.msk $0xffff, v49  }
0x230: {  	s14 =	simm.s32 $0x5;
	v29 =	vld [tilespmem:$0x1FF30];
	v58 =	vadd.s32 v24, v62;
	v49 =	vbroadcast v57, $0x0;
	[tilespmem:v60+s9+$0x0] =	vst.idx.msk $0xffff, v48  }
0x231: {  	v30 =	vld [tilespmem:$0x1FF40];
	v59 =	vmov s14;
	v60 =	vadd.s32 v25, v62;
	[tilespmem:v61+s9+$0x0] =	vst.idx.msk $0xffff, v46  }
0x232: {  	v31 =	vld [tilespmem:$0x1FF50];
	v61 =	vadd.s32 v26, v49;
	v46 =	vshrl.u32 v59, $0x3;
	[tilespmem:v55+s9+$0x0] =	vst.idx.msk $0xffff, v45  }
0x233: {  	v62 =	vadd.s32 v27, v49;
	v46 =	vshll.u32 v46, v1;
	[tilespmem:v32+s9+$0x0] =	vst.idx.msk $0xffff, v44;
	v32 =	vld [tilespmem:$0x1FF60]  }
0x234: {  	s20 =	simm.s32 $0x6;
	v10 =	vld [tilespmem:$0x1FF70];
	v63 =	vadd.s32 v28, v49;
	v46 =	vbroadcast v46, $0x0;
	[tilespmem:v56+s9+$0x0] =	vst.idx.msk $0xffff, v43  }
0x235: {  	v9 =	vld [tilespmem:$0x1FF90];
	v50 =	vmov s20;
	v52 =	vadd.s32 v29, v49;
	[tilespmem:v58+s9+$0x0] =	vst.idx.msk $0xffff, v42  }
0x236: {  	v11 =	vld [tilespmem:$0x1FFA0];
	v53 =	vadd.s32 v30, v46;
	v42 =	vshrl.u32 v50, $0x3;
	[tilespmem:v60+s9+$0x0] =	vst.idx.msk $0xffff, v41  }
0x237: {  	v12 =	vld [tilespmem:$0x1FFB0];
	v54 =	vadd.s32 v31, v46;
	v42 =	vshll.u32 v42, v1;
	[tilespmem:v61+s9+$0x0] =	vst.idx.msk $0xffff, v40  }
0x238: {  	s22 =	simm.s32 $0x7;
	v13 =	vld [tilespmem:$0x1FFC0];
	v42 =	vbroadcast v42, $0x0;
	[tilespmem:v62+s9+$0x0] =	vst.idx.msk $0xffff, v39;
	v55 =	vadd.s32 v32, v46  }
0x239: {  	v14 =	vld [tilespmem:$0x1FFD0];
	v56 =	vmov s22;
	v57 =	vadd.s32 v10, v46;
	[tilespmem:v63+s9+$0x0] =	vst.idx.msk $0xffff, v38  }
0x23a: {  	v15 =	vld [tilespmem:$0x1FFE0];
	v58 =	vadd.s32 v9, v42;
	v38 =	vshrl.u32 v56, $0x3;
	[tilespmem:v52+s9+$0x0] =	vst.idx.msk $0xffff, v37  }
0x23b: {  	v16 =	vld [tilespmem:$0x1FFF0];
	v59 =	vadd.s32 v11, v42;
	v38 =	vshll.u32 v38, v1;
	[tilespmem:v53+s9+$0x0] =	vst.idx.msk $0xffff, v36  }
0x23c: {  	v38 =	vbroadcast v38, $0x0;
	[tilespmem:v54+s9+$0x0] =	vst.idx.msk $0xffff, v8;
	v8 =	vadd.s32 v12, v42  }
0x23d: {  	v60 =	vadd.s32 v13, v42;
	[tilespmem:v55+s9+$0x0] =	vst.idx.msk $0xffff, v7  }
0x23e: {  	v61 =	vadd.s32 v14, v38;
	[tilespmem:v57+s9+$0x0] =	vst.idx.msk $0xffff, v6  }
0x23f: {  	v62 =	vadd.s32 v15, v38;
	[tilespmem:v58+s9+$0x0] =	vst.idx.msk $0xffff, v5  }
0x240: {  	v63 =	vadd.s32 v16, v38;
	[tilespmem:v59+s9+$0x0] =	vst.idx.msk $0xffff, v4  }
0x241: {  	[tilespmem:v8+s9+$0x0] =	vst.idx.msk $0xffff, v3  }
0x242: {  	[tilespmem:v60+s9+$0x0] =	vst.idx.msk $0xffff, v2  }
0x243: {  	[tilespmem:v61+s9+$0x0] =	vst.idx.msk $0xffff, v0  }
0x244: {  	[tilespmem:v62+s9+$0x0] =	vst.idx.msk $0xffff, v35  }
0x245: {  	s12 =	simm.s32 $0xF;
	v38 =	vadd.s32 v17, v38;
	[tilespmem:v63+s9+$0x0] =	vst.idx.msk $0xffff, v34  }
.LBB2_16:
0x246: {  	_ = 	snop  }
0x247: {  	v55 =	vld [tilespmem:$0x1FF80]  }
0x248: {  	v57 =	vld [tilespmem:$0x1FE10]  }
0x249: {  	v59 =	vld [tilespmem:$0x1FE20]  }
0x24a: {  	[tilespmem:v38+s9+$0x0] =	vst.idx.msk $0xffff, v33;
	s11 =	sadd.s32 $0x200, s11;
	v62 =	vld [tilespmem:$0x1FE30]  }
0x24b: {  	v33 =	vld [tilespmem:s11+$0xF0]  }
0x24c: {  	v34 =	vld [tilespmem:s11+$0xE0]  }
0x24d: {  	v35 =	vld [tilespmem:s11+$0xD0]  }
0x24e: {  	v36 =	vld [tilespmem:s11+$0xC0]  }
0x24f: {  	v37 =	vld [tilespmem:s11+$0xB0]  }
0x250: {  	v38 =	vld [tilespmem:s11+$0xA0]  }
0x251: {  	v39 =	vld [tilespmem:s11+$0x90]  }
0x252: {  	v40 =	vld [tilespmem:s11+$0x80]  }
0x253: {  	v41 =	vld [tilespmem:s11+$0x70]  }
0x254: {  	v42 =	vld [tilespmem:s11+$0x60]  }
0x255: {  	v43 =	vld [tilespmem:s11+$0x50]  }
0x256: {  	v44 =	vld [tilespmem:s11+$0x40]  }
0x257: {  	v45 =	vld [tilespmem:s11+$0x30]  }
0x258: {  	v46 =	vld [tilespmem:s11+$0x20]  }
0x259: {  	v0 =	vld [tilespmem:s11+$0x10]  }
0x25a: {  	v2 =	vld [tilespmem:s11+$0x0]  }
0x25b: {  	v3 =	vld [tilespmem:s11+$0xFFFFFFF0]  }
0x25c: {  	v4 =	vld [tilespmem:s11+$0xFFFFFFE0]  }
0x25d: {  	v5 =	vld [tilespmem:s11+$0xFFFFFFD0]  }
0x25e: {  	v6 =	vld [tilespmem:s11+$0xFFFFFFC0]  }
0x25f: {  	s13 =	smov.u32 s12;
	v7 =	vld [tilespmem:s11+$0xFFFFFFB0]  }
0x260: {  	s14 =	sadd.s32 $0xFFFFFFF9, s13;
	v8 =	vld [tilespmem:s11+$0xFFFFFFA0]  }
0x261: {  	v48 =	vld [tilespmem:s11+$0xFFFFFF90];
	v47 =	vmov s14  }
0x262: {  	v49 =	vld [tilespmem:s11+$0xFFFFFF80];
	v47 =	vshrl.u32 v47, $0x3  }
0x263: {  	v50 =	vld [tilespmem:s11+$0xFFFFFF70];
	v47 =	vshll.u32 v47, v1  }
0x264: {  	v51 =	vld [tilespmem:s11+$0xFFFFFF60];
	v47 =	vbroadcast v47, $0x0  }
0x265: {  	v53 =	vld [tilespmem:s11+$0xFFFFFF50]  }
0x266: {  	v54 =	vld [tilespmem:s11+$0xFFFFFF00];
	v55 =	vadd.s32 v55, v47  }
0x267: {  	v56 =	vld [tilespmem:s11+$0xFFFFFF10];
	s22 =	sadd.s32 $0xFFFFFFFB, s13  }
0x268: {  	v58 =	vld [tilespmem:s11+$0xFFFFFF20];
	v60 =	vmov s22  }
0x269: {  	v61 =	vld [tilespmem:s11+$0xFFFFFF30];
	v60 =	vshrl.u32 v60, $0x3  }
0x26a: {  	s20 =	sadd.s32 $0xFFFFFFFA, s13;
	v57 =	vadd.s32 v57, v47;
	v59 =	vadd.s32 v59, v47;
	v47 =	vadd.s32 v62, v47;
	v62 =	vld [tilespmem:s11+$0xFFFFFF40]  }
0x26b: {  	v52 =	vmov s20;
	[tilespmem:v55+s9+$0x0] =	vst.idx.msk $0xffff, v54;
	v55 =	vshll.u32 v60, v1;
	v60 =	vld [tilespmem:$0x1FE60]  }
0x26c: {  	v52 =	vshrl.u32 v52, $0x3  }
0x26d: {  	v63 =	vld [tilespmem:$0x1FE40];
	v52 =	vshll.u32 v52, v1  }
0x26e: {  	v52 =	vbroadcast v52, $0x0;
	v54 =	vld [tilespmem:$0x1FE50];
	_ =	sdelay $0x1  }
0x26f: {  	[tilespmem:v57+s9+$0x0] =	vst.idx.msk $0xffff, v56;
	v56 =	vadd.s32 v60, v52;
	v60 =	vld [tilespmem:$0x1FE70];
	_ =	sdelay $0x1  }
0x270: {  	v63 =	vadd.s32 v63, v52  }
0x271: {  	v54 =	vadd.s32 v54, v52  }
0x272: {  	s20 =	sadd.s32 $0xFFFFFFFC, s13;
	v55 =	vbroadcast v55, $0x0  }
0x273: {  	v57 =	vmov s20;
	[tilespmem:v59+s9+$0x0] =	vst.idx.msk $0xffff, v58;
	v52 =	vadd.s32 v60, v52  }
0x274: {  	v57 =	vshrl.u32 v57, $0x3;
	[tilespmem:v47+s9+$0x0] =	vst.idx.msk $0xffff, v61;
	v47 =	vadd.s32 v18, v55  }
0x275: {  	v57 =	vshll.u32 v57, v1;
	[tilespmem:v63+s9+$0x0] =	vst.idx.msk $0xffff, v62;
	v60 =	vadd.s32 v19, v55  }
0x276: {  	s22 =	sadd.s32 $0xFFFFFFFD, s13;
	[tilespmem:v54+s9+$0x0] =	vst.idx.msk $0xffff, v53;
	v53 =	vadd.s32 v20, v55;
	v54 =	vbroadcast v57, $0x0  }
0x277: {  	v61 =	vmov s22;
	v62 =	vadd.s32 v21, v55;
	[tilespmem:v56+s9+$0x0] =	vst.idx.msk $0xffff, v51  }
0x278: {  	v63 =	vshrl.u32 v61, $0x3;
	[tilespmem:v52+s9+$0x0] =	vst.idx.msk $0xffff, v50;
	v50 =	vadd.s32 v22, v54  }
0x279: {  	v57 =	vshll.u32 v63, v1;
	v56 =	vadd.s32 v23, v54;
	[tilespmem:v47+s9+$0x0] =	vst.idx.msk $0xffff, v49  }
0x27a: {  	s20 =	sadd.s32 $0xFFFFFFFE, s13;
	v59 =	vadd.s32 v24, v54;
	v49 =	vbroadcast v57, $0x0;
	[tilespmem:v60+s9+$0x0] =	vst.idx.msk $0xffff, v48  }
0x27b: {  	v60 =	vmov s20;
	[tilespmem:v53+s9+$0x0] =	vst.idx.msk $0xffff, v8;
	v8 =	vadd.s32 v25, v54  }
0x27c: {  	v61 =	vadd.s32 v26, v49;
	[tilespmem:v62+s9+$0x0] =	vst.idx.msk $0xffff, v7;
	v62 =	vshrl.u32 v60, $0x3  }
0x27d: {  	v63 =	vadd.s32 v27, v49;
	[tilespmem:v50+s9+$0x0] =	vst.idx.msk $0xffff, v6;
	v52 =	vshll.u32 v62, v1  }
0x27e: {  	s22 =	sadd.s32 $0xFFFFFFFF, s13;
	v53 =	vadd.s32 v28, v49;
	[tilespmem:v56+s9+$0x0] =	vst.idx.msk $0xffff, v5;
	v54 =	vbroadcast v52, $0x0  }
0x27f: {  	v55 =	vmov s22;
	v56 =	vadd.s32 v29, v49;
	[tilespmem:v59+s9+$0x0] =	vst.idx.msk $0xffff, v4  }
0x280: {  	[tilespmem:v8+s9+$0x0] =	vst.idx.msk $0xffff, v3;
	v3 =	vadd.s32 v30, v54;
	v8 =	vshrl.u32 v55, $0x3  }
0x281: {  	[tilespmem:v61+s9+$0x0] =	vst.idx.msk $0xffff, v2;
	v2 =	vadd.s32 v31, v54;
	v57 =	vshll.u32 v8, v1  }
0x282: {  	[tilespmem:v63+s9+$0x0] =	vst.idx.msk $0xffff, v0;
	v0 =	vadd.s32 v32, v54;
	v58 =	vbroadcast v57, $0x0  }
0x283: {  	v59 =	vmov s13;
	v60 =	vadd.s32 v10, v54;
	[tilespmem:v53+s9+$0x0] =	vst.idx.msk $0xffff, v46  }
0x284: {  	v7 =	vshrl.u32 v59, $0x3;
	[tilespmem:v56+s9+$0x0] =	vst.idx.msk $0xffff, v45;
	v61 =	vadd.s32 v9, v58  }
0x285: {  	v7 =	vshll.u32 v7, v1;
	[tilespmem:v3+s9+$0x0] =	vst.idx.msk $0xffff, v44;
	v3 =	vadd.s32 v11, v58  }
0x286: {  	v7 =	vbroadcast v7, $0x0;
	[tilespmem:v2+s9+$0x0] =	vst.idx.msk $0xffff, v43;
	v2 =	vadd.s32 v12, v58  }
0x287: {  	[tilespmem:v0+s9+$0x0] =	vst.idx.msk $0xffff, v42;
	v0 =	vadd.s32 v13, v58  }
0x288: {  	v62 =	vadd.s32 v14, v7;
	[tilespmem:v60+s9+$0x0] =	vst.idx.msk $0xffff, v41  }
0x289: {  	v63 =	vadd.s32 v15, v7;
	[tilespmem:v61+s9+$0x0] =	vst.idx.msk $0xffff, v40  }
0x28a: {  	p1 =	sne.s32 s12, $0x7F;
	[tilespmem:v3+s9+$0x0] =	vst.idx.msk $0xffff, v39;
	v3 =	vadd.s32 v16, v7  }
.Ltmp9:
0x28b: {  	[tilespmem:v2+s9+$0x0] =	vst.idx.msk $0xffff, v38;
	(pc) =	sbr.rel @p1 .LBB2_16-.Ltmp9, $4  }
0x28c: {  	[tilespmem:v0+s9+$0x0] =	vst.idx.msk $0xffff, v37  }
0x28d: {  	[tilespmem:v62+s9+$0x0] =	vst.idx.msk $0xffff, v36  }
0x28e: {  	[tilespmem:v63+s9+$0x0] =	vst.idx.msk $0xffff, v35  }
0x28f: {  	s12 =	sadd.s32 $0x8, s12;
	v38 =	vadd.s32 v17, v7;
	[tilespmem:v3+s9+$0x0] =	vst.idx.msk $0xffff, v34  }
0x290: {  	_ =	sdelay $0x2  }
0x291: {  	s11 =	sor.u32 $0x10000, s6  }
0x292: {  	[tilespmem:v38+s9+$0x0] =	vst.idx.msk $0xffff, v33;
	s13 =	simm.s32 $0xC600;
	s12 =	sadd.s32 s2, s11  }
0x293: {  	[hbm4b:s12+s3] =	stream.linear.scatter [tilespmem:s13], [sflag:$0xB], $0x80, $0x38;
	[tilespmem:$0x10A00] =	vst v63  }
0x294: {  	s14 =	simm.s32 $0xC688;
	s13 =	sadd.s32 $0x10, s12  }
0x295: {  	[hbm4b:s13+s3] =	stream.linear.scatter [tilespmem:s14], [sflag:$0xB], $0x80, $0x38;
	[tilespmem:$0x10A00] =	vst v63  }
0x296: {  	s20 =	simm.s32 $0xC710;
	s22 =	sadd.s32 $0x20, s12  }
0x297: {  	[hbm4b:s22+s3] =	stream.linear.scatter [tilespmem:s20], [sflag:$0xB], $0x80, $0x38;
	[tilespmem:$0x10A00] =	vst v63  }
0x298: {  	s13 =	simm.s32 $0xC798;
	s14 =	sadd.s32 $0x30, s12  }
0x299: {  	[hbm4b:s14+s3] =	stream.linear.scatter [tilespmem:s13], [sflag:$0xB], $0x80, $0x38;
	[tilespmem:$0x10A00] =	vst v63  }
0x29a: {  	s20 =	simm.s32 $0xC820;
	s22 =	sadd.s32 $0x40, s12  }
0x29b: {  	[hbm4b:s22+s3] =	stream.linear.scatter [tilespmem:s20], [sflag:$0xB], $0x80, $0x38;
	[tilespmem:$0x10A00] =	vst v63  }
0x29c: {  	s11 =	simm.s32 $0x440;
	s13 =	simm.s32 $0xC8A8;
	s14 =	sadd.s32 $0x50, s12  }
0x29d: {  	[hbm4b:s14+s3] =	stream.linear.scatter [tilespmem:s13], [sflag:$0xB], $0x80, $0x38;
	[tilespmem:$0x10A00] =	vst v63  }
0x29e: {  	s20 =	simm.s32 $0xC930;
	s22 =	sadd.s32 $0x60, s12;
	s13 =	simm.s32 $0x2200  }
0x29f: {  	[hbm4b:s22+s3] =	stream.linear.scatter [tilespmem:s20], [sflag:$0xB], $0x80, $0x38;
	[tilespmem:$0x10A00] =	vst v63  }
0x2a0: {  	s14 =	simm.s32 $0xC9B8;
	s20 =	sadd.s32 $0x70, s12;
	s12 =	sadd.s32 $0x1000, s12  }
.LBB2_18:
0x2a1: {  	[hbm4b:s20+s3] =	stream.linear.scatter [tilespmem:s14], [sflag:$0xB], $0x80, $0x38;
	[tilespmem:$0x10A00] =	vst v63  }
0x2a2: {  	s14 =	smov.u32 s11;
	s11 =	smov.u32 s13  }
0x2a3: {  	s22 =	sadd.s32 $0x1100, s13;
	s11 =	sshra.s32 s11, $0x2;
	s20 =	sadd.s32 $0xC600, s14  }
0x2a4: {  	[hbm4b:s12+s3] =	stream.linear.scatter [tilespmem:s20], [sflag:$0xB], $0x80, $0x38;
	[tilespmem:$0x10A00] =	vst v63  }
0x2a5: {  	p1 =	sne.s32 s13, $0x7700;
	s13 =	sadd.s32 $0xC688, s14;
	s20 =	sadd.s32 $0x10, s12  }
0x2a6: {  	[hbm4b:s20+s3] =	stream.linear.scatter [tilespmem:s13], [sflag:$0xB], $0x80, $0x38;
	[tilespmem:$0x10A00] =	vst v63  }
0x2a7: {  	s13 =	sadd.s32 $0xC710, s14;
	s20 =	sadd.s32 $0x20, s12  }
0x2a8: {  	[hbm4b:s20+s3] =	stream.linear.scatter [tilespmem:s13], [sflag:$0xB], $0x80, $0x38;
	[tilespmem:$0x10A00] =	vst v63  }
0x2a9: {  	s13 =	sadd.s32 $0xC798, s14;
	s20 =	sadd.s32 $0x30, s12  }
0x2aa: {  	[hbm4b:s20+s3] =	stream.linear.scatter [tilespmem:s13], [sflag:$0xB], $0x80, $0x38;
	[tilespmem:$0x10A00] =	vst v63  }
0x2ab: {  	s13 =	sadd.s32 $0xC820, s14;
	s20 =	sadd.s32 $0x40, s12  }
0x2ac: {  	[hbm4b:s20+s3] =	stream.linear.scatter [tilespmem:s13], [sflag:$0xB], $0x80, $0x38;
	[tilespmem:$0x10A00] =	vst v63  }
.Ltmp10:
0x2ad: {  	s13 =	sadd.s32 $0xC8A8, s14;
	s20 =	sadd.s32 $0x50, s12;
	(pc) =	sbr.rel @p1 .LBB2_18-.Ltmp10, $4  }
0x2ae: {  	[hbm4b:s20+s3] =	stream.linear.scatter [tilespmem:s13], [sflag:$0xB], $0x80, $0x38;
	[tilespmem:$0x10A00] =	vst v63  }
0x2af: {  	s13 =	sadd.s32 $0xC930, s14;
	s20 =	sadd.s32 $0x60, s12;
	s14 =	sadd.s32 $0xC9B8, s14  }
0x2b0: {  	[hbm4b:s20+s3] =	stream.linear.scatter [tilespmem:s13], [sflag:$0xB], $0x80, $0x38;
	[tilespmem:$0x10A00] =	vst v63  }
0x2b1: {  	s20 =	sadd.s32 $0x70, s12;
	s12 =	sadd.s32 $0x1000, s12;
	s13 =	smov.u32 s22  }
0x2b2: {  	[hbm4b:s20+s3] =	stream.linear.scatter [tilespmem:s14], [sflag:$0xB], $0x80, $0x38;
	[tilespmem:$0x10A00] =	vst v63  }
0x2b3: {  	s13 =	sadd.s32 $0xC600, s11  }
0x2b4: {  	[hbm4b:s12+s3] =	stream.linear.scatter [tilespmem:s13], [sflag:$0xB], $0x80, $0x38;
	[tilespmem:$0x10A00] =	vst v63  }
0x2b5: {  	s20 =	sadd.s32 $0xC688, s11;
	s22 =	sadd.s32 $0x10, s12  }
0x2b6: {  	[hbm4b:s22+s3] =	stream.linear.scatter [tilespmem:s20], [sflag:$0xB], $0x80, $0x38;
	[tilespmem:$0x10A00] =	vst v63  }
0x2b7: {  	s20 =	sadd.s32 $0xC710, s11;
	s22 =	sadd.s32 $0x20, s12  }
0x2b8: {  	[hbm4b:s22+s3] =	stream.linear.scatter [tilespmem:s20], [sflag:$0xB], $0x80, $0x38;
	[tilespmem:$0x10A00] =	vst v63  }
0x2b9: {  	s20 =	sadd.s32 $0xC798, s11;
	s22 =	sadd.s32 $0x30, s12  }
0x2ba: {  	[hbm4b:s22+s3] =	stream.linear.scatter [tilespmem:s20], [sflag:$0xB], $0x80, $0x38;
	[tilespmem:$0x10A00] =	vst v63  }
0x2bb: {  	s20 =	sadd.s32 $0xC820, s11;
	s22 =	sadd.s32 $0x40, s12  }
0x2bc: {  	[hbm4b:s22+s3] =	stream.linear.scatter [tilespmem:s20], [sflag:$0xB], $0x80, $0x38;
	[tilespmem:$0x10A00] =	vst v63  }
0x2bd: {  	s20 =	sadd.s32 $0xC8A8, s11;
	s22 =	sadd.s32 $0x50, s12  }
0x2be: {  	[hbm4b:s22+s3] =	stream.linear.scatter [tilespmem:s20], [sflag:$0xB], $0x80, $0x38;
	[tilespmem:$0x10A00] =	vst v63  }
0x2bf: {  	s20 =	sadd.s32 $0xC930, s11;
	s22 =	sadd.s32 $0x60, s12  }
0x2c0: {  	[hbm4b:s22+s3] =	stream.linear.scatter [tilespmem:s20], [sflag:$0xB], $0x80, $0x38;
	[tilespmem:$0x10A00] =	vst v63  }
0x2c1: {  	s20 =	sadd.s32 $0xC9B8, s11;
	s22 =	sadd.s32 $0x70, s12;
	s11 =	simm.s32 @!p0 $0xC  }
0x2c2: {  	[hbm4b:s22+s3] =	stream.linear.scatter [tilespmem:s20], [sflag:$0xB], $0x80, $0x38;
	[tilespmem:$0x10A00] =	vst v63  }
0x2c3: {  	_ =	swait.ge @!p0 [sflag:s11], $0x2000  }
0x2c4: {  	[sflag:s11] =	ssyncset.done @!p0 $0x0  }
0x2c5: {  	v9 =	vld [tilespmem:$0x1FF80];
	[sflag:s11] =	ssyncadd.s32 @!p0 $0xFFFFE000;
	s11 =	simm.s32 $0x6300  }
0x2c6: {  	v33 =	vld [tilespmem:s11+$0xF0]  }
0x2c7: {  	v34 =	vld [tilespmem:s11+$0xE0]  }
0x2c8: {  	v35 =	vld [tilespmem:s11+$0xD0]  }
0x2c9: {  	v0 =	vld [tilespmem:s11+$0xC0]  }
0x2ca: {  	v2 =	vld [tilespmem:s11+$0xB0]  }
0x2cb: {  	v3 =	vld [tilespmem:s11+$0xA0]  }
0x2cc: {  	s13 =	simm.s32 $0x0;
	v4 =	vld [tilespmem:s11+$0x90]  }
0x2cd: {  	v47 =	vmov s13;
	v5 =	vld [tilespmem:s11+$0x80]  }
0x2ce: {  	v47 =	vshrl.u32 v47, $0x3;
	v6 =	vld [tilespmem:s11+$0x70]  }
0x2cf: {  	v47 =	vshll.u32 v47, v1;
	v7 =	vld [tilespmem:s11+$0x60]  }
0x2d0: {  	v47 =	vbroadcast v47, $0x0;
	v8 =	vld [tilespmem:s11+$0x50]  }
0x2d1: {  	v36 =	vld [tilespmem:s11+$0x40]  }
0x2d2: {  	v55 =	vadd.s32 v9, v47;
	v9 =	vld [tilespmem:$0x1FE10]  }
0x2d3: {  	v37 =	vld [tilespmem:s11+$0x30]  }
0x2d4: {  	v38 =	vld [tilespmem:s11+$0x20]  }
0x2d5: {  	v39 =	vld [tilespmem:s11+$0x10]  }
0x2d6: {  	v40 =	vld [tilespmem:s11+$0x0]  }
0x2d7: {  	v57 =	vadd.s32 v9, v47;
	v9 =	vld [tilespmem:$0x1FE20]  }
0x2d8: {  	v41 =	vld [tilespmem:s11+$0xFFFFFFF0]  }
0x2d9: {  	v42 =	vld [tilespmem:s11+$0xFFFFFFE0]  }
0x2da: {  	v43 =	vld [tilespmem:s11+$0xFFFFFFD0]  }
0x2db: {  	v44 =	vld [tilespmem:s11+$0xFFFFFFC0]  }
0x2dc: {  	v59 =	vadd.s32 v9, v47;
	v9 =	vld [tilespmem:$0x1FE30]  }
0x2dd: {  	v45 =	vld [tilespmem:s11+$0xFFFFFFB0]  }
0x2de: {  	v46 =	vld [tilespmem:s11+$0xFFFFFFA0]  }
0x2df: {  	v48 =	vld [tilespmem:s11+$0xFFFFFF90]  }
0x2e0: {  	s14 =	simm.s32 $0x1;
	v49 =	vld [tilespmem:s11+$0xFFFFFF80]  }
0x2e1: {  	v52 =	vmov s14;
	v47 =	vadd.s32 v9, v47;
	v9 =	vld [tilespmem:$0x1FE40]  }
0x2e2: {  	v52 =	vshrl.u32 v52, $0x3;
	v50 =	vld [tilespmem:s11+$0xFFFFFF70]  }
0x2e3: {  	v52 =	vshll.u32 v52, v1;
	v51 =	vld [tilespmem:s11+$0xFFFFFF60]  }
0x2e4: {  	v52 =	vbroadcast v52, $0x0;
	v53 =	vld [tilespmem:s11+$0xFFFFFF50]  }
0x2e5: {  	v54 =	vld [tilespmem:s11+$0xFFFFFF00]  }
0x2e6: {  	v63 =	vadd.s32 v9, v52;
	v9 =	vld [tilespmem:$0x1FE50]  }
0x2e7: {  	v56 =	vld [tilespmem:s11+$0xFFFFFF10]  }
0x2e8: {  	v58 =	vld [tilespmem:s11+$0xFFFFFF20]  }
0x2e9: {  	v61 =	vld [tilespmem:s11+$0xFFFFFF30]  }
0x2ea: {  	v62 =	vld [tilespmem:s11+$0xFFFFFF40]  }
0x2eb: {  	[tilespmem:v55+s10+$0x0] =	vst.idx.msk $0xffff, v54;
	v54 =	vadd.s32 v9, v52;
	v9 =	vld [tilespmem:$0x1FE60];
	_ =	sdelay $0x4  }
0x2ec: {  	s20 =	simm.s32 $0x2;
	[tilespmem:v57+s10+$0x0] =	vst.idx.msk $0xffff, v56;
	v56 =	vadd.s32 v9, v52;
	v9 =	vld [tilespmem:$0x1FE70]  }
0x2ed: {  	v60 =	vmov s20;
	v18 =	vld [tilespmem:$0x1FE80]  }
0x2ee: {  	v60 =	vshrl.u32 v60, $0x3;
	v19 =	vld [tilespmem:$0x1FE90]  }
0x2ef: {  	v20 =	vld [tilespmem:$0x1FEA0];
	v60 =	vshll.u32 v60, v1  }
0x2f0: {  	s22 =	simm.s32 $0x3;
	v21 =	vld [tilespmem:$0x1FEB0];
	v55 =	vbroadcast v60, $0x0  }
0x2f1: {  	v32 =	vmov s22;
	v22 =	vld [tilespmem:$0x1FEC0];
	[tilespmem:v59+s10+$0x0] =	vst.idx.msk $0xffff, v58;
	v52 =	vadd.s32 v9, v52  }
0x2f2: {  	v23 =	vld [tilespmem:$0x1FED0];
	v57 =	vshrl.u32 v32, $0x3;
	[tilespmem:v47+s10+$0x0] =	vst.idx.msk $0xffff, v61;
	v47 =	vadd.s32 v18, v55  }
0x2f3: {  	v24 =	vld [tilespmem:$0x1FEE0];
	v60 =	vadd.s32 v19, v55;
	v57 =	vshll.u32 v57, v1;
	[tilespmem:v63+s10+$0x0] =	vst.idx.msk $0xffff, v62  }
0x2f4: {  	s13 =	simm.s32 $0x4;
	v25 =	vld [tilespmem:$0x1FEF0];
	v61 =	vadd.s32 v20, v55;
	v62 =	vbroadcast v57, $0x0;
	[tilespmem:v54+s10+$0x0] =	vst.idx.msk $0xffff, v53  }
0x2f5: {  	v26 =	vld [tilespmem:$0x1FF00];
	v55 =	vadd.s32 v21, v55;
	v63 =	vmov s13;
	[tilespmem:v56+s10+$0x0] =	vst.idx.msk $0xffff, v51  }
0x2f6: {  	v27 =	vld [tilespmem:$0x1FF10];
	v32 =	vadd.s32 v22, v62;
	v51 =	vshrl.u32 v63, $0x3;
	[tilespmem:v52+s10+$0x0] =	vst.idx.msk $0xffff, v50  }
0x2f7: {  	v28 =	vld [tilespmem:$0x1FF20];
	v56 =	vadd.s32 v23, v62;
	v57 =	vshll.u32 v51, v1;
	[tilespmem:v47+s10+$0x0] =	vst.idx.msk $0xffff, v49  }
0x2f8: {  	s14 =	simm.s32 $0x5;
	v29 =	vld [tilespmem:$0x1FF30];
	v58 =	vadd.s32 v24, v62;
	v49 =	vbroadcast v57, $0x0;
	[tilespmem:v60+s10+$0x0] =	vst.idx.msk $0xffff, v48  }
0x2f9: {  	v30 =	vld [tilespmem:$0x1FF40];
	v59 =	vmov s14;
	v60 =	vadd.s32 v25, v62;
	[tilespmem:v61+s10+$0x0] =	vst.idx.msk $0xffff, v46  }
0x2fa: {  	v31 =	vld [tilespmem:$0x1FF50];
	v61 =	vadd.s32 v26, v49;
	v46 =	vshrl.u32 v59, $0x3;
	[tilespmem:v55+s10+$0x0] =	vst.idx.msk $0xffff, v45  }
0x2fb: {  	v62 =	vadd.s32 v27, v49;
	v46 =	vshll.u32 v46, v1;
	[tilespmem:v32+s10+$0x0] =	vst.idx.msk $0xffff, v44;
	v32 =	vld [tilespmem:$0x1FF60]  }
0x2fc: {  	s20 =	simm.s32 $0x6;
	v10 =	vld [tilespmem:$0x1FF70];
	v63 =	vadd.s32 v28, v49;
	v46 =	vbroadcast v46, $0x0;
	[tilespmem:v56+s10+$0x0] =	vst.idx.msk $0xffff, v43  }
0x2fd: {  	v9 =	vld [tilespmem:$0x1FF90];
	v50 =	vmov s20;
	v52 =	vadd.s32 v29, v49;
	[tilespmem:v58+s10+$0x0] =	vst.idx.msk $0xffff, v42  }
0x2fe: {  	v11 =	vld [tilespmem:$0x1FFA0];
	v53 =	vadd.s32 v30, v46;
	v42 =	vshrl.u32 v50, $0x3;
	[tilespmem:v60+s10+$0x0] =	vst.idx.msk $0xffff, v41  }
0x2ff: {  	v12 =	vld [tilespmem:$0x1FFB0];
	v54 =	vadd.s32 v31, v46;
	v42 =	vshll.u32 v42, v1;
	[tilespmem:v61+s10+$0x0] =	vst.idx.msk $0xffff, v40  }
0x300: {  	s22 =	simm.s32 $0x7;
	v13 =	vld [tilespmem:$0x1FFC0];
	v42 =	vbroadcast v42, $0x0;
	[tilespmem:v62+s10+$0x0] =	vst.idx.msk $0xffff, v39;
	v55 =	vadd.s32 v32, v46  }
0x301: {  	v14 =	vld [tilespmem:$0x1FFD0];
	v56 =	vmov s22;
	v57 =	vadd.s32 v10, v46;
	[tilespmem:v63+s10+$0x0] =	vst.idx.msk $0xffff, v38  }
0x302: {  	v15 =	vld [tilespmem:$0x1FFE0];
	v58 =	vadd.s32 v9, v42;
	v38 =	vshrl.u32 v56, $0x3;
	[tilespmem:v52+s10+$0x0] =	vst.idx.msk $0xffff, v37  }
0x303: {  	v16 =	vld [tilespmem:$0x1FFF0];
	v59 =	vadd.s32 v11, v42;
	v38 =	vshll.u32 v38, v1;
	[tilespmem:v53+s10+$0x0] =	vst.idx.msk $0xffff, v36  }
0x304: {  	v38 =	vbroadcast v38, $0x0;
	[tilespmem:v54+s10+$0x0] =	vst.idx.msk $0xffff, v8;
	v8 =	vadd.s32 v12, v42  }
0x305: {  	v60 =	vadd.s32 v13, v42;
	[tilespmem:v55+s10+$0x0] =	vst.idx.msk $0xffff, v7  }
0x306: {  	v61 =	vadd.s32 v14, v38;
	[tilespmem:v57+s10+$0x0] =	vst.idx.msk $0xffff, v6  }
0x307: {  	v62 =	vadd.s32 v15, v38;
	[tilespmem:v58+s10+$0x0] =	vst.idx.msk $0xffff, v5  }
0x308: {  	v63 =	vadd.s32 v16, v38;
	[tilespmem:v59+s10+$0x0] =	vst.idx.msk $0xffff, v4  }
0x309: {  	[tilespmem:v8+s10+$0x0] =	vst.idx.msk $0xffff, v3  }
0x30a: {  	[tilespmem:v60+s10+$0x0] =	vst.idx.msk $0xffff, v2  }
0x30b: {  	[tilespmem:v61+s10+$0x0] =	vst.idx.msk $0xffff, v0  }
0x30c: {  	[tilespmem:v62+s10+$0x0] =	vst.idx.msk $0xffff, v35  }
0x30d: {  	s12 =	simm.s32 $0xF;
	v38 =	vadd.s32 v17, v38;
	[tilespmem:v63+s10+$0x0] =	vst.idx.msk $0xffff, v34  }
.LBB2_20:
0x30e: {  	_ = 	snop  }
0x30f: {  	v55 =	vld [tilespmem:$0x1FF80]  }
0x310: {  	v57 =	vld [tilespmem:$0x1FE10]  }
0x311: {  	v59 =	vld [tilespmem:$0x1FE20]  }
0x312: {  	[tilespmem:v38+s10+$0x0] =	vst.idx.msk $0xffff, v33;
	s11 =	sadd.s32 $0x200, s11;
	v62 =	vld [tilespmem:$0x1FE30]  }
0x313: {  	v33 =	vld [tilespmem:s11+$0xF0]  }
0x314: {  	v34 =	vld [tilespmem:s11+$0xE0]  }
0x315: {  	v35 =	vld [tilespmem:s11+$0xD0]  }
0x316: {  	v36 =	vld [tilespmem:s11+$0xC0]  }
0x317: {  	v37 =	vld [tilespmem:s11+$0xB0]  }
0x318: {  	v38 =	vld [tilespmem:s11+$0xA0]  }
0x319: {  	v39 =	vld [tilespmem:s11+$0x90]  }
0x31a: {  	v40 =	vld [tilespmem:s11+$0x80]  }
0x31b: {  	v41 =	vld [tilespmem:s11+$0x70]  }
0x31c: {  	v42 =	vld [tilespmem:s11+$0x60]  }
0x31d: {  	v43 =	vld [tilespmem:s11+$0x50]  }
0x31e: {  	v44 =	vld [tilespmem:s11+$0x40]  }
0x31f: {  	v45 =	vld [tilespmem:s11+$0x30]  }
0x320: {  	v46 =	vld [tilespmem:s11+$0x20]  }
0x321: {  	v0 =	vld [tilespmem:s11+$0x10]  }
0x322: {  	v2 =	vld [tilespmem:s11+$0x0]  }
0x323: {  	v3 =	vld [tilespmem:s11+$0xFFFFFFF0]  }
0x324: {  	v4 =	vld [tilespmem:s11+$0xFFFFFFE0]  }
0x325: {  	v5 =	vld [tilespmem:s11+$0xFFFFFFD0]  }
0x326: {  	v6 =	vld [tilespmem:s11+$0xFFFFFFC0]  }
0x327: {  	s13 =	smov.u32 s12;
	v7 =	vld [tilespmem:s11+$0xFFFFFFB0]  }
0x328: {  	s14 =	sadd.s32 $0xFFFFFFF9, s13;
	v8 =	vld [tilespmem:s11+$0xFFFFFFA0]  }
0x329: {  	v48 =	vld [tilespmem:s11+$0xFFFFFF90];
	v47 =	vmov s14  }
0x32a: {  	v49 =	vld [tilespmem:s11+$0xFFFFFF80];
	v47 =	vshrl.u32 v47, $0x3  }
0x32b: {  	v50 =	vld [tilespmem:s11+$0xFFFFFF70];
	v47 =	vshll.u32 v47, v1  }
0x32c: {  	v51 =	vld [tilespmem:s11+$0xFFFFFF60];
	v47 =	vbroadcast v47, $0x0  }
0x32d: {  	v53 =	vld [tilespmem:s11+$0xFFFFFF50]  }
0x32e: {  	v54 =	vld [tilespmem:s11+$0xFFFFFF00];
	v55 =	vadd.s32 v55, v47  }
0x32f: {  	v56 =	vld [tilespmem:s11+$0xFFFFFF10];
	s22 =	sadd.s32 $0xFFFFFFFB, s13  }
0x330: {  	v58 =	vld [tilespmem:s11+$0xFFFFFF20];
	v60 =	vmov s22  }
0x331: {  	v61 =	vld [tilespmem:s11+$0xFFFFFF30];
	v60 =	vshrl.u32 v60, $0x3  }
0x332: {  	s20 =	sadd.s32 $0xFFFFFFFA, s13;
	v57 =	vadd.s32 v57, v47;
	v59 =	vadd.s32 v59, v47;
	v47 =	vadd.s32 v62, v47;
	v62 =	vld [tilespmem:s11+$0xFFFFFF40]  }
0x333: {  	v52 =	vmov s20;
	[tilespmem:v55+s10+$0x0] =	vst.idx.msk $0xffff, v54;
	v55 =	vshll.u32 v60, v1;
	v60 =	vld [tilespmem:$0x1FE60]  }
0x334: {  	v52 =	vshrl.u32 v52, $0x3  }
0x335: {  	v63 =	vld [tilespmem:$0x1FE40];
	v52 =	vshll.u32 v52, v1  }
0x336: {  	v52 =	vbroadcast v52, $0x0;
	v54 =	vld [tilespmem:$0x1FE50];
	_ =	sdelay $0x1  }
0x337: {  	[tilespmem:v57+s10+$0x0] =	vst.idx.msk $0xffff, v56;
	v56 =	vadd.s32 v60, v52;
	v60 =	vld [tilespmem:$0x1FE70];
	_ =	sdelay $0x1  }
0x338: {  	v63 =	vadd.s32 v63, v52  }
0x339: {  	v54 =	vadd.s32 v54, v52  }
0x33a: {  	s20 =	sadd.s32 $0xFFFFFFFC, s13;
	v55 =	vbroadcast v55, $0x0  }
0x33b: {  	v57 =	vmov s20;
	[tilespmem:v59+s10+$0x0] =	vst.idx.msk $0xffff, v58;
	v52 =	vadd.s32 v60, v52  }
0x33c: {  	v57 =	vshrl.u32 v57, $0x3;
	[tilespmem:v47+s10+$0x0] =	vst.idx.msk $0xffff, v61;
	v47 =	vadd.s32 v18, v55  }
0x33d: {  	v57 =	vshll.u32 v57, v1;
	[tilespmem:v63+s10+$0x0] =	vst.idx.msk $0xffff, v62;
	v60 =	vadd.s32 v19, v55  }
0x33e: {  	s22 =	sadd.s32 $0xFFFFFFFD, s13;
	[tilespmem:v54+s10+$0x0] =	vst.idx.msk $0xffff, v53;
	v53 =	vadd.s32 v20, v55;
	v54 =	vbroadcast v57, $0x0  }
0x33f: {  	v61 =	vmov s22;
	v62 =	vadd.s32 v21, v55;
	[tilespmem:v56+s10+$0x0] =	vst.idx.msk $0xffff, v51  }
0x340: {  	v63 =	vshrl.u32 v61, $0x3;
	[tilespmem:v52+s10+$0x0] =	vst.idx.msk $0xffff, v50;
	v50 =	vadd.s32 v22, v54  }
0x341: {  	v57 =	vshll.u32 v63, v1;
	v56 =	vadd.s32 v23, v54;
	[tilespmem:v47+s10+$0x0] =	vst.idx.msk $0xffff, v49  }
0x342: {  	s20 =	sadd.s32 $0xFFFFFFFE, s13;
	v59 =	vadd.s32 v24, v54;
	v49 =	vbroadcast v57, $0x0;
	[tilespmem:v60+s10+$0x0] =	vst.idx.msk $0xffff, v48  }
0x343: {  	v60 =	vmov s20;
	[tilespmem:v53+s10+$0x0] =	vst.idx.msk $0xffff, v8;
	v8 =	vadd.s32 v25, v54  }
0x344: {  	v61 =	vadd.s32 v26, v49;
	[tilespmem:v62+s10+$0x0] =	vst.idx.msk $0xffff, v7;
	v62 =	vshrl.u32 v60, $0x3  }
0x345: {  	v63 =	vadd.s32 v27, v49;
	[tilespmem:v50+s10+$0x0] =	vst.idx.msk $0xffff, v6;
	v52 =	vshll.u32 v62, v1  }
0x346: {  	s22 =	sadd.s32 $0xFFFFFFFF, s13;
	v53 =	vadd.s32 v28, v49;
	[tilespmem:v56+s10+$0x0] =	vst.idx.msk $0xffff, v5;
	v54 =	vbroadcast v52, $0x0  }
0x347: {  	v55 =	vmov s22;
	v56 =	vadd.s32 v29, v49;
	[tilespmem:v59+s10+$0x0] =	vst.idx.msk $0xffff, v4  }
0x348: {  	[tilespmem:v8+s10+$0x0] =	vst.idx.msk $0xffff, v3;
	v3 =	vadd.s32 v30, v54;
	v8 =	vshrl.u32 v55, $0x3  }
0x349: {  	[tilespmem:v61+s10+$0x0] =	vst.idx.msk $0xffff, v2;
	v2 =	vadd.s32 v31, v54;
	v57 =	vshll.u32 v8, v1  }
0x34a: {  	[tilespmem:v63+s10+$0x0] =	vst.idx.msk $0xffff, v0;
	v0 =	vadd.s32 v32, v54;
	v58 =	vbroadcast v57, $0x0  }
0x34b: {  	v59 =	vmov s13;
	v60 =	vadd.s32 v10, v54;
	[tilespmem:v53+s10+$0x0] =	vst.idx.msk $0xffff, v46  }
0x34c: {  	v7 =	vshrl.u32 v59, $0x3;
	[tilespmem:v56+s10+$0x0] =	vst.idx.msk $0xffff, v45;
	v61 =	vadd.s32 v9, v58  }
0x34d: {  	v7 =	vshll.u32 v7, v1;
	[tilespmem:v3+s10+$0x0] =	vst.idx.msk $0xffff, v44;
	v3 =	vadd.s32 v11, v58  }
0x34e: {  	v7 =	vbroadcast v7, $0x0;
	[tilespmem:v2+s10+$0x0] =	vst.idx.msk $0xffff, v43;
	v2 =	vadd.s32 v12, v58  }
0x34f: {  	[tilespmem:v0+s10+$0x0] =	vst.idx.msk $0xffff, v42;
	v0 =	vadd.s32 v13, v58  }
0x350: {  	v62 =	vadd.s32 v14, v7;
	[tilespmem:v60+s10+$0x0] =	vst.idx.msk $0xffff, v41  }
0x351: {  	v63 =	vadd.s32 v15, v7;
	[tilespmem:v61+s10+$0x0] =	vst.idx.msk $0xffff, v40  }
0x352: {  	p0 =	sne.s32 s12, $0x7F;
	[tilespmem:v3+s10+$0x0] =	vst.idx.msk $0xffff, v39;
	v3 =	vadd.s32 v16, v7  }
.Ltmp11:
0x353: {  	[tilespmem:v2+s10+$0x0] =	vst.idx.msk $0xffff, v38;
	(pc) =	sbr.rel @p0 .LBB2_20-.Ltmp11, $4  }
0x354: {  	[tilespmem:v0+s10+$0x0] =	vst.idx.msk $0xffff, v37  }
0x355: {  	[tilespmem:v62+s10+$0x0] =	vst.idx.msk $0xffff, v36  }
0x356: {  	[tilespmem:v63+s10+$0x0] =	vst.idx.msk $0xffff, v35  }
0x357: {  	s12 =	sadd.s32 $0x8, s12;
	v38 =	vadd.s32 v17, v7;
	[tilespmem:v3+s10+$0x0] =	vst.idx.msk $0xffff, v34  }
0x358: {  	_ =	sdelay $0x2  }
0x359: {  	s6 =	sor.u32 $0x18000, s6  }
0x35a: {  	[tilespmem:v38+s10+$0x0] =	vst.idx.msk $0xffff, v33;
	s13 =	simm.s32 $0xE800;
	s11 =	sadd.s32 s2, s6  }
0x35b: {  	[hbm4b:s11+s3] =	stream.linear.scatter [tilespmem:s13], [sflag:$0xC], $0x80, $0x38;
	[tilespmem:$0x10A00] =	vst v63  }
0x35c: {  	s14 =	simm.s32 $0xE888;
	s12 =	sadd.s32 $0x10, s11  }
0x35d: {  	[hbm4b:s12+s3] =	stream.linear.scatter [tilespmem:s14], [sflag:$0xC], $0x80, $0x38;
	[tilespmem:$0x10A00] =	vst v63  }
0x35e: {  	s20 =	simm.s32 $0xE910;
	s6 =	simm.s32 $0x440;
	s22 =	sadd.s32 $0x20, s11  }
0x35f: {  	[hbm4b:s22+s3] =	stream.linear.scatter [tilespmem:s20], [sflag:$0xC], $0x80, $0x38;
	[tilespmem:$0x10A00] =	vst v63  }
0x360: {  	s13 =	simm.s32 $0xE998;
	s14 =	sadd.s32 $0x30, s11;
	s12 =	simm.s32 $0x2200  }
0x361: {  	[hbm4b:s14+s3] =	stream.linear.scatter [tilespmem:s13], [sflag:$0xC], $0x80, $0x38;
	[tilespmem:$0x10A00] =	vst v63  }
0x362: {  	s20 =	simm.s32 $0xEA20;
	s22 =	sadd.s32 $0x40, s11;
	s13 =	simm.s32 $0xEAA8  }
0x363: {  	[hbm4b:s22+s3] =	stream.linear.scatter [tilespmem:s20], [sflag:$0xC], $0x80, $0x38;
	[tilespmem:$0x10A00] =	vst v63  }
0x364: {  	s14 =	sadd.s32 $0x50, s11;
	s20 =	simm.s32 $0xEB30;
	s22 =	sadd.s32 $0x60, s11  }
0x365: {  	[hbm4b:s14+s3] =	stream.linear.scatter [tilespmem:s13], [sflag:$0xC], $0x80, $0x38;
	[tilespmem:$0x10A00] =	vst v63  }
0x366: {  	s13 =	simm.s32 $0xEBB8;
	s14 =	sadd.s32 $0x70, s11;
	s11 =	sadd.s32 $0x1000, s11  }
0x367: {  	v8 =	vmov v17;
	[hbm4b:s22+s3] =	stream.linear.scatter [tilespmem:s20], [sflag:$0xC], $0x80, $0x38;
	[tilespmem:$0x10A00] =	vst v63  }
.LBB2_22:
0x368: {  	[hbm4b:s14+s3] =	stream.linear.scatter [tilespmem:s13], [sflag:$0xC], $0x80, $0x38;
	[tilespmem:$0x10A00] =	vst v63  }
0x369: {  	s13 =	smov.u32 s6;
	s6 =	smov.u32 s12  }
0x36a: {  	s20 =	sadd.s32 $0x1100, s12;
	s6 =	sshra.s32 s6, $0x2;
	s14 =	sadd.s32 $0xE800, s13  }
0x36b: {  	[hbm4b:s11+s3] =	stream.linear.scatter [tilespmem:s14], [sflag:$0xC], $0x80, $0x38;
	[tilespmem:$0x10A00] =	vst v63  }
0x36c: {  	p0 =	sne.s32 s12, $0x7700;
	s12 =	sadd.s32 $0xE888, s13;
	s14 =	sadd.s32 $0x10, s11  }
0x36d: {  	[hbm4b:s14+s3] =	stream.linear.scatter [tilespmem:s12], [sflag:$0xC], $0x80, $0x38;
	[tilespmem:$0x10A00] =	vst v63  }
0x36e: {  	s12 =	sadd.s32 $0xE910, s13;
	s14 =	sadd.s32 $0x20, s11  }
0x36f: {  	[hbm4b:s14+s3] =	stream.linear.scatter [tilespmem:s12], [sflag:$0xC], $0x80, $0x38;
	[tilespmem:$0x10A00] =	vst v63  }
0x370: {  	s12 =	sadd.s32 $0xE998, s13;
	s14 =	sadd.s32 $0x30, s11  }
0x371: {  	[hbm4b:s14+s3] =	stream.linear.scatter [tilespmem:s12], [sflag:$0xC], $0x80, $0x38;
	[tilespmem:$0x10A00] =	vst v63  }
0x372: {  	s12 =	sadd.s32 $0xEA20, s13;
	s14 =	sadd.s32 $0x40, s11  }
0x373: {  	[hbm4b:s14+s3] =	stream.linear.scatter [tilespmem:s12], [sflag:$0xC], $0x80, $0x38;
	[tilespmem:$0x10A00] =	vst v63  }
.Ltmp12:
0x374: {  	s12 =	sadd.s32 $0xEAA8, s13;
	s14 =	sadd.s32 $0x50, s11;
	(pc) =	sbr.rel @p0 .LBB2_22-.Ltmp12, $4  }
0x375: {  	[hbm4b:s14+s3] =	stream.linear.scatter [tilespmem:s12], [sflag:$0xC], $0x80, $0x38;
	[tilespmem:$0x10A00] =	vst v63  }
0x376: {  	s12 =	sadd.s32 $0xEB30, s13;
	s14 =	sadd.s32 $0x60, s11;
	s13 =	sadd.s32 $0xEBB8, s13  }
0x377: {  	[hbm4b:s14+s3] =	stream.linear.scatter [tilespmem:s12], [sflag:$0xC], $0x80, $0x38;
	[tilespmem:$0x10A00] =	vst v63  }
0x378: {  	s14 =	sadd.s32 $0x70, s11;
	s11 =	sadd.s32 $0x1000, s11;
	s12 =	smov.u32 s20  }
0x379: {  	v0 =	vld [tilespmem:$0x1FF80]  }
0x37a: {  	v9 =	vld [tilespmem:$0x1FE10]  }
0x37b: {  	v11 =	vld [tilespmem:$0x1FE20]  }
0x37c: {  	v12 =	vld [tilespmem:$0x1FE30]  }
0x37d: {  	v13 =	vld [tilespmem:$0x1FE40]  }
0x37e: {  	v14 =	vld [tilespmem:$0x1FE50]  }
0x37f: {  	v15 =	vld [tilespmem:$0x1FE60]  }
0x380: {  	v16 =	vld [tilespmem:$0x1FE70]  }
0x381: {  	v17 =	vld [tilespmem:$0x1FE80]  }
0x382: {  	v18 =	vld [tilespmem:$0x1FE90]  }
0x383: {  	v19 =	vld [tilespmem:$0x1FEA0]  }
0x384: {  	v20 =	vld [tilespmem:$0x1FEB0]  }
0x385: {  	v21 =	vld [tilespmem:$0x1FEC0]  }
0x386: {  	[hbm4b:s14+s3] =	stream.linear.scatter [tilespmem:s13], [sflag:$0xC], $0x80, $0x38;
	v22 =	vld [tilespmem:$0x1FED0]  }
0x387: {  	s12 =	sadd.s32 $0xE800, s6;
	v23 =	vld [tilespmem:$0x1FEE0]  }
0x388: {  	v24 =	vld [tilespmem:$0x1FEF0];
	[hbm4b:s11+s3] =	stream.linear.scatter [tilespmem:s12], [sflag:$0xC], $0x80, $0x38  }
0x389: {  	s20 =	sadd.s32 $0xE888, s6;
	s22 =	sadd.s32 $0x10, s11;
	v25 =	vld [tilespmem:$0x1FF00]  }
0x38a: {  	v26 =	vld [tilespmem:$0x1FF10];
	[hbm4b:s22+s3] =	stream.linear.scatter [tilespmem:s20], [sflag:$0xC], $0x80, $0x38  }
0x38b: {  	s13 =	sadd.s32 $0xE910, s6;
	s14 =	sadd.s32 $0x20, s11;
	v27 =	vld [tilespmem:$0x1FF20]  }
0x38c: {  	v10 =	vld [tilespmem:$0x1FF30];
	[hbm4b:s14+s3] =	stream.linear.scatter [tilespmem:s13], [sflag:$0xC], $0x80, $0x38  }
0x38d: {  	v28 =	vld [tilespmem:$0x1FF40];
	s20 =	sadd.s32 $0xE998, s6;
	s22 =	sadd.s32 $0x30, s11  }
0x38e: {  	v29 =	vld [tilespmem:$0x1FF50];
	[hbm4b:s22+s3] =	stream.linear.scatter [tilespmem:s20], [sflag:$0xC], $0x80, $0x38  }
0x38f: {  	v30 =	vld [tilespmem:$0x1FF60];
	s13 =	sadd.s32 $0xEA20, s6;
	s14 =	sadd.s32 $0x40, s11  }
0x390: {  	v31 =	vld [tilespmem:$0x1FF70];
	[hbm4b:s14+s3] =	stream.linear.scatter [tilespmem:s13], [sflag:$0xC], $0x80, $0x38  }
0x391: {  	p0 =	seq.s32 s15, $0x31;
	v32 =	vld [tilespmem:$0x1FF90];
	s20 =	sadd.s32 $0xEAA8, s6;
	s22 =	sadd.s32 $0x50, s11  }
0x392: {  	v2 =	vld [tilespmem:$0x1FFA0];
	[hbm4b:s22+s3] =	stream.linear.scatter [tilespmem:s20], [sflag:$0xC], $0x80, $0x38  }
.Ltmp13:
0x393: {  	v3 =	vld [tilespmem:$0x1FFB0];
	(pc) =	sbr.rel @p0 .LBB2_25-.Ltmp13, $4  }
0x394: {  	v4 =	vld [tilespmem:$0x1FFC0];
	s13 =	sadd.s32 $0xEB30, s6;
	s14 =	sadd.s32 $0x60, s11  }
0x395: {  	v5 =	vld [tilespmem:$0x1FFD0];
	[hbm4b:s14+s3] =	stream.linear.scatter [tilespmem:s13], [sflag:$0xC], $0x80, $0x38  }
0x396: {  	v6 =	vld [tilespmem:$0x1FFE0];
	s20 =	sadd.s32 $0xEBB8, s6;
	s22 =	sadd.s32 $0x70, s11  }
0x397: {  	v7 =	vld [tilespmem:$0x1FFF0];
	[hbm4b:s22+s3] =	stream.linear.scatter [tilespmem:s20], [sflag:$0xC], $0x80, $0x38  }
0x398: {  	_ =	swait.ge [sflag:s19], $0x80  }
0x399: {  	[sflag:s19] =	ssyncset.done $0x0  }
0x39a: {  	s6 =	simm.s32 $0x200;
	[sflag:s19] =	ssyncadd.s32 $0xFFFFFF80  }
0x39b: {  	[tilespmem:s6], [sflag:$0x5] =	stream.indirect.gather [hbm4b:s5+s16], $0x40, s3, s16, $0xb8;
	[tilespmem:$0x10A00] =	vst v63  }
0x39c: {  	_ =	swait.ge [sflag:s21], $0x80  }
0x39d: {  	[sflag:s21] =	ssyncset.done $0x0  }
0x39e: {  	s22 =	simm.s32 $0x2200;
	[sflag:s21] =	ssyncadd.s32 $0xFFFFFF80  }
0x39f: {  	[tilespmem:s22], [sflag:$0x6] =	stream.indirect.gather [hbm4b:s5+s16], $0x40, s16, s16, $0xb8;
	[tilespmem:$0x10A00] =	vst v63  }
0x3a0: {  	_ =	swait.ge [sflag:s23], $0x80  }
0x3a1: {  	[sflag:s23] =	ssyncset.done $0x0  }
0x3a2: {  	[sflag:s23] =	ssyncadd.s32 $0xFFFFFF80  }
0x3a3: {  	[tilespmem:s24], [sflag:$0x7] =	stream.indirect.gather [hbm4b:s5+s16], $0x40, s17, s16, $0xb8;
	[tilespmem:$0x10A00] =	vst v63  }
.Ltmp14:
0x3a4: {  	_ = 	snop;
	(pc) =	sbr.rel .LBB2_2-.Ltmp14, $4  }
0x3a5: {  	_ =	swait.ge [sflag:s25], $0x80  }
0x3a6: {  	[sflag:s25] =	ssyncset.done $0x0  }
0x3a7: {  	s15 =	sadd.s32 $0x1, s15;
	[sflag:s25] =	ssyncadd.s32 $0xFFFFFF80  }
0x3a8: {  	[tilespmem:s26], [sflag:$0x8] =	stream.indirect.gather [hbm4b:s5+s16], $0x40, s18, s16, $0xb8;
	[tilespmem:$0x10A00] =	vst v63  }
.LBB2_27:
.Ltmp15:
0x3a9: {  	(pc) =	sbr.rel .LBB2_7-.Ltmp15, $2  }
0x3aa: {  	_ =	sdelay $0x2  }
0x3ab: {  	p0 =	por $0x1, $0x1  }
.LBB2_26:
0x3ac: {  	_ =	sfence.sel $0x180000  }
0x3ad: {  	[bflag:$0x0] =	sbarrier.arrive $0xFFFF  }
0x3ae: {  	_ =	strace $0x90000047  }
0x3af: {  	s0 =	stileid.u32;
	[bflag:$0x2] =	sbarrier.arrive $0xFFFF  }
0x3b0: {  	p0 =	sne.s32 s0, $0x0;
	s0 =	rddreg [dreg:$0x2]  }
0x3b1: {  	s0 =	sadd.s32 @!p0 $0x100000, s0  }
0x3b2: {  	[sflag:s0] =	ssyncadd.tile.s32 @!p0 $0x1;
	_ =	shalt  }
.Lfunc_end2:
_tile_overlayer_lowered:
.L_overlay_start_2:
0x3b3: {  	(tag) =	ssettag $0x2  }
0x3b4: {  	s0 =	rddreg [dreg:$0x0];
	s2 =	stileid.u32  }
0x3b5: {  	s1 =	rddreg [dreg:$0x1];
	p0 =	sne.s32 s2, $0x0  }
0x3b6: {  	s3 =	rddreg [dreg:$0x2];
	[bflag:$0x3] =	sbarrier.arrive $0xFFFF;
	s2 =	simm.s32 @!p0 $0x1C0D  }
0x3b7: {  	[timem:s3], [sflag:s2] =	dma.local @!p0 [hbm:s0], s1  }
0x3b8: {  	s0 =	simm.s32 @!p0 $0xD  }
0x3b9: {  	_ =	swait.ge @!p0 [sflag:s0], s1  }
0x3ba: {  	s1 =	ssub.s32 @!p0 $0x0, s1;
	[sflag:s0] =	ssyncset.done @!p0 $0x0  }
0x3bb: {  	[sflag:s0] =	ssyncadd.s32 @!p0 s1  }
0x3bc: {  	[bflag:$0x3] =	sbarrier.arrive $0xFFFF  }
0x3bd: {  	_ =	shalt  }

</sc_bundles>
